<compile_context>
chip_gen: v7x
topology: tpu7x:2x2x1
jax: 0.10.2.dev20260603
libtpu: 0.0.44.dev20260713+nightly
codegen_flags: <defaults>
</compile_context>

<pallas_src>
import jax
import jax.numpy as jnp
from jax import lax
from jax.experimental import pallas as pl
from jax.experimental.pallas import tpu as pltpu
from jax.experimental.pallas import tpu_sc as plsc

_VHS = 100
_NVT = 3
_W = 32
_BN = 512
_NTILES = 16
_NCORES = 2


_GI_DIMS = (((0,), (0,)), ((), ()))


def _sig(v):
    return 0.5 * jnp.tanh(0.5 * v) + 0.5


def _pre_body(xat_ref, a8_ref, bhh_ref, wgT_ref, bg_ref, wmT_ref, m0):
    gi = jax.lax.dot_general(xat_ref[...], a8_ref[...], _GI_DIMS,
                             preferred_element_type=jnp.float32)
    bhh = bhh_ref[...]
    r = _sig(gi[:, :128] + bhh[:, :128])
    z = _sig(gi[:, 128:256] + bhh[:, 128:256])
    n = jnp.tanh(gi[:, 256:] + r * bhh[:, 256:])
    h1 = (1.0 - z) * n
    g = _sig(jnp.dot(h1, wgT_ref[...], preferred_element_type=jnp.float32)
             + bg_ref[...])
    p = jnp.dot(h1, wmT_ref[...], preferred_element_type=jnp.float32)
    m0[...] = g * p


def _post_body(xat_ref, agg_ref, a8_ref, bhh_ref, whhT_ref, wpT_ref, bp_ref,
               out_ref):
    gi = jax.lax.dot_general(xat_ref[...], a8_ref[...], _GI_DIMS,
                             preferred_element_type=jnp.float32)
    agg128 = agg_ref[...]
    gh = jnp.dot(agg128, whhT_ref[...],
                 preferred_element_type=jnp.float32) + bhh_ref[...]
    r = _sig(gi[:, :128] + gh[:, :128])
    z = _sig(gi[:, 128:256] + gh[:, 128:256])
    n = jnp.tanh(gi[:, 256:] + r * gh[:, 256:])
    h2 = (1.0 - z) * n + z * agg128
    out_ref[...] = (jnp.dot(h2, wpT_ref[...],
                            preferred_element_type=jnp.float32)
                    + bp_ref[...])


def _make_sc_body(NP, E, EPT, BATCH):
    NBATCH = EPT // BATCH
    assert NBATCH % 2 == 1 and NBATCH >= 3
    K = (NBATCH - 1) // 2
    ZROWS = NP // _NTILES
    nz_full, nz_rem = divmod(ZROWS, BATCH)

    def body(edge_hbm, m_hbm, o_hbm,
             sv0, sv1, dv0, dv1, rw0, rw1, accum, *sems):
        c = lax.axis_index("c")
        s = lax.axis_index("s")
        base_z = s * ZROWS
        base_e = s * EPT
        SV = (sv0, sv1)
        DV = (dv0, dv1)
        RW = (rw0, rw1)
        IS = sems[0:2]
        ID = sems[2:4]
        GS = sems[4:6]
        SS = sems[6:8]

        def zero_buf(buf):
            def zstore(i, carry):
                z16 = jnp.zeros((16,), jnp.float32)
                buf[i, pl.ds(0, 16)] = z16
                buf[i, pl.ds(16, 16)] = z16
                return carry
            lax.fori_loop(0, BATCH, zstore, 0)

        def run_chunk(cid):
            zero_buf(rw0)
            zero_buf(rw1)
            for k in range(nz_full):
                pltpu.sync_copy(rw0,
                                accum.at[pl.ds(base_z + k * BATCH, BATCH)])
            if nz_rem:
                pltpu.sync_copy(
                    rw0.at[pl.ds(0, nz_rem)],
                    accum.at[pl.ds(base_z + nz_full * BATCH, nz_rem)])
            plsc.subcore_barrier()

            def idx_start(t, b):
                off = base_e + b * BATCH
                pltpu.async_copy(
                    edge_hbm.at[0, pl.ds(off, BATCH)], SV[t], IS[t])
                pltpu.async_copy(
                    edge_hbm.at[1, pl.ds(off, BATCH)], DV[t], ID[t])

            def idx_wait(t):
                pltpu.make_async_copy(
                    edge_hbm.at[0, pl.ds(base_e, BATCH)], SV[t], IS[t]).wait()
                pltpu.make_async_copy(
                    edge_hbm.at[1, pl.ds(base_e, BATCH)], DV[t], ID[t]).wait()
                def xform(i, carry):
                    v = SV[t][pl.ds(i * 16, 16)]
                    SV[t][pl.ds(i * 16, 16)] = v * 4 + cid
                    return carry
                lax.fori_loop(0, BATCH // 16, xform, 0)

            def gather_start(t):
                pltpu.async_copy(m_hbm.at[SV[t]], RW[t], GS[t])

            def gather_wait(t):
                pltpu.make_async_copy(m_hbm.at[SV[t]], RW[t], GS[t]).wait()

            def scatter_start(t):
                pltpu.async_copy(RW[t], accum.at[DV[t]], SS[t], add=True)

            def scatter_wait(t):
                pltpu.make_async_copy(RW[t], accum.at[DV[t]], SS[t]).wait()

            idx_start(0, 0)
            idx_wait(0)
            gather_start(0)
            scatter_start(1)

            def kbody(k, carry):
                b = 2 * k
                scatter_wait(1)
                idx_start(1, b + 1)
                gather_wait(0)
                scatter_start(0)
                idx_wait(1)
                gather_start(1)
                scatter_wait(0)
                idx_start(0, b + 2)
                gather_wait(1)
                scatter_start(1)
                idx_wait(0)
                gather_start(0)
                return carry
            lax.fori_loop(0, K, kbody, 0)
            scatter_wait(1)
            gather_wait(0)
            scatter_start(0)
            scatter_wait(0)

            plsc.subcore_barrier()
            pltpu.sync_copy(accum.at[pl.ds(base_z, ZROWS)],
                            o_hbm.at[pl.ds(base_z, ZROWS),
                                     pl.ds(cid * _W, _W)])
            plsc.subcore_barrier()

        def dzero(i, carry):
            dv1[pl.ds(i * 16, 16)] = jnp.zeros((16,), jnp.int32)
            return carry
        lax.fori_loop(0, BATCH // 16, dzero, 0)

        @pl.when(c == 0)
        def _():
            run_chunk(0)
            run_chunk(1)

        @pl.when(c == 1)
        def _():
            run_chunk(2)
            run_chunk(3)

    return body


def kernel(x, edge_index, W_ih, b_ih, W_hh, b_hh, Wg, bg, Wm, Wp, bp):
    N = x.shape[0]
    E = edge_index.shape[1]
    NP = -(-N // _BN) * _BN
    grid = NP // _BN
    EPT = E // _NTILES
    BATCH = 400
    while EPT % BATCH or (EPT // BATCH) % 2 == 0 or BATCH % 16:
        BATCH -= 16

    xa = jnp.concatenate([x, jnp.ones((N, 1), jnp.float32)], axis=1)
    xat = jnp.pad(xa.T, ((0, 4), (0, NP - N)))

    def _group384(w):
        return jnp.pad(w.reshape(w.shape[:-1] + (3, _VHS)),
                       [(0, 0)] * (w.ndim - 1) + [(0, 0), (0, 28)]
                       ).reshape(w.shape[:-1] + (384,))

    A8 = _group384(jnp.pad(
        jnp.concatenate([W_ih.T, b_ih[None, :]], axis=0),
        ((0, 4), (0, 0))))
    bhh2 = _group384(b_hh[None, :])
    wgT = jnp.pad(Wg.T, ((0, 28), (0, 28)))
    wmT = jnp.pad(Wm.T, ((0, 28), (0, 28)))
    bg2 = jnp.pad(bg, (0, 28))[None, :]

    m = pl.pallas_call(
        _pre_body,
        grid=(grid,),
        in_specs=[
            pl.BlockSpec((8, _BN), lambda i: (0, i)),
            pl.BlockSpec((8, 384), lambda i: (0, 0)),
            pl.BlockSpec((1, 384), lambda i: (0, 0)),
            pl.BlockSpec((128, 128), lambda i: (0, 0)),
            pl.BlockSpec((1, 128), lambda i: (0, 0)),
            pl.BlockSpec((128, 128), lambda i: (0, 0)),
        ],
        out_specs=pl.BlockSpec((_BN, 128), lambda i: (i, 0)),
        out_shape=jax.ShapeDtypeStruct((NP, 128), jnp.float32),
    )(xat, A8, bhh2, wgT, bg2, wmT)
    mview = jnp.reshape(m, (4 * NP, _W))

    mesh = plsc.VectorSubcoreMesh(core_axis_name="c", subcore_axis_name="s",
                                  num_cores=_NCORES, num_subcores=_NTILES)
    sc_fn = pl.kernel(
        _make_sc_body(NP, E, EPT, BATCH),
        out_type=jax.ShapeDtypeStruct((NP, 128), jnp.float32),
        mesh=mesh,
        compiler_params=pltpu.CompilerParams(use_tc_tiling_on_sc=False),
        scratch_types=(
            [pltpu.VMEM((BATCH,), jnp.int32)] * 4
            + [pltpu.VMEM((BATCH, _W), jnp.float32)] * 2
            + [pltpu.VMEM_SHARED((NP, _W), jnp.float32)]
            + [pltpu.SemaphoreType.DMA] * 8),
    )
    agg = sc_fn(edge_index, mview)

    whhT = _group384(jnp.pad(W_hh.T, ((0, 128 - _VHS), (0, 0))))
    wpT = jnp.pad(Wp.T, ((0, 128 - _VHS), (0, 0)))
    out = pl.pallas_call(
        _post_body,
        grid=(grid,),
        in_specs=[
            pl.BlockSpec((8, _BN), lambda i: (0, i)),
            pl.BlockSpec((_BN, 128), lambda i: (i, 0)),
            pl.BlockSpec((8, 384), lambda i: (0, 0)),
            pl.BlockSpec((1, 384), lambda i: (0, 0)),
            pl.BlockSpec((128, 384), lambda i: (0, 0)),
            pl.BlockSpec((128, _NVT), lambda i: (0, 0)),
            pl.BlockSpec((1, _NVT), lambda i: (0, 0)),
        ],
        out_specs=pl.BlockSpec((_BN, _NVT), lambda i: (i, 0)),
        out_shape=jax.ShapeDtypeStruct((N, _NVT), jnp.float32),
    )(xat, agg, A8, bhh2, whhT, wpT, bp[None, :])
    return out

# --- scband reference (transcript-rebuilt; emitter-appended) ---
"""Pipeline reference for scband-dgdagrnn-75428215653096 (READ-ONLY COPY).

The authoritative reference and input builder live on the scoring server;
editing this copy changes nothing except your own understanding.
"""

import jax, jax.numpy as jnp
import numpy as np

N = 50000
E = 800000
VHS = 100
NVT = 3
NROUNDS = 2


def setup_inputs(seed: int = 0) -> dict:
    key = jax.random.key(seed)
    ks = jax.random.split(key, 12)
    x = jax.random.normal(ks[0], (N, NVT), dtype=jnp.float32)
    edge_index = jax.random.randint(ks[1], (2, E), 0, N)
    s = 0.1
    # GRUCell (grue_forward): input size NVT, hidden size VHS
    W_ih = jax.random.normal(ks[2], (3 * VHS, NVT), dtype=jnp.float32) * s
    b_ih = jax.random.normal(ks[3], (3 * VHS,), dtype=jnp.float32) * s
    W_hh = jax.random.normal(ks[4], (3 * VHS, VHS), dtype=jnp.float32) * s
    b_hh = jax.random.normal(ks[5], (3 * VHS,), dtype=jnp.float32) * s
    # gate_forward: Linear(VHS, VHS) + Sigmoid
    Wg = jax.random.normal(ks[6], (VHS, VHS), dtype=jnp.float32) * s
    bg = jax.random.normal(ks[7], (VHS,), dtype=jnp.float32) * s
    # mapper_forward: Linear(VHS, VHS, bias=False)
    Wm = jax.random.normal(ks[8], (VHS, VHS), dtype=jnp.float32) * s
    # projector: Linear(VHS, NVT)
    Wp = jax.random.normal(ks[9], (NVT, VHS), dtype=jnp.float32) * s
    bp = jax.random.normal(ks[10], (NVT,), dtype=jnp.float32) * s
    return {"x": x, "edge_index": edge_index, "W_ih": W_ih, "b_ih": b_ih,
            "W_hh": W_hh, "b_hh": b_hh, "Wg": Wg, "bg": bg, "Wm": Wm,
            "Wp": Wp, "bp": bp}


def _gru_cell(x, h, W_ih, b_ih, W_hh, b_hh):
    # Faithful torch.nn.GRUCell math
    gi = x @ W_ih.T + b_ih
    gh = h @ W_hh.T + b_hh
    i_r, i_z, i_n = jnp.split(gi, 3, axis=1)
    h_r, h_z, h_n = jnp.split(gh, 3, axis=1)
    r = jax.nn.sigmoid(i_r + h_r)
    z = jax.nn.sigmoid(i_z + h_z)
    n = jnp.tanh(i_n + r * h_n)
    return (1.0 - z) * n + z * h


def reference(x, edge_index, W_ih, b_ih, W_hh, b_hh, Wg, bg, Wm, Wp, bp):
    # Vectorized DAG-GRNN forward propagation (DGDAGRNN.encode forward direction):
    # for each round, every node aggregates gated+mapped predecessor hidden states
    # (gate_forward(h) * mapper_forward(h), summed over incoming edges), then
    # updates its hidden state with the forward GRU cell on the node features.
    src = edge_index[0]
    dst = edge_index[1]
    n_nodes = x.shape[0]
    H = jnp.zeros((n_nodes, VHS), dtype=x.dtype)
    for _ in range(NROUNDS):
        hs = jnp.take(H, src, axis=0)                  # gather predecessor states
        gate = jax.nn.sigmoid(hs @ Wg.T + bg)          # gate_forward
        mapped = hs @ Wm.T                             # mapper_forward (no bias)
        msg = gate * mapped                            # _gated
        agg = jax.ops.segment_sum(msg, dst, num_segments=n_nodes)  # scatter-add
        H = _gru_cell(x, agg, W_ih, b_ih, W_hh, b_hh)  # grue_forward
    out = H @ Wp.T + bp                                # projector
    return out

if __name__ == "__main__":
    import jax
    _d = setup_inputs()
    print(jax.jit(kernel)(*tuple(_d.values())))

</pallas_src>

<mosaic_0001>
#map = affine_map<(d0, d1) -> (0, 0)>
module attributes {stable_mosaic.version = 14 : i64} {
  func.func @body(%arg0: i32, %arg1: i32, %arg2: memref<2x800000xi32, #tpu.memory_space<hbm>>, %arg3: memref<200704x32xf32, #tpu.memory_space<hbm>>, %arg4: memref<50176x128xf32, #tpu.memory_space<hbm>>, %arg5: memref<400xi32, #tpu.memory_space<vmem>>, %arg6: memref<400xi32, #tpu.memory_space<vmem>>, %arg7: memref<400xi32, #tpu.memory_space<vmem>>, %arg8: memref<400xi32, #tpu.memory_space<vmem>>, %arg9: memref<400x32xf32, #tpu.memory_space<vmem>>, %arg10: memref<400x32xf32, #tpu.memory_space<vmem>>, %arg11: memref<50176x32xf32, #tpu.memory_space<vmem_shared>>, %arg12: memref<!tpu.dma_semaphore, #tpu.memory_space<semaphore_mem>>, %arg13: memref<!tpu.dma_semaphore, #tpu.memory_space<semaphore_mem>>, %arg14: memref<!tpu.dma_semaphore, #tpu.memory_space<semaphore_mem>>, %arg15: memref<!tpu.dma_semaphore, #tpu.memory_space<semaphore_mem>>, %arg16: memref<!tpu.dma_semaphore, #tpu.memory_space<semaphore_mem>>, %arg17: memref<!tpu.dma_semaphore, #tpu.memory_space<semaphore_mem>>, %arg18: memref<!tpu.dma_semaphore, #tpu.memory_space<semaphore_mem>>, %arg19: memref<!tpu.dma_semaphore, #tpu.memory_space<semaphore_mem>>) attributes {dimension_semantics = [#tpu.dimension_semantics<core_parallel>, #tpu.dimension_semantics<subcore_parallel>], iteration_bounds = array<i64: 2, 16>, scalar_prefetch = 0 : i64, scratch_operands = 15 : i64, tpu.core_type = #tpu.core_type<sc_vector_subcore>, window_params = [{transform_indices = #map}, {transform_indices = #map}, {transform_indices = #map}]} {
    %mul3A = arith.constant 3136 : i32
    %mul3A_0 = arith.muli %arg1, %mul3A : i32
    %mul3A_1 = arith.constant 50000 : i32
    %mul3A_2 = arith.muli %arg1, %mul3A_1 : i32
    %scan3A = arith.constant 0 : i32
    %scan3A_3 = arith.constant 0 : i32
    %scan3A_4 = arith.constant 25 : i32
    %scan3A_5 = arith.addi %scan3A_3, %scan3A_4 : i32
    %scan3A_6 = arith.constant 1 : i32
    scf.for %scan3A_15 = %scan3A_3 to %scan3A_5 step %scan3A_6  : i32 {
      %broadcast_in_dim3A = arith.constant 0 : i32
      %broadcast_in_dim3A_16 = vector.broadcast %broadcast_in_dim3A : i32 to vector<16xi32>
      %mul3A_17 = arith.constant 16 : i32
      %mul3A_18 = arith.muli %scan3A_15, %mul3A_17 : i32
      %swap3A = arith.index_cast %mul3A_18 : i32 to index
      %swap3A_19 = tpu.vector_load %arg8[%swap3A] {strides = array<i32>} : memref<400xi32, #tpu.memory_space<vmem>>, vector<16xi32>,
      %swap3A_20 = vector.shape_cast %swap3A_19 : vector<16xi32> to vector<16xi32>
      %swap3A_21 = vector.shape_cast %broadcast_in_dim3A_16 : vector<16xi32> to vector<16xi32>
      tpu.vector_store %arg8[%swap3A], %swap3A_21 {strides = array<i32>} : memref<400xi32, #tpu.memory_space<vmem>>, vector<16xi32>,
    }
    %scan3A_7 = arith.constant 25 : i32
    %eq3A = arith.constant 0 : i32
    %eq3A_8 = arith.cmpi eq, %arg0, %eq3A : i32
    %convert_element_type3A = arith.extui %eq3A_8 : i1 to i32
    %cond3A = arith.constant 0 : i32
    %cond3A_9 = arith.cmpi ne, %convert_element_type3A, %cond3A : i32
    scf.if %cond3A_9 {
      %scan3A_15 = arith.constant 0 : i32
      %scan3A_16 = arith.constant 0 : i32
      %scan3A_17 = arith.constant 400 : i32
      %scan3A_18 = arith.addi %scan3A_16, %scan3A_17 : i32
      %scan3A_19 = arith.constant 1 : i32
      scf.for %scan3A_177 = %scan3A_16 to %scan3A_18 step %scan3A_19  : i32 {
        %broadcast_in_dim3A = arith.constant 0.000000e+00 : f32
        %broadcast_in_dim3A_178 = vector.broadcast %broadcast_in_dim3A : f32 to vector<16xf32>
        %swap3A = arith.index_cast %scan3A_177 : i32 to index
        %swap3A_179 = arith.constant 0 : index
        %swap3A_180 = tpu.vector_load %arg9[%swap3A, %swap3A_179] {strides = array<i32>} : memref<400x32xf32, #tpu.memory_space<vmem>>, vector<1x16xf32>,
        %swap3A_181 = vector.shape_cast %swap3A_180 : vector<1x16xf32> to vector<16xf32>
        %swap3A_182 = vector.shape_cast %broadcast_in_dim3A_178 : vector<16xf32> to vector<1x16xf32>
        tpu.vector_store %arg9[%swap3A, %swap3A_179], %swap3A_182 {strides = array<i32>} : memref<400x32xf32, #tpu.memory_space<vmem>>, vector<1x16xf32>,
        %swap3A_183 = arith.index_cast %scan3A_177 : i32 to index
        %swap3A_184 = arith.constant 16 : index
        %swap3A_185 = tpu.vector_load %arg9[%swap3A_183, %swap3A_184] {strides = array<i32>} : memref<400x32xf32, #tpu.memory_space<vmem>>, vector<1x16xf32>,
        %swap3A_186 = vector.shape_cast %swap3A_185 : vector<1x16xf32> to vector<16xf32>
        %swap3A_187 = vector.shape_cast %broadcast_in_dim3A_178 : vector<16xf32> to vector<1x16xf32>
        tpu.vector_store %arg9[%swap3A_183, %swap3A_184], %swap3A_187 {strides = array<i32>} : memref<400x32xf32, #tpu.memory_space<vmem>>, vector<1x16xf32>,
      }
      %scan3A_20 = arith.constant 400 : i32
      %scan3A_21 = arith.constant 0 : i32
      %scan3A_22 = arith.constant 0 : i32
      %scan3A_23 = arith.constant 400 : i32
      %scan3A_24 = arith.addi %scan3A_22, %scan3A_23 : i32
      %scan3A_25 = arith.constant 1 : i32
      scf.for %scan3A_177 = %scan3A_22 to %scan3A_24 step %scan3A_25  : i32 {
        %broadcast_in_dim3A = arith.constant 0.000000e+00 : f32
        %broadcast_in_dim3A_178 = vector.broadcast %broadcast_in_dim3A : f32 to vector<16xf32>
        %swap3A = arith.index_cast %scan3A_177 : i32 to index
        %swap3A_179 = arith.constant 0 : index
        %swap3A_180 = tpu.vector_load %arg10[%swap3A, %swap3A_179] {strides = array<i32>} : memref<400x32xf32, #tpu.memory_space<vmem>>, vector<1x16xf32>,
        %swap3A_181 = vector.shape_cast %swap3A_180 : vector<1x16xf32> to vector<16xf32>
        %swap3A_182 = vector.shape_cast %broadcast_in_dim3A_178 : vector<16xf32> to vector<1x16xf32>
        tpu.vector_store %arg10[%swap3A, %swap3A_179], %swap3A_182 {strides = array<i32>} : memref<400x32xf32, #tpu.memory_space<vmem>>, vector<1x16xf32>,
        %swap3A_183 = arith.index_cast %scan3A_177 : i32 to index
        %swap3A_184 = arith.constant 16 : index
        %swap3A_185 = tpu.vector_load %arg10[%swap3A_183, %swap3A_184] {strides = array<i32>} : memref<400x32xf32, #tpu.memory_space<vmem>>, vector<1x16xf32>,
        %swap3A_186 = vector.shape_cast %swap3A_185 : vector<1x16xf32> to vector<16xf32>
        %swap3A_187 = vector.shape_cast %broadcast_in_dim3A_178 : vector<16xf32> to vector<1x16xf32>
        tpu.vector_store %arg10[%swap3A_183, %swap3A_184], %swap3A_187 {strides = array<i32>} : memref<400x32xf32, #tpu.memory_space<vmem>>, vector<1x16xf32>,
      }
      %scan3A_26 = arith.constant 400 : i32
      %add3A = arith.constant 0 : i32
      %add3A_27 = arith.addi %mul3A_0, %add3A : i32
      "tpu.region"() ({
        %run_scoped3A = tpu.sem_alloc : memref<!tpu.dma_semaphore, #tpu.memory_space<semaphore_mem>>
        %dma_start3A_177 = arith.constant 0 : i32
        %dma_start3A_178 = tpu.memref_slice %arg11[%add3A_27, %dma_start3A_177] : memref<50176x32xf32, #tpu.memory_space<vmem_shared>> -> memref<400x32xf32, #tpu.memory_space<vmem_shared>>
        %dma_start3A_179 = arith.constant 0 : i32
        %dma_start3A_180 = tpu.memref_slice %arg11[%add3A_27, %dma_start3A_179] : memref<50176x32xf32, #tpu.memory_space<vmem_shared>> -> memref<400x32xf32, #tpu.memory_space<vmem_shared>>
        tpu.enqueue_dma source(%arg9 : memref<400x32xf32, #tpu.memory_space<vmem>>) target(%dma_start3A_180 : memref<400x32xf32, #tpu.memory_space<vmem_shared>>) target_semaphore(%run_scoped3A : memref<!tpu.dma_semaphore, #tpu.memory_space<semaphore_mem>>)
        %dma_wait3A_181 = arith.constant 0 : i32
        %dma_wait3A_182 = tpu.memref_slice %arg11[%add3A_27, %dma_wait3A_181] : memref<50176x32xf32, #tpu.memory_space<vmem_shared>> -> memref<400x32xf32, #tpu.memory_space<vmem_shared>>
        %dma_wait3A_183 = arith.constant 0 : i32
        %dma_wait3A_184 = tpu.memref_slice %arg11[%add3A_27, %dma_wait3A_183] : memref<50176x32xf32, #tpu.memory_space<vmem_shared>> -> memref<400x32xf32, #tpu.memory_space<vmem_shared>>
        tpu.wait_dma2 semaphore(%run_scoped3A : memref<!tpu.dma_semaphore, #tpu.memory_space<semaphore_mem>>) src(%arg9 : memref<400x32xf32, #tpu.memory_space<vmem>>) dst(%dma_wait3A_184 : memref<400x32xf32, #tpu.memory_space<vmem_shared>>)
        tpu.yield
      }) : () -> ()
      %add3A_28 = arith.constant 400 : i32
      %add3A_29 = arith.addi %mul3A_0, %add3A_28 : i32
      "tpu.region"() ({
        %run_scoped3A = tpu.sem_alloc : memref<!tpu.dma_semaphore, #tpu.memory_space<semaphore_mem>>
        %dma_start3A_177 = arith.constant 0 : i32
        %dma_start3A_178 = tpu.memref_slice %arg11[%add3A_29, %dma_start3A_177] : memref<50176x32xf32, #tpu.memory_space<vmem_shared>> -> memref<400x32xf32, #tpu.memory_space<vmem_shared>>
        %dma_start3A_179 = arith.constant 0 : i32
        %dma_start3A_180 = tpu.memref_slice %arg11[%add3A_29, %dma_start3A_179] : memref<50176x32xf32, #tpu.memory_space<vmem_shared>> -> memref<400x32xf32, #tpu.memory_space<vmem_shared>>
        tpu.enqueue_dma source(%arg9 : memref<400x32xf32, #tpu.memory_space<vmem>>) target(%dma_start3A_180 : memref<400x32xf32, #tpu.memory_space<vmem_shared>>) target_semaphore(%run_scoped3A : memref<!tpu.dma_semaphore, #tpu.memory_space<semaphore_mem>>)
        %dma_wait3A_181 = arith.constant 0 : i32
        %dma_wait3A_182 = tpu.memref_slice %arg11[%add3A_29, %dma_wait3A_181] : memref<50176x32xf32, #tpu.memory_space<vmem_shared>> -> memref<400x32xf32, #tpu.memory_space<vmem_shared>>
        %dma_wait3A_183 = arith.constant 0 : i32
        %dma_wait3A_184 = tpu.memref_slice %arg11[%add3A_29, %dma_wait3A_183] : memref<50176x32xf32, #tpu.memory_space<vmem_shared>> -> memref<400x32xf32, #tpu.memory_space<vmem_shared>>
        tpu.wait_dma2 semaphore(%run_scoped3A : memref<!tpu.dma_semaphore, #tpu.memory_space<semaphore_mem>>) src(%arg9 : memref<400x32xf32, #tpu.memory_space<vmem>>) dst(%dma_wait3A_184 : memref<400x32xf32, #tpu.memory_space<vmem_shared>>)
        tpu.yield
      }) : () -> ()
      %add3A_30 = arith.constant 800 : i32
      %add3A_31 = arith.addi %mul3A_0, %add3A_30 : i32
      "tpu.region"() ({
        %run_scoped3A = tpu.sem_alloc : memref<!tpu.dma_semaphore, #tpu.memory_space<semaphore_mem>>
        %dma_start3A_177 = arith.constant 0 : i32
        %dma_start3A_178 = tpu.memref_slice %arg11[%add3A_31, %dma_start3A_177] : memref<50176x32xf32, #tpu.memory_space<vmem_shared>> -> memref<400x32xf32, #tpu.memory_space<vmem_shared>>
        %dma_start3A_179 = arith.constant 0 : i32
        %dma_start3A_180 = tpu.memref_slice %arg11[%add3A_31, %dma_start3A_179] : memref<50176x32xf32, #tpu.memory_space<vmem_shared>> -> memref<400x32xf32, #tpu.memory_space<vmem_shared>>
        tpu.enqueue_dma source(%arg9 : memref<400x32xf32, #tpu.memory_space<vmem>>) target(%dma_start3A_180 : memref<400x32xf32, #tpu.memory_space<vmem_shared>>) target_semaphore(%run_scoped3A : memref<!tpu.dma_semaphore, #tpu.memory_space<semaphore_mem>>)
        %dma_wait3A_181 = arith.constant 0 : i32
        %dma_wait3A_182 = tpu.memref_slice %arg11[%add3A_31, %dma_wait3A_181] : memref<50176x32xf32, #tpu.memory_space<vmem_shared>> -> memref<400x32xf32, #tpu.memory_space<vmem_shared>>
        %dma_wait3A_183 = arith.constant 0 : i32
        %dma_wait3A_184 = tpu.memref_slice %arg11[%add3A_31, %dma_wait3A_183] : memref<50176x32xf32, #tpu.memory_space<vmem_shared>> -> memref<400x32xf32, #tpu.memory_space<vmem_shared>>
        tpu.wait_dma2 semaphore(%run_scoped3A : memref<!tpu.dma_semaphore, #tpu.memory_space<semaphore_mem>>) src(%arg9 : memref<400x32xf32, #tpu.memory_space<vmem>>) dst(%dma_wait3A_184 : memref<400x32xf32, #tpu.memory_space<vmem_shared>>)
        tpu.yield
      }) : () -> ()
      %add3A_32 = arith.constant 1200 : i32
      %add3A_33 = arith.addi %mul3A_0, %add3A_32 : i32
      "tpu.region"() ({
        %run_scoped3A = tpu.sem_alloc : memref<!tpu.dma_semaphore, #tpu.memory_space<semaphore_mem>>
        %dma_start3A_177 = arith.constant 0 : i32
        %dma_start3A_178 = tpu.memref_slice %arg11[%add3A_33, %dma_start3A_177] : memref<50176x32xf32, #tpu.memory_space<vmem_shared>> -> memref<400x32xf32, #tpu.memory_space<vmem_shared>>
        %dma_start3A_179 = arith.constant 0 : i32
        %dma_start3A_180 = tpu.memref_slice %arg11[%add3A_33, %dma_start3A_179] : memref<50176x32xf32, #tpu.memory_space<vmem_shared>> -> memref<400x32xf32, #tpu.memory_space<vmem_shared>>
        tpu.enqueue_dma source(%arg9 : memref<400x32xf32, #tpu.memory_space<vmem>>) target(%dma_start3A_180 : memref<400x32xf32, #tpu.memory_space<vmem_shared>>) target_semaphore(%run_scoped3A : memref<!tpu.dma_semaphore, #tpu.memory_space<semaphore_mem>>)
        %dma_wait3A_181 = arith.constant 0 : i32
        %dma_wait3A_182 = tpu.memref_slice %arg11[%add3A_33, %dma_wait3A_181] : memref<50176x32xf32, #tpu.memory_space<vmem_shared>> -> memref<400x32xf32, #tpu.memory_space<vmem_shared>>
        %dma_wait3A_183 = arith.constant 0 : i32
        %dma_wait3A_184 = tpu.memref_slice %arg11[%add3A_33, %dma_wait3A_183] : memref<50176x32xf32, #tpu.memory_space<vmem_shared>> -> memref<400x32xf32, #tpu.memory_space<vmem_shared>>
        tpu.wait_dma2 semaphore(%run_scoped3A : memref<!tpu.dma_semaphore, #tpu.memory_space<semaphore_mem>>) src(%arg9 : memref<400x32xf32, #tpu.memory_space<vmem>>) dst(%dma_wait3A_184 : memref<400x32xf32, #tpu.memory_space<vmem_shared>>)
        tpu.yield
      }) : () -> ()
      %add3A_34 = arith.constant 1600 : i32
      %add3A_35 = arith.addi %mul3A_0, %add3A_34 : i32
      "tpu.region"() ({
        %run_scoped3A = tpu.sem_alloc : memref<!tpu.dma_semaphore, #tpu.memory_space<semaphore_mem>>
        %dma_start3A_177 = arith.constant 0 : i32
        %dma_start3A_178 = tpu.memref_slice %arg11[%add3A_35, %dma_start3A_177] : memref<50176x32xf32, #tpu.memory_space<vmem_shared>> -> memref<400x32xf32, #tpu.memory_space<vmem_shared>>
        %dma_start3A_179 = arith.constant 0 : i32
        %dma_start3A_180 = tpu.memref_slice %arg11[%add3A_35, %dma_start3A_179] : memref<50176x32xf32, #tpu.memory_space<vmem_shared>> -> memref<400x32xf32, #tpu.memory_space<vmem_shared>>
        tpu.enqueue_dma source(%arg9 : memref<400x32xf32, #tpu.memory_space<vmem>>) target(%dma_start3A_180 : memref<400x32xf32, #tpu.memory_space<vmem_shared>>) target_semaphore(%run_scoped3A : memref<!tpu.dma_semaphore, #tpu.memory_space<semaphore_mem>>)
        %dma_wait3A_181 = arith.constant 0 : i32
        %dma_wait3A_182 = tpu.memref_slice %arg11[%add3A_35, %dma_wait3A_181] : memref<50176x32xf32, #tpu.memory_space<vmem_shared>> -> memref<400x32xf32, #tpu.memory_space<vmem_shared>>
        %dma_wait3A_183 = arith.constant 0 : i32
        %dma_wait3A_184 = tpu.memref_slice %arg11[%add3A_35, %dma_wait3A_183] : memref<50176x32xf32, #tpu.memory_space<vmem_shared>> -> memref<400x32xf32, #tpu.memory_space<vmem_shared>>
        tpu.wait_dma2 semaphore(%run_scoped3A : memref<!tpu.dma_semaphore, #tpu.memory_space<semaphore_mem>>) src(%arg9 : memref<400x32xf32, #tpu.memory_space<vmem>>) dst(%dma_wait3A_184 : memref<400x32xf32, #tpu.memory_space<vmem_shared>>)
        tpu.yield
      }) : () -> ()
      %add3A_36 = arith.constant 2000 : i32
      %add3A_37 = arith.addi %mul3A_0, %add3A_36 : i32
      "tpu.region"() ({
        %run_scoped3A = tpu.sem_alloc : memref<!tpu.dma_semaphore, #tpu.memory_space<semaphore_mem>>
        %dma_start3A_177 = arith.constant 0 : i32
        %dma_start3A_178 = tpu.memref_slice %arg11[%add3A_37, %dma_start3A_177] : memref<50176x32xf32, #tpu.memory_space<vmem_shared>> -> memref<400x32xf32, #tpu.memory_space<vmem_shared>>
        %dma_start3A_179 = arith.constant 0 : i32
        %dma_start3A_180 = tpu.memref_slice %arg11[%add3A_37, %dma_start3A_179] : memref<50176x32xf32, #tpu.memory_space<vmem_shared>> -> memref<400x32xf32, #tpu.memory_space<vmem_shared>>
        tpu.enqueue_dma source(%arg9 : memref<400x32xf32, #tpu.memory_space<vmem>>) target(%dma_start3A_180 : memref<400x32xf32, #tpu.memory_space<vmem_shared>>) target_semaphore(%run_scoped3A : memref<!tpu.dma_semaphore, #tpu.memory_space<semaphore_mem>>)
        %dma_wait3A_181 = arith.constant 0 : i32
        %dma_wait3A_182 = tpu.memref_slice %arg11[%add3A_37, %dma_wait3A_181] : memref<50176x32xf32, #tpu.memory_space<vmem_shared>> -> memref<400x32xf32, #tpu.memory_space<vmem_shared>>
        %dma_wait3A_183 = arith.constant 0 : i32
        %dma_wait3A_184 = tpu.memref_slice %arg11[%add3A_37, %dma_wait3A_183] : memref<50176x32xf32, #tpu.memory_space<vmem_shared>> -> memref<400x32xf32, #tpu.memory_space<vmem_shared>>
        tpu.wait_dma2 semaphore(%run_scoped3A : memref<!tpu.dma_semaphore, #tpu.memory_space<semaphore_mem>>) src(%arg9 : memref<400x32xf32, #tpu.memory_space<vmem>>) dst(%dma_wait3A_184 : memref<400x32xf32, #tpu.memory_space<vmem_shared>>)
        tpu.yield
      }) : () -> ()
      %add3A_38 = arith.constant 2400 : i32
      %add3A_39 = arith.addi %mul3A_0, %add3A_38 : i32
      "tpu.region"() ({
        %run_scoped3A = tpu.sem_alloc : memref<!tpu.dma_semaphore, #tpu.memory_space<semaphore_mem>>
        %dma_start3A_177 = arith.constant 0 : i32
        %dma_start3A_178 = tpu.memref_slice %arg11[%add3A_39, %dma_start3A_177] : memref<50176x32xf32, #tpu.memory_space<vmem_shared>> -> memref<400x32xf32, #tpu.memory_space<vmem_shared>>
        %dma_start3A_179 = arith.constant 0 : i32
        %dma_start3A_180 = tpu.memref_slice %arg11[%add3A_39, %dma_start3A_179] : memref<50176x32xf32, #tpu.memory_space<vmem_shared>> -> memref<400x32xf32, #tpu.memory_space<vmem_shared>>
        tpu.enqueue_dma source(%arg9 : memref<400x32xf32, #tpu.memory_space<vmem>>) target(%dma_start3A_180 : memref<400x32xf32, #tpu.memory_space<vmem_shared>>) target_semaphore(%run_scoped3A : memref<!tpu.dma_semaphore, #tpu.memory_space<semaphore_mem>>)
        %dma_wait3A_181 = arith.constant 0 : i32
        %dma_wait3A_182 = tpu.memref_slice %arg11[%add3A_39, %dma_wait3A_181] : memref<50176x32xf32, #tpu.memory_space<vmem_shared>> -> memref<400x32xf32, #tpu.memory_space<vmem_shared>>
        %dma_wait3A_183 = arith.constant 0 : i32
        %dma_wait3A_184 = tpu.memref_slice %arg11[%add3A_39, %dma_wait3A_183] : memref<50176x32xf32, #tpu.memory_space<vmem_shared>> -> memref<400x32xf32, #tpu.memory_space<vmem_shared>>
        tpu.wait_dma2 semaphore(%run_scoped3A : memref<!tpu.dma_semaphore, #tpu.memory_space<semaphore_mem>>) src(%arg9 : memref<400x32xf32, #tpu.memory_space<vmem>>) dst(%dma_wait3A_184 : memref<400x32xf32, #tpu.memory_space<vmem_shared>>)
        tpu.yield
      }) : () -> ()
      %add3A_40 = arith.constant 2800 : i32
      %add3A_41 = arith.addi %mul3A_0, %add3A_40 : i32
      "tpu.region"() ({
        %run_scoped3A = tpu.sem_alloc : memref<!tpu.dma_semaphore, #tpu.memory_space<semaphore_mem>>
        %dma_start3A_177 = arith.constant 0 : i32
        %dma_start3A_178 = arith.constant 0 : i32
        %dma_start3A_179 = tpu.memref_slice %arg9[%dma_start3A_177, %dma_start3A_178] : memref<400x32xf32, #tpu.memory_space<vmem>> -> memref<336x32xf32, #tpu.memory_space<vmem>>
        %dma_start3A_180 = arith.constant 0 : i32
        %dma_start3A_181 = tpu.memref_slice %arg11[%add3A_41, %dma_start3A_180] : memref<50176x32xf32, #tpu.memory_space<vmem_shared>> -> memref<336x32xf32, #tpu.memory_space<vmem_shared>>
        %dma_start3A_182 = arith.constant 0 : i32
        %dma_start3A_183 = tpu.memref_slice %arg11[%add3A_41, %dma_start3A_182] : memref<50176x32xf32, #tpu.memory_space<vmem_shared>> -> memref<336x32xf32, #tpu.memory_space<vmem_shared>>
        %dma_start3A_184 = arith.constant 0 : i32
        %dma_start3A_185 = arith.constant 0 : i32
        %dma_start3A_186 = tpu.memref_slice %arg9[%dma_start3A_184, %dma_start3A_185] : memref<400x32xf32, #tpu.memory_space<vmem>> -> memref<336x32xf32, #tpu.memory_space<vmem>>
        tpu.enqueue_dma source(%dma_start3A_186 : memref<336x32xf32, #tpu.memory_space<vmem>>) target(%dma_start3A_183 : memref<336x32xf32, #tpu.memory_space<vmem_shared>>) target_semaphore(%run_scoped3A : memref<!tpu.dma_semaphore, #tpu.memory_space<semaphore_mem>>)
        %dma_wait3A_187 = arith.constant 0 : i32
        %dma_wait3A_188 = arith.constant 0 : i32
        %dma_wait3A_189 = tpu.memref_slice %arg9[%dma_wait3A_187, %dma_wait3A_188] : memref<400x32xf32, #tpu.memory_space<vmem>> -> memref<336x32xf32, #tpu.memory_space<vmem>>
        %dma_wait3A_190 = arith.constant 0 : i32
        %dma_wait3A_191 = tpu.memref_slice %arg11[%add3A_41, %dma_wait3A_190] : memref<50176x32xf32, #tpu.memory_space<vmem_shared>> -> memref<336x32xf32, #tpu.memory_space<vmem_shared>>
        %dma_wait3A_192 = arith.constant 0 : i32
        %dma_wait3A_193 = tpu.memref_slice %arg11[%add3A_41, %dma_wait3A_192] : memref<50176x32xf32, #tpu.memory_space<vmem_shared>> -> memref<336x32xf32, #tpu.memory_space<vmem_shared>>
        %dma_wait3A_194 = arith.constant 0 : i32
        %dma_wait3A_195 = arith.constant 0 : i32
        %dma_wait3A_196 = tpu.memref_slice %arg9[%dma_wait3A_194, %dma_wait3A_195] : memref<400x32xf32, #tpu.memory_space<vmem>> -> memref<336x32xf32, #tpu.memory_space<vmem>>
        tpu.wait_dma2 semaphore(%run_scoped3A : memref<!tpu.dma_semaphore, #tpu.memory_space<semaphore_mem>>) src(%dma_wait3A_196 : memref<336x32xf32, #tpu.memory_space<vmem>>) dst(%dma_wait3A_193 : memref<336x32xf32, #tpu.memory_space<vmem_shared>>)
        tpu.yield
      }) : () -> ()
      %barrier3A = arith.constant 0 : index
      tpu.barrier barrier_id(%barrier3A)
      %add3A_42 = arith.constant 0 : i32
      %add3A_43 = arith.addi %mul3A_2, %add3A_42 : i32
      %dma_start3A = arith.constant 0 : i32
      %dma_start3A_44 = tpu.memref_slice %arg2[%dma_start3A, %add3A_43] : memref<2x800000xi32, #tpu.memory_space<hbm>> -> memref<1x400xi32, #tpu.memory_space<hbm>>
      %dma_start3A_45 = tpu.memref_squeeze %dma_start3A_44 : memref<1x400xi32, #tpu.memory_space<hbm>> -> memref<400xi32, #tpu.memory_space<hbm>>
      %dma_start3A_46 = tpu.memref_slice %arg2[%dma_start3A, %add3A_43] : memref<2x800000xi32, #tpu.memory_space<hbm>> -> memref<1x400xi32, #tpu.memory_space<hbm>>
      %dma_start3A_47 = tpu.memref_squeeze %dma_start3A_46 : memref<1x400xi32, #tpu.memory_space<hbm>> -> memref<400xi32, #tpu.memory_space<hbm>>
      tpu.enqueue_dma source(%dma_start3A_47 : memref<400xi32, #tpu.memory_space<hbm>>) target(%arg5 : memref<400xi32, #tpu.memory_space<vmem>>) target_semaphore(%arg12 : memref<!tpu.dma_semaphore, #tpu.memory_space<semaphore_mem>>)
      %dma_start3A_48 = arith.constant 1 : i32
      %dma_start3A_49 = tpu.memref_slice %arg2[%dma_start3A_48, %add3A_43] : memref<2x800000xi32, #tpu.memory_space<hbm>> -> memref<1x400xi32, #tpu.memory_space<hbm>>
      %dma_start3A_50 = tpu.memref_squeeze %dma_start3A_49 : memref<1x400xi32, #tpu.memory_space<hbm>> -> memref<400xi32, #tpu.memory_space<hbm>>
      %dma_start3A_51 = tpu.memref_slice %arg2[%dma_start3A_48, %add3A_43] : memref<2x800000xi32, #tpu.memory_space<hbm>> -> memref<1x400xi32, #tpu.memory_space<hbm>>
      %dma_start3A_52 = tpu.memref_squeeze %dma_start3A_51 : memref<1x400xi32, #tpu.memory_space<hbm>> -> memref<400xi32, #tpu.memory_space<hbm>>
      tpu.enqueue_dma source(%dma_start3A_52 : memref<400xi32, #tpu.memory_space<hbm>>) target(%arg7 : memref<400xi32, #tpu.memory_space<vmem>>) target_semaphore(%arg14 : memref<!tpu.dma_semaphore, #tpu.memory_space<semaphore_mem>>)
      %dma_wait3A = arith.constant 0 : i32
      %dma_wait3A_53 = tpu.memref_slice %arg2[%dma_wait3A, %mul3A_2] : memref<2x800000xi32, #tpu.memory_space<hbm>> -> memref<1x400xi32, #tpu.memory_space<hbm>>
      %dma_wait3A_54 = tpu.memref_squeeze %dma_wait3A_53 : memref<1x400xi32, #tpu.memory_space<hbm>> -> memref<400xi32, #tpu.memory_space<hbm>>
      %dma_wait3A_55 = tpu.memref_slice %arg2[%dma_wait3A, %mul3A_2] : memref<2x800000xi32, #tpu.memory_space<hbm>> -> memref<1x400xi32, #tpu.memory_space<hbm>>
      %dma_wait3A_56 = tpu.memref_squeeze %dma_wait3A_55 : memref<1x400xi32, #tpu.memory_space<hbm>> -> memref<400xi32, #tpu.memory_space<hbm>>
      tpu.wait_dma2 semaphore(%arg12 : memref<!tpu.dma_semaphore, #tpu.memory_space<semaphore_mem>>) src(%dma_wait3A_56 : memref<400xi32, #tpu.memory_space<hbm>>) dst(%arg5 : memref<400xi32, #tpu.memory_space<vmem>>)
      %dma_wait3A_57 = arith.constant 1 : i32
      %dma_wait3A_58 = tpu.memref_slice %arg2[%dma_wait3A_57, %mul3A_2] : memref<2x800000xi32, #tpu.memory_space<hbm>> -> memref<1x400xi32, #tpu.memory_space<hbm>>
      %dma_wait3A_59 = tpu.memref_squeeze %dma_wait3A_58 : memref<1x400xi32, #tpu.memory_space<hbm>> -> memref<400xi32, #tpu.memory_space<hbm>>
      %dma_wait3A_60 = tpu.memref_slice %arg2[%dma_wait3A_57, %mul3A_2] : memref<2x800000xi32, #tpu.memory_space<hbm>> -> memref<1x400xi32, #tpu.memory_space<hbm>>
      %dma_wait3A_61 = tpu.memref_squeeze %dma_wait3A_60 : memref<1x400xi32, #tpu.memory_space<hbm>> -> memref<400xi32, #tpu.memory_space<hbm>>
      tpu.wait_dma2 semaphore(%arg14 : memref<!tpu.dma_semaphore, #tpu.memory_space<semaphore_mem>>) src(%dma_wait3A_61 : memref<400xi32, #tpu.memory_space<hbm>>) dst(%arg7 : memref<400xi32, #tpu.memory_space<vmem>>)
      %scan3A_62 = arith.constant 0 : i32
      %scan3A_63 = arith.constant 0 : i32
      %scan3A_64 = arith.constant 25 : i32
      %scan3A_65 = arith.addi %scan3A_63, %scan3A_64 : i32
      %scan3A_66 = arith.constant 1 : i32
      scf.for %scan3A_177 = %scan3A_63 to %scan3A_65 step %scan3A_66  : i32 {
        %mul3A_178 = arith.constant 16 : i32
        %mul3A_179 = arith.muli %scan3A_177, %mul3A_178 : i32
        %get3A = arith.index_cast %mul3A_179 : i32 to index
        %get3A_180 = tpu.vector_load %arg5[%get3A] {strides = array<i32>} : memref<400xi32, #tpu.memory_space<vmem>>, vector<16xi32>,
        %get3A_181 = vector.shape_cast %get3A_180 : vector<16xi32> to vector<16xi32>
        %mul3A_182 = arith.constant 4 : i32
        %mul3A_183 = vector.broadcast %mul3A_182 : i32 to vector<16xi32>
        %mul3A_184 = arith.muli %get3A_181, %mul3A_183 : vector<16xi32>
        %add3A_185 = arith.constant 0 : i32
        %add3A_186 = vector.broadcast %add3A_185 : i32 to vector<16xi32>
        %add3A_187 = arith.addi %mul3A_184, %add3A_186 : vector<16xi32>
        %mul3A_188 = arith.constant 16 : i32
        %mul3A_189 = arith.muli %scan3A_177, %mul3A_188 : i32
        %swap3A = arith.index_cast %mul3A_189 : i32 to index
        %swap3A_190 = tpu.vector_load %arg5[%swap3A] {strides = array<i32>} : memref<400xi32, #tpu.memory_space<vmem>>, vector<16xi32>,
        %swap3A_191 = vector.shape_cast %swap3A_190 : vector<16xi32> to vector<16xi32>
        %swap3A_192 = vector.shape_cast %add3A_187 : vector<16xi32> to vector<16xi32>
        tpu.vector_store %arg5[%swap3A], %swap3A_192 {strides = array<i32>} : memref<400xi32, #tpu.memory_space<vmem>>, vector<16xi32>,
      }
      %scan3A_67 = arith.constant 25 : i32
      %dma_start3A_68 = arith.constant 0 : i32
      %dma_start3A_69 = arith.constant 0 : i32
      %dma_start3A_70 = tpu.memref_slice %arg3[%dma_start3A_68, %dma_start3A_69] : memref<200704x32xf32, #tpu.memory_space<hbm>> -> memref<200704x32xf32, #tpu.memory_space<hbm>>
      tpu.enqueue_indirect_dma source(%dma_start3A_70 : memref<200704x32xf32, #tpu.memory_space<hbm>>) target(%arg9 : memref<400x32xf32, #tpu.memory_space<vmem>>) offsets(%arg5 : memref<400xi32, #tpu.memory_space<vmem>>) semaphore(%arg16 : memref<!tpu.dma_semaphore, #tpu.memory_space<semaphore_mem>>)
      %dma_start3A_71 = arith.constant 0 : i32
      %dma_start3A_72 = arith.constant 0 : i32
      %dma_start3A_73 = tpu.memref_slice %arg11[%dma_start3A_71, %dma_start3A_72] : memref<50176x32xf32, #tpu.memory_space<vmem_shared>> -> memref<50176x32xf32, #tpu.memory_space<vmem_shared>>
      tpu.enqueue_indirect_dma source(%arg10 : memref<400x32xf32, #tpu.memory_space<vmem>>) target(%dma_start3A_73 : memref<50176x32xf32, #tpu.memory_space<vmem_shared>>) offsets(%arg8 : memref<400xi32, #tpu.memory_space<vmem>>) semaphore(%arg19 : memref<!tpu.dma_semaphore, #tpu.memory_space<semaphore_mem>>) {add = true}
      %scan3A_74 = arith.constant 0 : i32
      %scan3A_75 = arith.constant 0 : i32
      %scan3A_76 = arith.constant 62 : i32
      %scan3A_77 = arith.addi %scan3A_75, %scan3A_76 : i32
      %scan3A_78 = arith.constant 1 : i32
      scf.for %scan3A_177 = %scan3A_75 to %scan3A_77 step %scan3A_78  : i32 {
        %mul3A_178 = arith.constant 2 : i32
        %mul3A_179 = arith.muli %mul3A_178, %scan3A_177 : i32
        %dma_wait3A_180 = arith.constant 0 : i32
        %dma_wait3A_181 = arith.constant 0 : i32
        %dma_wait3A_182 = tpu.memref_slice %arg11[%dma_wait3A_180, %dma_wait3A_181] : memref<50176x32xf32, #tpu.memory_space<vmem_shared>> -> memref<50176x32xf32, #tpu.memory_space<vmem_shared>>
        tpu.wait_indirect_dma semaphore(%arg19 : memref<!tpu.dma_semaphore, #tpu.memory_space<semaphore_mem>>) src(%arg10 : memref<400x32xf32, #tpu.memory_space<vmem>>) dst(%dma_wait3A_182 : memref<50176x32xf32, #tpu.memory_space<vmem_shared>>)
        %add3A_183 = arith.constant 1 : i32
        %add3A_184 = arith.addi %mul3A_179, %add3A_183 : i32
        %mul3A_185 = arith.constant 400 : i32
        %mul3A_186 = arith.muli %add3A_184, %mul3A_185 : i32
        %add3A_187 = arith.addi %mul3A_2, %mul3A_186 : i32
        %dma_start3A_188 = arith.constant 0 : i32
        %dma_start3A_189 = tpu.memref_slice %arg2[%dma_start3A_188, %add3A_187] : memref<2x800000xi32, #tpu.memory_space<hbm>> -> memref<1x400xi32, #tpu.memory_space<hbm>>
        %dma_start3A_190 = tpu.memref_squeeze %dma_start3A_189 : memref<1x400xi32, #tpu.memory_space<hbm>> -> memref<400xi32, #tpu.memory_space<hbm>>
        %dma_start3A_191 = tpu.memref_slice %arg2[%dma_start3A_188, %add3A_187] : memref<2x800000xi32, #tpu.memory_space<hbm>> -> memref<1x400xi32, #tpu.memory_space<hbm>>
        %dma_start3A_192 = tpu.memref_squeeze %dma_start3A_191 : memref<1x400xi32, #tpu.memory_space<hbm>> -> memref<400xi32, #tpu.memory_space<hbm>>
        tpu.enqueue_dma source(%dma_start3A_192 : memref<400xi32, #tpu.memory_space<hbm>>) target(%arg6 : memref<400xi32, #tpu.memory_space<vmem>>) target_semaphore(%arg13 : memref<!tpu.dma_semaphore, #tpu.memory_space<semaphore_mem>>)
        %dma_start3A_193 = arith.constant 1 : i32
        %dma_start3A_194 = tpu.memref_slice %arg2[%dma_start3A_193, %add3A_187] : memref<2x800000xi32, #tpu.memory_space<hbm>> -> memref<1x400xi32, #tpu.memory_space<hbm>>
        %dma_start3A_195 = tpu.memref_squeeze %dma_start3A_194 : memref<1x400xi32, #tpu.memory_space<hbm>> -> memref<400xi32, #tpu.memory_space<hbm>>
        %dma_start3A_196 = tpu.memref_slice %arg2[%dma_start3A_193, %add3A_187] : memref<2x800000xi32, #tpu.memory_space<hbm>> -> memref<1x400xi32, #tpu.memory_space<hbm>>
        %dma_start3A_197 = tpu.memref_squeeze %dma_start3A_196 : memref<1x400xi32, #tpu.memory_space<hbm>> -> memref<400xi32, #tpu.memory_space<hbm>>
        tpu.enqueue_dma source(%dma_start3A_197 : memref<400xi32, #tpu.memory_space<hbm>>) target(%arg8 : memref<400xi32, #tpu.memory_space<vmem>>) target_semaphore(%arg15 : memref<!tpu.dma_semaphore, #tpu.memory_space<semaphore_mem>>)
        %dma_wait3A_198 = arith.constant 0 : i32
        %dma_wait3A_199 = arith.constant 0 : i32
        %dma_wait3A_200 = tpu.memref_slice %arg3[%dma_wait3A_198, %dma_wait3A_199] : memref<200704x32xf32, #tpu.memory_space<hbm>> -> memref<200704x32xf32, #tpu.memory_space<hbm>>
        tpu.wait_indirect_dma semaphore(%arg16 : memref<!tpu.dma_semaphore, #tpu.memory_space<semaphore_mem>>) src(%dma_wait3A_200 : memref<200704x32xf32, #tpu.memory_space<hbm>>) dst(%arg9 : memref<400x32xf32, #tpu.memory_space<vmem>>)
        %dma_start3A_201 = arith.constant 0 : i32
        %dma_start3A_202 = arith.constant 0 : i32
        %dma_start3A_203 = tpu.memref_slice %arg11[%dma_start3A_201, %dma_start3A_202] : memref<50176x32xf32, #tpu.memory_space<vmem_shared>> -> memref<50176x32xf32, #tpu.memory_space<vmem_shared>>
        tpu.enqueue_indirect_dma source(%arg9 : memref<400x32xf32, #tpu.memory_space<vmem>>) target(%dma_start3A_203 : memref<50176x32xf32, #tpu.memory_space<vmem_shared>>) offsets(%arg7 : memref<400xi32, #tpu.memory_space<vmem>>) semaphore(%arg18 : memref<!tpu.dma_semaphore, #tpu.memory_space<semaphore_mem>>) {add = true}
        %dma_wait3A_204 = arith.constant 0 : i32
        %dma_wait3A_205 = tpu.memref_slice %arg2[%dma_wait3A_204, %mul3A_2] : memref<2x800000xi32, #tpu.memory_space<hbm>> -> memref<1x400xi32, #tpu.memory_space<hbm>>
        %dma_wait3A_206 = tpu.memref_squeeze %dma_wait3A_205 : memref<1x400xi32, #tpu.memory_space<hbm>> -> memref<400xi32, #tpu.memory_space<hbm>>
        %dma_wait3A_207 = tpu.memref_slice %arg2[%dma_wait3A_204, %mul3A_2] : memref<2x800000xi32, #tpu.memory_space<hbm>> -> memref<1x400xi32, #tpu.memory_space<hbm>>
        %dma_wait3A_208 = tpu.memref_squeeze %dma_wait3A_207 : memref<1x400xi32, #tpu.memory_space<hbm>> -> memref<400xi32, #tpu.memory_space<hbm>>
        tpu.wait_dma2 semaphore(%arg13 : memref<!tpu.dma_semaphore, #tpu.memory_space<semaphore_mem>>) src(%dma_wait3A_208 : memref<400xi32, #tpu.memory_space<hbm>>) dst(%arg6 : memref<400xi32, #tpu.memory_space<vmem>>)
        %dma_wait3A_209 = arith.constant 1 : i32
        %dma_wait3A_210 = tpu.memref_slice %arg2[%dma_wait3A_209, %mul3A_2] : memref<2x800000xi32, #tpu.memory_space<hbm>> -> memref<1x400xi32, #tpu.memory_space<hbm>>
        %dma_wait3A_211 = tpu.memref_squeeze %dma_wait3A_210 : memref<1x400xi32, #tpu.memory_space<hbm>> -> memref<400xi32, #tpu.memory_space<hbm>>
        %dma_wait3A_212 = tpu.memref_slice %arg2[%dma_wait3A_209, %mul3A_2] : memref<2x800000xi32, #tpu.memory_space<hbm>> -> memref<1x400xi32, #tpu.memory_space<hbm>>
        %dma_wait3A_213 = tpu.memref_squeeze %dma_wait3A_212 : memref<1x400xi32, #tpu.memory_space<hbm>> -> memref<400xi32, #tpu.memory_space<hbm>>
        tpu.wait_dma2 semaphore(%arg15 : memref<!tpu.dma_semaphore, #tpu.memory_space<semaphore_mem>>) src(%dma_wait3A_213 : memref<400xi32, #tpu.memory_space<hbm>>) dst(%arg8 : memref<400xi32, #tpu.memory_space<vmem>>)
        %scan3A_214 = arith.constant 0 : i32
        %scan3A_215 = arith.constant 0 : i32
        %scan3A_216 = arith.constant 25 : i32
        %scan3A_217 = arith.addi %scan3A_215, %scan3A_216 : i32
        %scan3A_218 = arith.constant 1 : i32
        scf.for %scan3A_266 = %scan3A_215 to %scan3A_217 step %scan3A_218  : i32 {
          %mul3A_267 = arith.constant 16 : i32
          %mul3A_268 = arith.muli %scan3A_266, %mul3A_267 : i32
          %get3A = arith.index_cast %mul3A_268 : i32 to index
          %get3A_269 = tpu.vector_load %arg6[%get3A] {strides = array<i32>} : memref<400xi32, #tpu.memory_space<vmem>>, vector<16xi32>,
          %get3A_270 = vector.shape_cast %get3A_269 : vector<16xi32> to vector<16xi32>
          %mul3A_271 = arith.constant 4 : i32
          %mul3A_272 = vector.broadcast %mul3A_271 : i32 to vector<16xi32>
          %mul3A_273 = arith.muli %get3A_270, %mul3A_272 : vector<16xi32>
          %add3A_274 = arith.constant 0 : i32
          %add3A_275 = vector.broadcast %add3A_274 : i32 to vector<16xi32>
          %add3A_276 = arith.addi %mul3A_273, %add3A_275 : vector<16xi32>
          %mul3A_277 = arith.constant 16 : i32
          %mul3A_278 = arith.muli %scan3A_266, %mul3A_277 : i32
          %swap3A = arith.index_cast %mul3A_278 : i32 to index
          %swap3A_279 = tpu.vector_load %arg6[%swap3A] {strides = array<i32>} : memref<400xi32, #tpu.memory_space<vmem>>, vector<16xi32>,
          %swap3A_280 = vector.shape_cast %swap3A_279 : vector<16xi32> to vector<16xi32>
          %swap3A_281 = vector.shape_cast %add3A_276 : vector<16xi32> to vector<16xi32>
          tpu.vector_store %arg6[%swap3A], %swap3A_281 {strides = array<i32>} : memref<400xi32, #tpu.memory_space<vmem>>, vector<16xi32>,
        }
        %scan3A_219 = arith.constant 25 : i32
        %dma_start3A_220 = arith.constant 0 : i32
        %dma_start3A_221 = arith.constant 0 : i32
        %dma_start3A_222 = tpu.memref_slice %arg3[%dma_start3A_220, %dma_start3A_221] : memref<200704x32xf32, #tpu.memory_space<hbm>> -> memref<200704x32xf32, #tpu.memory_space<hbm>>
        tpu.enqueue_indirect_dma source(%dma_start3A_222 : memref<200704x32xf32, #tpu.memory_space<hbm>>) target(%arg10 : memref<400x32xf32, #tpu.memory_space<vmem>>) offsets(%arg6 : memref<400xi32, #tpu.memory_space<vmem>>) semaphore(%arg17 : memref<!tpu.dma_semaphore, #tpu.memory_space<semaphore_mem>>)
        %dma_wait3A_223 = arith.constant 0 : i32
        %dma_wait3A_224 = arith.constant 0 : i32
        %dma_wait3A_225 = tpu.memref_slice %arg11[%dma_wait3A_223, %dma_wait3A_224] : memref<50176x32xf32, #tpu.memory_space<vmem_shared>> -> memref<50176x32xf32, #tpu.memory_space<vmem_shared>>
        tpu.wait_indirect_dma semaphore(%arg18 : memref<!tpu.dma_semaphore, #tpu.memory_space<semaphore_mem>>) src(%arg9 : memref<400x32xf32, #tpu.memory_space<vmem>>) dst(%dma_wait3A_225 : memref<50176x32xf32, #tpu.memory_space<vmem_shared>>)
        %add3A_226 = arith.constant 2 : i32
        %add3A_227 = arith.addi %mul3A_179, %add3A_226 : i32
        %mul3A_228 = arith.constant 400 : i32
        %mul3A_229 = arith.muli %add3A_227, %mul3A_228 : i32
        %add3A_230 = arith.addi %mul3A_2, %mul3A_229 : i32
        %dma_start3A_231 = arith.constant 0 : i32
        %dma_start3A_232 = tpu.memref_slice %arg2[%dma_start3A_231, %add3A_230] : memref<2x800000xi32, #tpu.memory_space<hbm>> -> memref<1x400xi32, #tpu.memory_space<hbm>>
        %dma_start3A_233 = tpu.memref_squeeze %dma_start3A_232 : memref<1x400xi32, #tpu.memory_space<hbm>> -> memref<400xi32, #tpu.memory_space<hbm>>
        %dma_start3A_234 = tpu.memref_slice %arg2[%dma_start3A_231, %add3A_230] : memref<2x800000xi32, #tpu.memory_space<hbm>> -> memref<1x400xi32, #tpu.memory_space<hbm>>
        %dma_start3A_235 = tpu.memref_squeeze %dma_start3A_234 : memref<1x400xi32, #tpu.memory_space<hbm>> -> memref<400xi32, #tpu.memory_space<hbm>>
        tpu.enqueue_dma source(%dma_start3A_235 : memref<400xi32, #tpu.memory_space<hbm>>) target(%arg5 : memref<400xi32, #tpu.memory_space<vmem>>) target_semaphore(%arg12 : memref<!tpu.dma_semaphore, #tpu.memory_space<semaphore_mem>>)
        %dma_start3A_236 = arith.constant 1 : i32
        %dma_start3A_237 = tpu.memref_slice %arg2[%dma_start3A_236, %add3A_230] : memref<2x800000xi32, #tpu.memory_space<hbm>> -> memref<1x400xi32, #tpu.memory_space<hbm>>
        %dma_start3A_238 = tpu.memref_squeeze %dma_start3A_237 : memref<1x400xi32, #tpu.memory_space<hbm>> -> memref<400xi32, #tpu.memory_space<hbm>>
        %dma_start3A_239 = tpu.memref_slice %arg2[%dma_start3A_236, %add3A_230] : memref<2x800000xi32, #tpu.memory_space<hbm>> -> memref<1x400xi32, #tpu.memory_space<hbm>>
        %dma_start3A_240 = tpu.memref_squeeze %dma_start3A_239 : memref<1x400xi32, #tpu.memory_space<hbm>> -> memref<400xi32, #tpu.memory_space<hbm>>
        tpu.enqueue_dma source(%dma_start3A_240 : memref<400xi32, #tpu.memory_space<hbm>>) target(%arg7 : memref<400xi32, #tpu.memory_space<vmem>>) target_semaphore(%arg14 : memref<!tpu.dma_semaphore, #tpu.memory_space<semaphore_mem>>)
        %dma_wait3A_241 = arith.constant 0 : i32
        %dma_wait3A_242 = arith.constant 0 : i32
        %dma_wait3A_243 = tpu.memref_slice %arg3[%dma_wait3A_241, %dma_wait3A_242] : memref<200704x32xf32, #tpu.memory_space<hbm>> -> memref<200704x32xf32, #tpu.memory_space<hbm>>
        tpu.wait_indirect_dma semaphore(%arg17 : memref<!tpu.dma_semaphore, #tpu.memory_space<semaphore_mem>>) src(%dma_wait3A_243 : memref<200704x32xf32, #tpu.memory_space<hbm>>) dst(%arg10 : memref<400x32xf32, #tpu.memory_space<vmem>>)
        %dma_start3A_244 = arith.constant 0 : i32
        %dma_start3A_245 = arith.constant 0 : i32
        %dma_start3A_246 = tpu.memref_slice %arg11[%dma_start3A_244, %dma_start3A_245] : memref<50176x32xf32, #tpu.memory_space<vmem_shared>> -> memref<50176x32xf32, #tpu.memory_space<vmem_shared>>
        tpu.enqueue_indirect_dma source(%arg10 : memref<400x32xf32, #tpu.memory_space<vmem>>) target(%dma_start3A_246 : memref<50176x32xf32, #tpu.memory_space<vmem_shared>>) offsets(%arg8 : memref<400xi32, #tpu.memory_space<vmem>>) semaphore(%arg19 : memref<!tpu.dma_semaphore, #tpu.memory_space<semaphore_mem>>) {add = true}
        %dma_wait3A_247 = arith.constant 0 : i32
        %dma_wait3A_248 = tpu.memref_slice %arg2[%dma_wait3A_247, %mul3A_2] : memref<2x800000xi32, #tpu.memory_space<hbm>> -> memref<1x400xi32, #tpu.memory_space<hbm>>
        %dma_wait3A_249 = tpu.memref_squeeze %dma_wait3A_248 : memref<1x400xi32, #tpu.memory_space<hbm>> -> memref<400xi32, #tpu.memory_space<hbm>>
        %dma_wait3A_250 = tpu.memref_slice %arg2[%dma_wait3A_247, %mul3A_2] : memref<2x800000xi32, #tpu.memory_space<hbm>> -> memref<1x400xi32, #tpu.memory_space<hbm>>
        %dma_wait3A_251 = tpu.memref_squeeze %dma_wait3A_250 : memref<1x400xi32, #tpu.memory_space<hbm>> -> memref<400xi32, #tpu.memory_space<hbm>>
        tpu.wait_dma2 semaphore(%arg12 : memref<!tpu.dma_semaphore, #tpu.memory_space<semaphore_mem>>) src(%dma_wait3A_251 : memref<400xi32, #tpu.memory_space<hbm>>) dst(%arg5 : memref<400xi32, #tpu.memory_space<vmem>>)
        %dma_wait3A_252 = arith.constant 1 : i32
        %dma_wait3A_253 = tpu.memref_slice %arg2[%dma_wait3A_252, %mul3A_2] : memref<2x800000xi32, #tpu.memory_space<hbm>> -> memref<1x400xi32, #tpu.memory_space<hbm>>
        %dma_wait3A_254 = tpu.memref_squeeze %dma_wait3A_253 : memref<1x400xi32, #tpu.memory_space<hbm>> -> memref<400xi32, #tpu.memory_space<hbm>>
        %dma_wait3A_255 = tpu.memref_slice %arg2[%dma_wait3A_252, %mul3A_2] : memref<2x800000xi32, #tpu.memory_space<hbm>> -> memref<1x400xi32, #tpu.memory_space<hbm>>
        %dma_wait3A_256 = tpu.memref_squeeze %dma_wait3A_255 : memref<1x400xi32, #tpu.memory_space<hbm>> -> memref<400xi32, #tpu.memory_space<hbm>>
        tpu.wait_dma2 semaphore(%arg14 : memref<!tpu.dma_semaphore, #tpu.memory_space<semaphore_mem>>) src(%dma_wait3A_256 : memref<400xi32, #tpu.memory_space<hbm>>) dst(%arg7 : memref<400xi32, #tpu.memory_space<vmem>>)
        %scan3A_257 = arith.constant 0 : i32
        %scan3A_258 = arith.constant 0 : i32
        %scan3A_259 = arith.constant 25 : i32
        %scan3A_260 = arith.addi %scan3A_258, %scan3A_259 : i32
        %scan3A_261 = arith.constant 1 : i32
        scf.for %scan3A_266 = %scan3A_258 to %scan3A_260 step %scan3A_261  : i32 {
          %mul3A_267 = arith.constant 16 : i32
          %mul3A_268 = arith.muli %scan3A_266, %mul3A_267 : i32
          %get3A = arith.index_cast %mul3A_268 : i32 to index
          %get3A_269 = tpu.vector_load %arg5[%get3A] {strides = array<i32>} : memref<400xi32, #tpu.memory_space<vmem>>, vector<16xi32>,
          %get3A_270 = vector.shape_cast %get3A_269 : vector<16xi32> to vector<16xi32>
          %mul3A_271 = arith.constant 4 : i32
          %mul3A_272 = vector.broadcast %mul3A_271 : i32 to vector<16xi32>
          %mul3A_273 = arith.muli %get3A_270, %mul3A_272 : vector<16xi32>
          %add3A_274 = arith.constant 0 : i32
          %add3A_275 = vector.broadcast %add3A_274 : i32 to vector<16xi32>
          %add3A_276 = arith.addi %mul3A_273, %add3A_275 : vector<16xi32>
          %mul3A_277 = arith.constant 16 : i32
          %mul3A_278 = arith.muli %scan3A_266, %mul3A_277 : i32
          %swap3A = arith.index_cast %mul3A_278 : i32 to index
          %swap3A_279 = tpu.vector_load %arg5[%swap3A] {strides = array<i32>} : memref<400xi32, #tpu.memory_space<vmem>>, vector<16xi32>,
          %swap3A_280 = vector.shape_cast %swap3A_279 : vector<16xi32> to vector<16xi32>
          %swap3A_281 = vector.shape_cast %add3A_276 : vector<16xi32> to vector<16xi32>
          tpu.vector_store %arg5[%swap3A], %swap3A_281 {strides = array<i32>} : memref<400xi32, #tpu.memory_space<vmem>>, vector<16xi32>,
        }
        %scan3A_262 = arith.constant 25 : i32
        %dma_start3A_263 = arith.constant 0 : i32
        %dma_start3A_264 = arith.constant 0 : i32
        %dma_start3A_265 = tpu.memref_slice %arg3[%dma_start3A_263, %dma_start3A_264] : memref<200704x32xf32, #tpu.memory_space<hbm>> -> memref<200704x32xf32, #tpu.memory_space<hbm>>
        tpu.enqueue_indirect_dma source(%dma_start3A_265 : memref<200704x32xf32, #tpu.memory_space<hbm>>) target(%arg9 : memref<400x32xf32, #tpu.memory_space<vmem>>) offsets(%arg5 : memref<400xi32, #tpu.memory_space<vmem>>) semaphore(%arg16 : memref<!tpu.dma_semaphore, #tpu.memory_space<semaphore_mem>>)
      }
      %scan3A_79 = arith.constant 62 : i32
      %dma_wait3A_80 = arith.constant 0 : i32
      %dma_wait3A_81 = arith.constant 0 : i32
      %dma_wait3A_82 = tpu.memref_slice %arg11[%dma_wait3A_80, %dma_wait3A_81] : memref<50176x32xf32, #tpu.memory_space<vmem_shared>> -> memref<50176x32xf32, #tpu.memory_space<vmem_shared>>
      tpu.wait_indirect_dma semaphore(%arg19 : memref<!tpu.dma_semaphore, #tpu.memory_space<semaphore_mem>>) src(%arg10 : memref<400x32xf32, #tpu.memory_space<vmem>>) dst(%dma_wait3A_82 : memref<50176x32xf32, #tpu.memory_space<vmem_shared>>)
      %dma_wait3A_83 = arith.constant 0 : i32
      %dma_wait3A_84 = arith.constant 0 : i32
      %dma_wait3A_85 = tpu.memref_slice %arg3[%dma_wait3A_83, %dma_wait3A_84] : memref<200704x32xf32, #tpu.memory_space<hbm>> -> memref<200704x32xf32, #tpu.memory_space<hbm>>
      tpu.wait_indirect_dma semaphore(%arg16 : memref<!tpu.dma_semaphore, #tpu.memory_space<semaphore_mem>>) src(%dma_wait3A_85 : memref<200704x32xf32, #tpu.memory_space<hbm>>) dst(%arg9 : memref<400x32xf32, #tpu.memory_space<vmem>>)
      %dma_start3A_86 = arith.constant 0 : i32
      %dma_start3A_87 = arith.constant 0 : i32
      %dma_start3A_88 = tpu.memref_slice %arg11[%dma_start3A_86, %dma_start3A_87] : memref<50176x32xf32, #tpu.memory_space<vmem_shared>> -> memref<50176x32xf32, #tpu.memory_space<vmem_shared>>
      tpu.enqueue_indirect_dma source(%arg9 : memref<400x32xf32, #tpu.memory_space<vmem>>) target(%dma_start3A_88 : memref<50176x32xf32, #tpu.memory_space<vmem_shared>>) offsets(%arg7 : memref<400xi32, #tpu.memory_space<vmem>>) semaphore(%arg18 : memref<!tpu.dma_semaphore, #tpu.memory_space<semaphore_mem>>) {add = true}
      %dma_wait3A_89 = arith.constant 0 : i32
      %dma_wait3A_90 = arith.constant 0 : i32
      %dma_wait3A_91 = tpu.memref_slice %arg11[%dma_wait3A_89, %dma_wait3A_90] : memref<50176x32xf32, #tpu.memory_space<vmem_shared>> -> memref<50176x32xf32, #tpu.memory_space<vmem_shared>>
      tpu.wait_indirect_dma semaphore(%arg18 : memref<!tpu.dma_semaphore, #tpu.memory_space<semaphore_mem>>) src(%arg9 : memref<400x32xf32, #tpu.memory_space<vmem>>) dst(%dma_wait3A_91 : memref<50176x32xf32, #tpu.memory_space<vmem_shared>>)
      %barrier3A_92 = arith.constant 0 : index
      tpu.barrier barrier_id(%barrier3A_92)
      "tpu.region"() ({
        %run_scoped3A = tpu.sem_alloc : memref<!tpu.dma_semaphore, #tpu.memory_space<semaphore_mem>>
        %dma_start3A_177 = arith.constant 0 : i32
        %dma_start3A_178 = tpu.memref_slice %arg4[%mul3A_0, %dma_start3A_177] : memref<50176x128xf32, #tpu.memory_space<hbm>> -> memref<3136x32xf32, #tpu.memory_space<hbm>>
        %dma_start3A_179 = arith.constant 0 : i32
        %dma_start3A_180 = tpu.memref_slice %arg11[%mul3A_0, %dma_start3A_179] : memref<50176x32xf32, #tpu.memory_space<vmem_shared>> -> memref<3136x32xf32, #tpu.memory_space<vmem_shared>>
        tpu.enqueue_dma source(%dma_start3A_180 : memref<3136x32xf32, #tpu.memory_space<vmem_shared>>) target(%dma_start3A_178 : memref<3136x32xf32, #tpu.memory_space<hbm>>) target_semaphore(%run_scoped3A : memref<!tpu.dma_semaphore, #tpu.memory_space<semaphore_mem>>)
        %dma_wait3A_181 = arith.constant 0 : i32
        %dma_wait3A_182 = tpu.memref_slice %arg4[%mul3A_0, %dma_wait3A_181] : memref<50176x128xf32, #tpu.memory_space<hbm>> -> memref<3136x32xf32, #tpu.memory_space<hbm>>
        %dma_wait3A_183 = arith.constant 0 : i32
        %dma_wait3A_184 = tpu.memref_slice %arg11[%mul3A_0, %dma_wait3A_183] : memref<50176x32xf32, #tpu.memory_space<vmem_shared>> -> memref<3136x32xf32, #tpu.memory_space<vmem_shared>>
        tpu.wait_dma2 semaphore(%run_scoped3A : memref<!tpu.dma_semaphore, #tpu.memory_space<semaphore_mem>>) src(%dma_wait3A_184 : memref<3136x32xf32, #tpu.memory_space<vmem_shared>>) dst(%dma_wait3A_182 : memref<3136x32xf32, #tpu.memory_space<hbm>>)
        tpu.yield
      }) : () -> ()
      %barrier3A_93 = arith.constant 0 : index
      tpu.barrier barrier_id(%barrier3A_93)
      %scan3A_94 = arith.constant 0 : i32
      %scan3A_95 = arith.constant 0 : i32
      %scan3A_96 = arith.constant 400 : i32
      %scan3A_97 = arith.addi %scan3A_95, %scan3A_96 : i32
      %scan3A_98 = arith.constant 1 : i32
      scf.for %scan3A_177 = %scan3A_95 to %scan3A_97 step %scan3A_98  : i32 {
        %broadcast_in_dim3A = arith.constant 0.000000e+00 : f32
        %broadcast_in_dim3A_178 = vector.broadcast %broadcast_in_dim3A : f32 to vector<16xf32>
        %swap3A = arith.index_cast %scan3A_177 : i32 to index
        %swap3A_179 = arith.constant 0 : index
        %swap3A_180 = tpu.vector_load %arg9[%swap3A, %swap3A_179] {strides = array<i32>} : memref<400x32xf32, #tpu.memory_space<vmem>>, vector<1x16xf32>,
        %swap3A_181 = vector.shape_cast %swap3A_180 : vector<1x16xf32> to vector<16xf32>
        %swap3A_182 = vector.shape_cast %broadcast_in_dim3A_178 : vector<16xf32> to vector<1x16xf32>
        tpu.vector_store %arg9[%swap3A, %swap3A_179], %swap3A_182 {strides = array<i32>} : memref<400x32xf32, #tpu.memory_space<vmem>>, vector<1x16xf32>,
        %swap3A_183 = arith.index_cast %scan3A_177 : i32 to index
        %swap3A_184 = arith.constant 16 : index
        %swap3A_185 = tpu.vector_load %arg9[%swap3A_183, %swap3A_184] {strides = array<i32>} : memref<400x32xf32, #tpu.memory_space<vmem>>, vector<1x16xf32>,
        %swap3A_186 = vector.shape_cast %swap3A_185 : vector<1x16xf32> to vector<16xf32>
        %swap3A_187 = vector.shape_cast %broadcast_in_dim3A_178 : vector<16xf32> to vector<1x16xf32>
        tpu.vector_store %arg9[%swap3A_183, %swap3A_184], %swap3A_187 {strides = array<i32>} : memref<400x32xf32, #tpu.memory_space<vmem>>, vector<1x16xf32>,
      }
      %scan3A_99 = arith.constant 400 : i32
      %scan3A_100 = arith.constant 0 : i32
      %scan3A_101 = arith.constant 0 : i32
      %scan3A_102 = arith.constant 400 : i32
      %scan3A_103 = arith.addi %scan3A_101, %scan3A_102 : i32
      %scan3A_104 = arith.constant 1 : i32
      scf.for %scan3A_177 = %scan3A_101 to %scan3A_103 step %scan3A_104  : i32 {
        %broadcast_in_dim3A = arith.constant 0.000000e+00 : f32
        %broadcast_in_dim3A_178 = vector.broadcast %broadcast_in_dim3A : f32 to vector<16xf32>
        %swap3A = arith.index_cast %scan3A_177 : i32 to index
        %swap3A_179 = arith.constant 0 : index
        %swap3A_180 = tpu.vector_load %arg10[%swap3A, %swap3A_179] {strides = array<i32>} : memref<400x32xf32, #tpu.memory_space<vmem>>, vector<1x16xf32>,
        %swap3A_181 = vector.shape_cast %swap3A_180 : vector<1x16xf32> to vector<16xf32>
        %swap3A_182 = vector.shape_cast %broadcast_in_dim3A_178 : vector<16xf32> to vector<1x16xf32>
        tpu.vector_store %arg10[%swap3A, %swap3A_179], %swap3A_182 {strides = array<i32>} : memref<400x32xf32, #tpu.memory_space<vmem>>, vector<1x16xf32>,
        %swap3A_183 = arith.index_cast %scan3A_177 : i32 to index
        %swap3A_184 = arith.constant 16 : index
        %swap3A_185 = tpu.vector_load %arg10[%swap3A_183, %swap3A_184] {strides = array<i32>} : memref<400x32xf32, #tpu.memory_space<vmem>>, vector<1x16xf32>,
        %swap3A_186 = vector.shape_cast %swap3A_185 : vector<1x16xf32> to vector<16xf32>
        %swap3A_187 = vector.shape_cast %broadcast_in_dim3A_178 : vector<16xf32> to vector<1x16xf32>
        tpu.vector_store %arg10[%swap3A_183, %swap3A_184], %swap3A_187 {strides = array<i32>} : memref<400x32xf32, #tpu.memory_space<vmem>>, vector<1x16xf32>,
      }
      %scan3A_105 = arith.constant 400 : i32
      %add3A_106 = arith.constant 0 : i32
      %add3A_107 = arith.addi %mul3A_0, %add3A_106 : i32
      "tpu.region"() ({
        %run_scoped3A = tpu.sem_alloc : memref<!tpu.dma_semaphore, #tpu.memory_space<semaphore_mem>>
        %dma_start3A_177 = arith.constant 0 : i32
        %dma_start3A_178 = tpu.memref_slice %arg11[%add3A_107, %dma_start3A_177] : memref<50176x32xf32, #tpu.memory_space<vmem_shared>> -> memref<400x32xf32, #tpu.memory_space<vmem_shared>>
        %dma_start3A_179 = arith.constant 0 : i32
        %dma_start3A_180 = tpu.memref_slice %arg11[%add3A_107, %dma_start3A_179] : memref<50176x32xf32, #tpu.memory_space<vmem_shared>> -> memref<400x32xf32, #tpu.memory_space<vmem_shared>>
        tpu.enqueue_dma source(%arg9 : memref<400x32xf32, #tpu.memory_space<vmem>>) target(%dma_start3A_180 : memref<400x32xf32, #tpu.memory_space<vmem_shared>>) target_semaphore(%run_scoped3A : memref<!tpu.dma_semaphore, #tpu.memory_space<semaphore_mem>>)
        %dma_wait3A_181 = arith.constant 0 : i32
        %dma_wait3A_182 = tpu.memref_slice %arg11[%add3A_107, %dma_wait3A_181] : memref<50176x32xf32, #tpu.memory_space<vmem_shared>> -> memref<400x32xf32, #tpu.memory_space<vmem_shared>>
        %dma_wait3A_183 = arith.constant 0 : i32
        %dma_wait3A_184 = tpu.memref_slice %arg11[%add3A_107, %dma_wait3A_183] : memref<50176x32xf32, #tpu.memory_space<vmem_shared>> -> memref<400x32xf32, #tpu.memory_space<vmem_shared>>
        tpu.wait_dma2 semaphore(%run_scoped3A : memref<!tpu.dma_semaphore, #tpu.memory_space<semaphore_mem>>) src(%arg9 : memref<400x32xf32, #tpu.memory_space<vmem>>) dst(%dma_wait3A_184 : memref<400x32xf32, #tpu.memory_space<vmem_shared>>)
        tpu.yield
      }) : () -> ()
      %add3A_108 = arith.constant 400 : i32
      %add3A_109 = arith.addi %mul3A_0, %add3A_108 : i32
      "tpu.region"() ({
        %run_scoped3A = tpu.sem_alloc : memref<!tpu.dma_semaphore, #tpu.memory_space<semaphore_mem>>
        %dma_start3A_177 = arith.constant 0 : i32
        %dma_start3A_178 = tpu.memref_slice %arg11[%add3A_109, %dma_start3A_177] : memref<50176x32xf32, #tpu.memory_space<vmem_shared>> -> memref<400x32xf32, #tpu.memory_space<vmem_shared>>
        %dma_start3A_179 = arith.constant 0 : i32
        %dma_start3A_180 = tpu.memref_slice %arg11[%add3A_109, %dma_start3A_179] : memref<50176x32xf32, #tpu.memory_space<vmem_shared>> -> memref<400x32xf32, #tpu.memory_space<vmem_shared>>
        tpu.enqueue_dma source(%arg9 : memref<400x32xf32, #tpu.memory_space<vmem>>) target(%dma_start3A_180 : memref<400x32xf32, #tpu.memory_space<vmem_shared>>) target_semaphore(%run_scoped3A : memref<!tpu.dma_semaphore, #tpu.memory_space<semaphore_mem>>)
        %dma_wait3A_181 = arith.constant 0 : i32
        %dma_wait3A_182 = tpu.memref_slice %arg11[%add3A_109, %dma_wait3A_181] : memref<50176x32xf32, #tpu.memory_space<vmem_shared>> -> memref<400x32xf32, #tpu.memory_space<vmem_shared>>
        %dma_wait3A_183 = arith.constant 0 : i32
        %dma_wait3A_184 = tpu.memref_slice %arg11[%add3A_109, %dma_wait3A_183] : memref<50176x32xf32, #tpu.memory_space<vmem_shared>> -> memref<400x32xf32, #tpu.memory_space<vmem_shared>>
        tpu.wait_dma2 semaphore(%run_scoped3A : memref<!tpu.dma_semaphore, #tpu.memory_space<semaphore_mem>>) src(%arg9 : memref<400x32xf32, #tpu.memory_space<vmem>>) dst(%dma_wait3A_184 : memref<400x32xf32, #tpu.memory_space<vmem_shared>>)
        tpu.yield
      }) : () -> ()
      %add3A_110 = arith.constant 800 : i32
      %add3A_111 = arith.addi %mul3A_0, %add3A_110 : i32
      "tpu.region"() ({
        %run_scoped3A = tpu.sem_alloc : memref<!tpu.dma_semaphore, #tpu.memory_space<semaphore_mem>>
        %dma_start3A_177 = arith.constant 0 : i32
        %dma_start3A_178 = tpu.memref_slice %arg11[%add3A_111, %dma_start3A_177] : memref<50176x32xf32, #tpu.memory_space<vmem_shared>> -> memref<400x32xf32, #tpu.memory_space<vmem_shared>>
        %dma_start3A_179 = arith.constant 0 : i32
        %dma_start3A_180 = tpu.memref_slice %arg11[%add3A_111, %dma_start3A_179] : memref<50176x32xf32, #tpu.memory_space<vmem_shared>> -> memref<400x32xf32, #tpu.memory_space<vmem_shared>>
        tpu.enqueue_dma source(%arg9 : memref<400x32xf32, #tpu.memory_space<vmem>>) target(%dma_start3A_180 : memref<400x32xf32, #tpu.memory_space<vmem_shared>>) target_semaphore(%run_scoped3A : memref<!tpu.dma_semaphore, #tpu.memory_space<semaphore_mem>>)
        %dma_wait3A_181 = arith.constant 0 : i32
        %dma_wait3A_182 = tpu.memref_slice %arg11[%add3A_111, %dma_wait3A_181] : memref<50176x32xf32, #tpu.memory_space<vmem_shared>> -> memref<400x32xf32, #tpu.memory_space<vmem_shared>>
        %dma_wait3A_183 = arith.constant 0 : i32
        %dma_wait3A_184 = tpu.memref_slice %arg11[%add3A_111, %dma_wait3A_183] : memref<50176x32xf32, #tpu.memory_space<vmem_shared>> -> memref<400x32xf32, #tpu.memory_space<vmem_shared>>
        tpu.wait_dma2 semaphore(%run_scoped3A : memref<!tpu.dma_semaphore, #tpu.memory_space<semaphore_mem>>) src(%arg9 : memref<400x32xf32, #tpu.memory_space<vmem>>) dst(%dma_wait3A_184 : memref<400x32xf32, #tpu.memory_space<vmem_shared>>)
        tpu.yield
      }) : () -> ()
      %add3A_112 = arith.constant 1200 : i32
      %add3A_113 = arith.addi %mul3A_0, %add3A_112 : i32
      "tpu.region"() ({
        %run_scoped3A = tpu.sem_alloc : memref<!tpu.dma_semaphore, #tpu.memory_space<semaphore_mem>>
        %dma_start3A_177 = arith.constant 0 : i32
        %dma_start3A_178 = tpu.memref_slice %arg11[%add3A_113, %dma_start3A_177] : memref<50176x32xf32, #tpu.memory_space<vmem_shared>> -> memref<400x32xf32, #tpu.memory_space<vmem_shared>>
        %dma_start3A_179 = arith.constant 0 : i32
        %dma_start3A_180 = tpu.memref_slice %arg11[%add3A_113, %dma_start3A_179] : memref<50176x32xf32, #tpu.memory_space<vmem_shared>> -> memref<400x32xf32, #tpu.memory_space<vmem_shared>>
        tpu.enqueue_dma source(%arg9 : memref<400x32xf32, #tpu.memory_space<vmem>>) target(%dma_start3A_180 : memref<400x32xf32, #tpu.memory_space<vmem_shared>>) target_semaphore(%run_scoped3A : memref<!tpu.dma_semaphore, #tpu.memory_space<semaphore_mem>>)
        %dma_wait3A_181 = arith.constant 0 : i32
        %dma_wait3A_182 = tpu.memref_slice %arg11[%add3A_113, %dma_wait3A_181] : memref<50176x32xf32, #tpu.memory_space<vmem_shared>> -> memref<400x32xf32, #tpu.memory_space<vmem_shared>>
        %dma_wait3A_183 = arith.constant 0 : i32
        %dma_wait3A_184 = tpu.memref_slice %arg11[%add3A_113, %dma_wait3A_183] : memref<50176x32xf32, #tpu.memory_space<vmem_shared>> -> memref<400x32xf32, #tpu.memory_space<vmem_shared>>
        tpu.wait_dma2 semaphore(%run_scoped3A : memref<!tpu.dma_semaphore, #tpu.memory_space<semaphore_mem>>) src(%arg9 : memref<400x32xf32, #tpu.memory_space<vmem>>) dst(%dma_wait3A_184 : memref<400x32xf32, #tpu.memory_space<vmem_shared>>)
        tpu.yield
      }) : () -> ()
      %add3A_114 = arith.constant 1600 : i32
      %add3A_115 = arith.addi %mul3A_0, %add3A_114 : i32
      "tpu.region"() ({
        %run_scoped3A = tpu.sem_alloc : memref<!tpu.dma_semaphore, #tpu.memory_space<semaphore_mem>>
        %dma_start3A_177 = arith.constant 0 : i32
        %dma_start3A_178 = tpu.memref_slice %arg11[%add3A_115, %dma_start3A_177] : memref<50176x32xf32, #tpu.memory_space<vmem_shared>> -> memref<400x32xf32, #tpu.memory_space<vmem_shared>>
        %dma_start3A_179 = arith.constant 0 : i32
        %dma_start3A_180 = tpu.memref_slice %arg11[%add3A_115, %dma_start3A_179] : memref<50176x32xf32, #tpu.memory_space<vmem_shared>> -> memref<400x32xf32, #tpu.memory_space<vmem_shared>>
        tpu.enqueue_dma source(%arg9 : memref<400x32xf32, #tpu.memory_space<vmem>>) target(%dma_start3A_180 : memref<400x32xf32, #tpu.memory_space<vmem_shared>>) target_semaphore(%run_scoped3A : memref<!tpu.dma_semaphore, #tpu.memory_space<semaphore_mem>>)
        %dma_wait3A_181 = arith.constant 0 : i32
        %dma_wait3A_182 = tpu.memref_slice %arg11[%add3A_115, %dma_wait3A_181] : memref<50176x32xf32, #tpu.memory_space<vmem_shared>> -> memref<400x32xf32, #tpu.memory_space<vmem_shared>>
        %dma_wait3A_183 = arith.constant 0 : i32
        %dma_wait3A_184 = tpu.memref_slice %arg11[%add3A_115, %dma_wait3A_183] : memref<50176x32xf32, #tpu.memory_space<vmem_shared>> -> memref<400x32xf32, #tpu.memory_space<vmem_shared>>
        tpu.wait_dma2 semaphore(%run_scoped3A : memref<!tpu.dma_semaphore, #tpu.memory_space<semaphore_mem>>) src(%arg9 : memref<400x32xf32, #tpu.memory_space<vmem>>) dst(%dma_wait3A_184 : memref<400x32xf32, #tpu.memory_space<vmem_shared>>)
        tpu.yield
      }) : () -> ()
      %add3A_116 = arith.constant 2000 : i32
      %add3A_117 = arith.addi %mul3A_0, %add3A_116 : i32
      "tpu.region"() ({
        %run_scoped3A = tpu.sem_alloc : memref<!tpu.dma_semaphore, #tpu.memory_space<semaphore_mem>>
        %dma_start3A_177 = arith.constant 0 : i32
        %dma_start3A_178 = tpu.memref_slice %arg11[%add3A_117, %dma_start3A_177] : memref<50176x32xf32, #tpu.memory_space<vmem_shared>> -> memref<400x32xf32, #tpu.memory_space<vmem_shared>>
        %dma_start3A_179 = arith.constant 0 : i32
        %dma_start3A_180 = tpu.memref_slice %arg11[%add3A_117, %dma_start3A_179] : memref<50176x32xf32, #tpu.memory_space<vmem_shared>> -> memref<400x32xf32, #tpu.memory_space<vmem_shared>>
        tpu.enqueue_dma source(%arg9 : memref<400x32xf32, #tpu.memory_space<vmem>>) target(%dma_start3A_180 : memref<400x32xf32, #tpu.memory_space<vmem_shared>>) target_semaphore(%run_scoped3A : memref<!tpu.dma_semaphore, #tpu.memory_space<semaphore_mem>>)
        %dma_wait3A_181 = arith.constant 0 : i32
        %dma_wait3A_182 = tpu.memref_slice %arg11[%add3A_117, %dma_wait3A_181] : memref<50176x32xf32, #tpu.memory_space<vmem_shared>> -> memref<400x32xf32, #tpu.memory_space<vmem_shared>>
        %dma_wait3A_183 = arith.constant 0 : i32
        %dma_wait3A_184 = tpu.memref_slice %arg11[%add3A_117, %dma_wait3A_183] : memref<50176x32xf32, #tpu.memory_space<vmem_shared>> -> memref<400x32xf32, #tpu.memory_space<vmem_shared>>
        tpu.wait_dma2 semaphore(%run_scoped3A : memref<!tpu.dma_semaphore, #tpu.memory_space<semaphore_mem>>) src(%arg9 : memref<400x32xf32, #tpu.memory_space<vmem>>) dst(%dma_wait3A_184 : memref<400x32xf32, #tpu.memory_space<vmem_shared>>)
        tpu.yield
      }) : () -> ()
      %add3A_118 = arith.constant 2400 : i32
      %add3A_119 = arith.addi %mul3A_0, %add3A_118 : i32
      "tpu.region"() ({
        %run_scoped3A = tpu.sem_alloc : memref<!tpu.dma_semaphore, #tpu.memory_space<semaphore_mem>>
        %dma_start3A_177 = arith.constant 0 : i32
        %dma_start3A_178 = tpu.memref_slice %arg11[%add3A_119, %dma_start3A_177] : memref<50176x32xf32, #tpu.memory_space<vmem_shared>> -> memref<400x32xf32, #tpu.memory_space<vmem_shared>>
        %dma_start3A_179 = arith.constant 0 : i32
        %dma_start3A_180 = tpu.memref_slice %arg11[%add3A_119, %dma_start3A_179] : memref<50176x32xf32, #tpu.memory_space<vmem_shared>> -> memref<400x32xf32, #tpu.memory_space<vmem_shared>>
        tpu.enqueue_dma source(%arg9 : memref<400x32xf32, #tpu.memory_space<vmem>>) target(%dma_start3A_180 : memref<400x32xf32, #tpu.memory_space<vmem_shared>>) target_semaphore(%run_scoped3A : memref<!tpu.dma_semaphore, #tpu.memory_space<semaphore_mem>>)
        %dma_wait3A_181 = arith.constant 0 : i32
        %dma_wait3A_182 = tpu.memref_slice %arg11[%add3A_119, %dma_wait3A_181] : memref<50176x32xf32, #tpu.memory_space<vmem_shared>> -> memref<400x32xf32, #tpu.memory_space<vmem_shared>>
        %dma_wait3A_183 = arith.constant 0 : i32
        %dma_wait3A_184 = tpu.memref_slice %arg11[%add3A_119, %dma_wait3A_183] : memref<50176x32xf32, #tpu.memory_space<vmem_shared>> -> memref<400x32xf32, #tpu.memory_space<vmem_shared>>
        tpu.wait_dma2 semaphore(%run_scoped3A : memref<!tpu.dma_semaphore, #tpu.memory_space<semaphore_mem>>) src(%arg9 : memref<400x32xf32, #tpu.memory_space<vmem>>) dst(%dma_wait3A_184 : memref<400x32xf32, #tpu.memory_space<vmem_shared>>)
        tpu.yield
      }) : () -> ()
      %add3A_120 = arith.constant 2800 : i32
      %add3A_121 = arith.addi %mul3A_0, %add3A_120 : i32
      "tpu.region"() ({
        %run_scoped3A = tpu.sem_alloc : memref<!tpu.dma_semaphore, #tpu.memory_space<semaphore_mem>>
        %dma_start3A_177 = arith.constant 0 : i32
        %dma_start3A_178 = arith.constant 0 : i32
        %dma_start3A_179 = tpu.memref_slice %arg9[%dma_start3A_177, %dma_start3A_178] : memref<400x32xf32, #tpu.memory_space<vmem>> -> memref<336x32xf32, #tpu.memory_space<vmem>>
        %dma_start3A_180 = arith.constant 0 : i32
        %dma_start3A_181 = tpu.memref_slice %arg11[%add3A_121, %dma_start3A_180] : memref<50176x32xf32, #tpu.memory_space<vmem_shared>> -> memref<336x32xf32, #tpu.memory_space<vmem_shared>>
        %dma_start3A_182 = arith.constant 0 : i32
        %dma_start3A_183 = tpu.memref_slice %arg11[%add3A_121, %dma_start3A_182] : memref<50176x32xf32, #tpu.memory_space<vmem_shared>> -> memref<336x32xf32, #tpu.memory_space<vmem_shared>>
        %dma_start3A_184 = arith.constant 0 : i32
        %dma_start3A_185 = arith.constant 0 : i32
        %dma_start3A_186 = tpu.memref_slice %arg9[%dma_start3A_184, %dma_start3A_185] : memref<400x32xf32, #tpu.memory_space<vmem>> -> memref<336x32xf32, #tpu.memory_space<vmem>>
        tpu.enqueue_dma source(%dma_start3A_186 : memref<336x32xf32, #tpu.memory_space<vmem>>) target(%dma_start3A_183 : memref<336x32xf32, #tpu.memory_space<vmem_shared>>) target_semaphore(%run_scoped3A : memref<!tpu.dma_semaphore, #tpu.memory_space<semaphore_mem>>)
        %dma_wait3A_187 = arith.constant 0 : i32
        %dma_wait3A_188 = arith.constant 0 : i32
        %dma_wait3A_189 = tpu.memref_slice %arg9[%dma_wait3A_187, %dma_wait3A_188] : memref<400x32xf32, #tpu.memory_space<vmem>> -> memref<336x32xf32, #tpu.memory_space<vmem>>
        %dma_wait3A_190 = arith.constant 0 : i32
        %dma_wait3A_191 = tpu.memref_slice %arg11[%add3A_121, %dma_wait3A_190] : memref<50176x32xf32, #tpu.memory_space<vmem_shared>> -> memref<336x32xf32, #tpu.memory_space<vmem_shared>>
        %dma_wait3A_192 = arith.constant 0 : i32
        %dma_wait3A_193 = tpu.memref_slice %arg11[%add3A_121, %dma_wait3A_192] : memref<50176x32xf32, #tpu.memory_space<vmem_shared>> -> memref<336x32xf32, #tpu.memory_space<vmem_shared>>
        %dma_wait3A_194 = arith.constant 0 : i32
        %dma_wait3A_195 = arith.constant 0 : i32
        %dma_wait3A_196 = tpu.memref_slice %arg9[%dma_wait3A_194, %dma_wait3A_195] : memref<400x32xf32, #tpu.memory_space<vmem>> -> memref<336x32xf32, #tpu.memory_space<vmem>>
        tpu.wait_dma2 semaphore(%run_scoped3A : memref<!tpu.dma_semaphore, #tpu.memory_space<semaphore_mem>>) src(%dma_wait3A_196 : memref<336x32xf32, #tpu.memory_space<vmem>>) dst(%dma_wait3A_193 : memref<336x32xf32, #tpu.memory_space<vmem_shared>>)
        tpu.yield
      }) : () -> ()
      %barrier3A_122 = arith.constant 0 : index
      tpu.barrier barrier_id(%barrier3A_122)
      %add3A_123 = arith.constant 0 : i32
      %add3A_124 = arith.addi %mul3A_2, %add3A_123 : i32
      %dma_start3A_125 = arith.constant 0 : i32
      %dma_start3A_126 = tpu.memref_slice %arg2[%dma_start3A_125, %add3A_124] : memref<2x800000xi32, #tpu.memory_space<hbm>> -> memref<1x400xi32, #tpu.memory_space<hbm>>
      %dma_start3A_127 = tpu.memref_squeeze %dma_start3A_126 : memref<1x400xi32, #tpu.memory_space<hbm>> -> memref<400xi32, #tpu.memory_space<hbm>>
      %dma_start3A_128 = tpu.memref_slice %arg2[%dma_start3A_125, %add3A_124] : memref<2x800000xi32, #tpu.memory_space<hbm>> -> memref<1x400xi32, #tpu.memory_space<hbm>>
      %dma_start3A_129 = tpu.memref_squeeze %dma_start3A_128 : memref<1x400xi32, #tpu.memory_space<hbm>> -> memref<400xi32, #tpu.memory_space<hbm>>
      tpu.enqueue_dma source(%dma_start3A_129 : memref<400xi32, #tpu.memory_space<hbm>>) target(%arg5 : memref<400xi32, #tpu.memory_space<vmem>>) target_semaphore(%arg12 : memref<!tpu.dma_semaphore, #tpu.memory_space<semaphore_mem>>)
      %dma_start3A_130 = arith.constant 1 : i32
      %dma_start3A_131 = tpu.memref_slice %arg2[%dma_start3A_130, %add3A_124] : memref<2x800000xi32, #tpu.memory_space<hbm>> -> memref<1x400xi32, #tpu.memory_space<hbm>>
      %dma_start3A_132 = tpu.memref_squeeze %dma_start3A_131 : memref<1x400xi32, #tpu.memory_space<hbm>> -> memref<400xi32, #tpu.memory_space<hbm>>
      %dma_start3A_133 = tpu.memref_slice %arg2[%dma_start3A_130, %add3A_124] : memref<2x800000xi32, #tpu.memory_space<hbm>> -> memref<1x400xi32, #tpu.memory_space<hbm>>
      %dma_start3A_134 = tpu.memref_squeeze %dma_start3A_133 : memref<1x400xi32, #tpu.memory_space<hbm>> -> memref<400xi32, #tpu.memory_space<hbm>>
      tpu.enqueue_dma source(%dma_start3A_134 : memref<400xi32, #tpu.memory_space<hbm>>) target(%arg7 : memref<400xi32, #tpu.memory_space<vmem>>) target_semaphore(%arg14 : memref<!tpu.dma_semaphore, #tpu.memory_space<semaphore_mem>>)
      %dma_wait3A_135 = arith.constant 0 : i32
      %dma_wait3A_136 = tpu.memref_slice %arg2[%dma_wait3A_135, %mul3A_2] : memref<2x800000xi32, #tpu.memory_space<hbm>> -> memref<1x400xi32, #tpu.memory_space<hbm>>
      %dma_wait3A_137 = tpu.memref_squeeze %dma_wait3A_136 : memref<1x400xi32, #tpu.memory_space<hbm>> -> memref<400xi32, #tpu.memory_space<hbm>>
      %dma_wait3A_138 = tpu.memref_slice %arg2[%dma_wait3A_135, %mul3A_2] : memref<2x800000xi32, #tpu.memory_space<hbm>> -> memref<1x400xi32, #tpu.memory_space<hbm>>
      %dma_wait3A_139 = tpu.memref_squeeze %dma_wait3A_138 : memref<1x400xi32, #tpu.memory_space<hbm>> -> memref<400xi32, #tpu.memory_space<hbm>>
      tpu.wait_dma2 semaphore(%arg12 : memref<!tpu.dma_semaphore, #tpu.memory_space<semaphore_mem>>) src(%dma_wait3A_139 : memref<400xi32, #tpu.memory_space<hbm>>) dst(%arg5 : memref<400xi32, #tpu.memory_space<vmem>>)
      %dma_wait3A_140 = arith.constant 1 : i32
      %dma_wait3A_141 = tpu.memref_slice %arg2[%dma_wait3A_140, %mul3A_2] : memref<2x800000xi32, #tpu.memory_space<hbm>> -> memref<1x400xi32, #tpu.memory_space<hbm>>
      %dma_wait3A_142 = tpu.memref_squeeze %dma_wait3A_141 : memref<1x400xi32, #tpu.memory_space<hbm>> -> memref<400xi32, #tpu.memory_space<hbm>>
      %dma_wait3A_143 = tpu.memref_slice %arg2[%dma_wait3A_140, %mul3A_2] : memref<2x800000xi32, #tpu.memory_space<hbm>> -> memref<1x400xi32, #tpu.memory_space<hbm>>
      %dma_wait3A_144 = tpu.memref_squeeze %dma_wait3A_143 : memref<1x400xi32, #tpu.memory_space<hbm>> -> memref<400xi32, #tpu.memory_space<hbm>>
      tpu.wait_dma2 semaphore(%arg14 : memref<!tpu.dma_semaphore, #tpu.memory_space<semaphore_mem>>) src(%dma_wait3A_144 : memref<400xi32, #tpu.memory_space<hbm>>) dst(%arg7 : memref<400xi32, #tpu.memory_space<vmem>>)
      %scan3A_145 = arith.constant 0 : i32
      %scan3A_146 = arith.constant 0 : i32
      %scan3A_147 = arith.constant 25 : i32
      %scan3A_148 = arith.addi %scan3A_146, %scan3A_147 : i32
      %scan3A_149 = arith.constant 1 : i32
      scf.for %scan3A_177 = %scan3A_146 to %scan3A_148 step %scan3A_149  : i32 {
        %mul3A_178 = arith.constant 16 : i32
        %mul3A_179 = arith.muli %scan3A_177, %mul3A_178 : i32
        %get3A = arith.index_cast %mul3A_179 : i32 to index
        %get3A_180 = tpu.vector_load %arg5[%get3A] {strides = array<i32>} : memref<400xi32, #tpu.memory_space<vmem>>, vector<16xi32>,
        %get3A_181 = vector.shape_cast %get3A_180 : vector<16xi32> to vector<16xi32>
        %mul3A_182 = arith.constant 4 : i32
        %mul3A_183 = vector.broadcast %mul3A_182 : i32 to vector<16xi32>
        %mul3A_184 = arith.muli %get3A_181, %mul3A_183 : vector<16xi32>
        %add3A_185 = arith.constant 1 : i32
        %add3A_186 = vector.broadcast %add3A_185 : i32 to vector<16xi32>
        %add3A_187 = arith.addi %mul3A_184, %add3A_186 : vector<16xi32>
        %mul3A_188 = arith.constant 16 : i32
        %mul3A_189 = arith.muli %scan3A_177, %mul3A_188 : i32
        %swap3A = arith.index_cast %mul3A_189 : i32 to index
        %swap3A_190 = tpu.vector_load %arg5[%swap3A] {strides = array<i32>} : memref<400xi32, #tpu.memory_space<vmem>>, vector<16xi32>,
        %swap3A_191 = vector.shape_cast %swap3A_190 : vector<16xi32> to vector<16xi32>
        %swap3A_192 = vector.shape_cast %add3A_187 : vector<16xi32> to vector<16xi32>
        tpu.vector_store %arg5[%swap3A], %swap3A_192 {strides = array<i32>} : memref<400xi32, #tpu.memory_space<vmem>>, vector<16xi32>,
      }
      %scan3A_150 = arith.constant 25 : i32
      %dma_start3A_151 = arith.constant 0 : i32
      %dma_start3A_152 = arith.constant 0 : i32
      %dma_start3A_153 = tpu.memref_slice %arg3[%dma_start3A_151, %dma_start3A_152] : memref<200704x32xf32, #tpu.memory_space<hbm>> -> memref<200704x32xf32, #tpu.memory_space<hbm>>
      tpu.enqueue_indirect_dma source(%dma_start3A_153 : memref<200704x32xf32, #tpu.memory_space<hbm>>) target(%arg9 : memref<400x32xf32, #tpu.memory_space<vmem>>) offsets(%arg5 : memref<400xi32, #tpu.memory_space<vmem>>) semaphore(%arg16 : memref<!tpu.dma_semaphore, #tpu.memory_space<semaphore_mem>>)
      %dma_start3A_154 = arith.constant 0 : i32
      %dma_start3A_155 = arith.constant 0 : i32
      %dma_start3A_156 = tpu.memref_slice %arg11[%dma_start3A_154, %dma_start3A_155] : memref<50176x32xf32, #tpu.memory_space<vmem_shared>> -> memref<50176x32xf32, #tpu.memory_space<vmem_shared>>
      tpu.enqueue_indirect_dma source(%arg10 : memref<400x32xf32, #tpu.memory_space<vmem>>) target(%dma_start3A_156 : memref<50176x32xf32, #tpu.memory_space<vmem_shared>>) offsets(%arg8 : memref<400xi32, #tpu.memory_space<vmem>>) semaphore(%arg19 : memref<!tpu.dma_semaphore, #tpu.memory_space<semaphore_mem>>) {add = true}
      %scan3A_157 = arith.constant 0 : i32
      %scan3A_158 = arith.constant 0 : i32
      %scan3A_159 = arith.constant 62 : i32
      %scan3A_160 = arith.addi %scan3A_158, %scan3A_159 : i32
      %scan3A_161 = arith.constant 1 : i32
      scf.for %scan3A_177 = %scan3A_158 to %scan3A_160 step %scan3A_161  : i32 {
        %mul3A_178 = arith.constant 2 : i32
        %mul3A_179 = arith.muli %mul3A_178, %scan3A_177 : i32
        %dma_wait3A_180 = arith.constant 0 : i32
        %dma_wait3A_181 = arith.constant 0 : i32
        %dma_wait3A_182 = tpu.memref_slice %arg11[%dma_wait3A_180, %dma_wait3A_181] : memref<50176x32xf32, #tpu.memory_space<vmem_shared>> -> memref<50176x32xf32, #tpu.memory_space<vmem_shared>>
        tpu.wait_indirect_dma semaphore(%arg19 : memref<!tpu.dma_semaphore, #tpu.memory_space<semaphore_mem>>) src(%arg10 : memref<400x32xf32, #tpu.memory_space<vmem>>) dst(%dma_wait3A_182 : memref<50176x32xf32, #tpu.memory_space<vmem_shared>>)
        %add3A_183 = arith.constant 1 : i32
        %add3A_184 = arith.addi %mul3A_179, %add3A_183 : i32
        %mul3A_185 = arith.constant 400 : i32
        %mul3A_186 = arith.muli %add3A_184, %mul3A_185 : i32
        %add3A_187 = arith.addi %mul3A_2, %mul3A_186 : i32
        %dma_start3A_188 = arith.constant 0 : i32
        %dma_start3A_189 = tpu.memref_slice %arg2[%dma_start3A_188, %add3A_187] : memref<2x800000xi32, #tpu.memory_space<hbm>> -> memref<1x400xi32, #tpu.memory_space<hbm>>
        %dma_start3A_190 = tpu.memref_squeeze %dma_start3A_189 : memref<1x400xi32, #tpu.memory_space<hbm>> -> memref<400xi32, #tpu.memory_space<hbm>>
        %dma_start3A_191 = tpu.memref_slice %arg2[%dma_start3A_188, %add3A_187] : memref<2x800000xi32, #tpu.memory_space<hbm>> -> memref<1x400xi32, #tpu.memory_space<hbm>>
        %dma_start3A_192 = tpu.memref_squeeze %dma_start3A_191 : memref<1x400xi32, #tpu.memory_space<hbm>> -> memref<400xi32, #tpu.memory_space<hbm>>
        tpu.enqueue_dma source(%dma_start3A_192 : memref<400xi32, #tpu.memory_space<hbm>>) target(%arg6 : memref<400xi32, #tpu.memory_space<vmem>>) target_semaphore(%arg13 : memref<!tpu.dma_semaphore, #tpu.memory_space<semaphore_mem>>)
        %dma_start3A_193 = arith.constant 1 : i32
        %dma_start3A_194 = tpu.memref_slice %arg2[%dma_start3A_193, %add3A_187] : memref<2x800000xi32, #tpu.memory_space<hbm>> -> memref<1x400xi32, #tpu.memory_space<hbm>>
        %dma_start3A_195 = tpu.memref_squeeze %dma_start3A_194 : memref<1x400xi32, #tpu.memory_space<hbm>> -> memref<400xi32, #tpu.memory_space<hbm>>
        %dma_start3A_196 = tpu.memref_slice %arg2[%dma_start3A_193, %add3A_187] : memref<2x800000xi32, #tpu.memory_space<hbm>> -> memref<1x400xi32, #tpu.memory_space<hbm>>
        %dma_start3A_197 = tpu.memref_squeeze %dma_start3A_196 : memref<1x400xi32, #tpu.memory_space<hbm>> -> memref<400xi32, #tpu.memory_space<hbm>>
        tpu.enqueue_dma source(%dma_start3A_197 : memref<400xi32, #tpu.memory_space<hbm>>) target(%arg8 : memref<400xi32, #tpu.memory_space<vmem>>) target_semaphore(%arg15 : memref<!tpu.dma_semaphore, #tpu.memory_space<semaphore_mem>>)
        %dma_wait3A_198 = arith.constant 0 : i32
        %dma_wait3A_199 = arith.constant 0 : i32
        %dma_wait3A_200 = tpu.memref_slice %arg3[%dma_wait3A_198, %dma_wait3A_199] : memref<200704x32xf32, #tpu.memory_space<hbm>> -> memref<200704x32xf32, #tpu.memory_space<hbm>>
        tpu.wait_indirect_dma semaphore(%arg16 : memref<!tpu.dma_semaphore, #tpu.memory_space<semaphore_mem>>) src(%dma_wait3A_200 : memref<200704x32xf32, #tpu.memory_space<hbm>>) dst(%arg9 : memref<400x32xf32, #tpu.memory_space<vmem>>)
        %dma_start3A_201 = arith.constant 0 : i32
        %dma_start3A_202 = arith.constant 0 : i32
        %dma_start3A_203 = tpu.memref_slice %arg11[%dma_start3A_201, %dma_start3A_202] : memref<50176x32xf32, #tpu.memory_space<vmem_shared>> -> memref<50176x32xf32, #tpu.memory_space<vmem_shared>>
        tpu.enqueue_indirect_dma source(%arg9 : memref<400x32xf32, #tpu.memory_space<vmem>>) target(%dma_start3A_203 : memref<50176x32xf32, #tpu.memory_space<vmem_shared>>) offsets(%arg7 : memref<400xi32, #tpu.memory_space<vmem>>) semaphore(%arg18 : memref<!tpu.dma_semaphore, #tpu.memory_space<semaphore_mem>>) {add = true}
        %dma_wait3A_204 = arith.constant 0 : i32
        %dma_wait3A_205 = tpu.memref_slice %arg2[%dma_wait3A_204, %mul3A_2] : memref<2x800000xi32, #tpu.memory_space<hbm>> -> memref<1x400xi32, #tpu.memory_space<hbm>>
        %dma_wait3A_206 = tpu.memref_squeeze %dma_wait3A_205 : memref<1x400xi32, #tpu.memory_space<hbm>> -> memref<400xi32, #tpu.memory_space<hbm>>
        %dma_wait3A_207 = tpu.memref_slice %arg2[%dma_wait3A_204, %mul3A_2] : memref<2x800000xi32, #tpu.memory_space<hbm>> -> memref<1x400xi32, #tpu.memory_space<hbm>>
        %dma_wait3A_208 = tpu.memref_squeeze %dma_wait3A_207 : memref<1x400xi32, #tpu.memory_space<hbm>> -> memref<400xi32, #tpu.memory_space<hbm>>
        tpu.wait_dma2 semaphore(%arg13 : memref<!tpu.dma_semaphore, #tpu.memory_space<semaphore_mem>>) src(%dma_wait3A_208 : memref<400xi32, #tpu.memory_space<hbm>>) dst(%arg6 : memref<400xi32, #tpu.memory_space<vmem>>)
        %dma_wait3A_209 = arith.constant 1 : i32
        %dma_wait3A_210 = tpu.memref_slice %arg2[%dma_wait3A_209, %mul3A_2] : memref<2x800000xi32, #tpu.memory_space<hbm>> -> memref<1x400xi32, #tpu.memory_space<hbm>>
        %dma_wait3A_211 = tpu.memref_squeeze %dma_wait3A_210 : memref<1x400xi32, #tpu.memory_space<hbm>> -> memref<400xi32, #tpu.memory_space<hbm>>
        %dma_wait3A_212 = tpu.memref_slice %arg2[%dma_wait3A_209, %mul3A_2] : memref<2x800000xi32, #tpu.memory_space<hbm>> -> memref<1x400xi32, #tpu.memory_space<hbm>>
        %dma_wait3A_213 = tpu.memref_squeeze %dma_wait3A_212 : memref<1x400xi32, #tpu.memory_space<hbm>> -> memref<400xi32, #tpu.memory_space<hbm>>
        tpu.wait_dma2 semaphore(%arg15 : memref<!tpu.dma_semaphore, #tpu.memory_space<semaphore_mem>>) src(%dma_wait3A_213 : memref<400xi32, #tpu.memory_space<hbm>>) dst(%arg8 : memref<400xi32, #tpu.memory_space<vmem>>)
        %scan3A_214 = arith.constant 0 : i32
        %scan3A_215 = arith.constant 0 : i32
        %scan3A_216 = arith.constant 25 : i32
        %scan3A_217 = arith.addi %scan3A_215, %scan3A_216 : i32
        %scan3A_218 = arith.constant 1 : i32
        scf.for %scan3A_266 = %scan3A_215 to %scan3A_217 step %scan3A_218  : i32 {
          %mul3A_267 = arith.constant 16 : i32
          %mul3A_268 = arith.muli %scan3A_266, %mul3A_267 : i32
          %get3A = arith.index_cast %mul3A_268 : i32 to index
          %get3A_269 = tpu.vector_load %arg6[%get3A] {strides = array<i32>} : memref<400xi32, #tpu.memory_space<vmem>>, vector<16xi32>,
          %get3A_270 = vector.shape_cast %get3A_269 : vector<16xi32> to vector<16xi32>
          %mul3A_271 = arith.constant 4 : i32
          %mul3A_272 = vector.broadcast %mul3A_271 : i32 to vector<16xi32>
          %mul3A_273 = arith.muli %get3A_270, %mul3A_272 : vector<16xi32>
          %add3A_274 = arith.constant 1 : i32
          %add3A_275 = vector.broadcast %add3A_274 : i32 to vector<16xi32>
          %add3A_276 = arith.addi %mul3A_273, %add3A_275 : vector<16xi32>
          %mul3A_277 = arith.constant 16 : i32
          %mul3A_278 = arith.muli %scan3A_266, %mul3A_277 : i32
          %swap3A = arith.index_cast %mul3A_278 : i32 to index
          %swap3A_279 = tpu.vector_load %arg6[%swap3A] {strides = array<i32>} : memref<400xi32, #tpu.memory_space<vmem>>, vector<16xi32>,
          %swap3A_280 = vector.shape_cast %swap3A_279 : vector<16xi32> to vector<16xi32>
          %swap3A_281 = vector.shape_cast %add3A_276 : vector<16xi32> to vector<16xi32>
          tpu.vector_store %arg6[%swap3A], %swap3A_281 {strides = array<i32>} : memref<400xi32, #tpu.memory_space<vmem>>, vector<16xi32>,
        }
        %scan3A_219 = arith.constant 25 : i32
        %dma_start3A_220 = arith.constant 0 : i32
        %dma_start3A_221 = arith.constant 0 : i32
        %dma_start3A_222 = tpu.memref_slice %arg3[%dma_start3A_220, %dma_start3A_221] : memref<200704x32xf32, #tpu.memory_space<hbm>> -> memref<200704x32xf32, #tpu.memory_space<hbm>>
        tpu.enqueue_indirect_dma source(%dma_start3A_222 : memref<200704x32xf32, #tpu.memory_space<hbm>>) target(%arg10 : memref<400x32xf32, #tpu.memory_space<vmem>>) offsets(%arg6 : memref<400xi32, #tpu.memory_space<vmem>>) semaphore(%arg17 : memref<!tpu.dma_semaphore, #tpu.memory_space<semaphore_mem>>)
        %dma_wait3A_223 = arith.constant 0 : i32
        %dma_wait3A_224 = arith.constant 0 : i32
        %dma_wait3A_225 = tpu.memref_slice %arg11[%dma_wait3A_223, %dma_wait3A_224] : memref<50176x32xf32, #tpu.memory_space<vmem_shared>> -> memref<50176x32xf32, #tpu.memory_space<vmem_shared>>
        tpu.wait_indirect_dma semaphore(%arg18 : memref<!tpu.dma_semaphore, #tpu.memory_space<semaphore_mem>>) src(%arg9 : memref<400x32xf32, #tpu.memory_space<vmem>>) dst(%dma_wait3A_225 : memref<50176x32xf32, #tpu.memory_space<vmem_shared>>)
        %add3A_226 = arith.constant 2 : i32
        %add3A_227 = arith.addi %mul3A_179, %add3A_226 : i32
        %mul3A_228 = arith.constant 400 : i32
        %mul3A_229 = arith.muli %add3A_227, %mul3A_228 : i32
        %add3A_230 = arith.addi %mul3A_2, %mul3A_229 : i32
        %dma_start3A_231 = arith.constant 0 : i32
        %dma_start3A_232 = tpu.memref_slice %arg2[%dma_start3A_231, %add3A_230] : memref<2x800000xi32, #tpu.memory_space<hbm>> -> memref<1x400xi32, #tpu.memory_space<hbm>>
        %dma_start3A_233 = tpu.memref_squeeze %dma_start3A_232 : memref<1x400xi32, #tpu.memory_space<hbm>> -> memref<400xi32, #tpu.memory_space<hbm>>
        %dma_start3A_234 = tpu.memref_slice %arg2[%dma_start3A_231, %add3A_230] : memref<2x800000xi32, #tpu.memory_space<hbm>> -> memref<1x400xi32, #tpu.memory_space<hbm>>
        %dma_start3A_235 = tpu.memref_squeeze %dma_start3A_234 : memref<1x400xi32, #tpu.memory_space<hbm>> -> memref<400xi32, #tpu.memory_space<hbm>>
        tpu.enqueue_dma source(%dma_start3A_235 : memref<400xi32, #tpu.memory_space<hbm>>) target(%arg5 : memref<400xi32, #tpu.memory_space<vmem>>) target_semaphore(%arg12 : memref<!tpu.dma_semaphore, #tpu.memory_space<semaphore_mem>>)
        %dma_start3A_236 = arith.constant 1 : i32
        %dma_start3A_237 = tpu.memref_slice %arg2[%dma_start3A_236, %add3A_230] : memref<2x800000xi32, #tpu.memory_space<hbm>> -> memref<1x400xi32, #tpu.memory_space<hbm>>
        %dma_start3A_238 = tpu.memref_squeeze %dma_start3A_237 : memref<1x400xi32, #tpu.memory_space<hbm>> -> memref<400xi32, #tpu.memory_space<hbm>>
        %dma_start3A_239 = tpu.memref_slice %arg2[%dma_start3A_236, %add3A_230] : memref<2x800000xi32, #tpu.memory_space<hbm>> -> memref<1x400xi32, #tpu.memory_space<hbm>>
        %dma_start3A_240 = tpu.memref_squeeze %dma_start3A_239 : memref<1x400xi32, #tpu.memory_space<hbm>> -> memref<400xi32, #tpu.memory_space<hbm>>
        tpu.enqueue_dma source(%dma_start3A_240 : memref<400xi32, #tpu.memory_space<hbm>>) target(%arg7 : memref<400xi32, #tpu.memory_space<vmem>>) target_semaphore(%arg14 : memref<!tpu.dma_semaphore, #tpu.memory_space<semaphore_mem>>)
        %dma_wait3A_241 = arith.constant 0 : i32
        %dma_wait3A_242 = arith.constant 0 : i32
        %dma_wait3A_243 = tpu.memref_slice %arg3[%dma_wait3A_241, %dma_wait3A_242] : memref<200704x32xf32, #tpu.memory_space<hbm>> -> memref<200704x32xf32, #tpu.memory_space<hbm>>
        tpu.wait_indirect_dma semaphore(%arg17 : memref<!tpu.dma_semaphore, #tpu.memory_space<semaphore_mem>>) src(%dma_wait3A_243 : memref<200704x32xf32, #tpu.memory_space<hbm>>) dst(%arg10 : memref<400x32xf32, #tpu.memory_space<vmem>>)
        %dma_start3A_244 = arith.constant 0 : i32
        %dma_start3A_245 = arith.constant 0 : i32
        %dma_start3A_246 = tpu.memref_slice %arg11[%dma_start3A_244, %dma_start3A_245] : memref<50176x32xf32, #tpu.memory_space<vmem_shared>> -> memref<50176x32xf32, #tpu.memory_space<vmem_shared>>
        tpu.enqueue_indirect_dma source(%arg10 : memref<400x32xf32, #tpu.memory_space<vmem>>) target(%dma_start3A_246 : memref<50176x32xf32, #tpu.memory_space<vmem_shared>>) offsets(%arg8 : memref<400xi32, #tpu.memory_space<vmem>>) semaphore(%arg19 : memref<!tpu.dma_semaphore, #tpu.memory_space<semaphore_mem>>) {add = true}
        %dma_wait3A_247 = arith.constant 0 : i32
        %dma_wait3A_248 = tpu.memref_slice %arg2[%dma_wait3A_247, %mul3A_2] : memref<2x800000xi32, #tpu.memory_space<hbm>> -> memref<1x400xi32, #tpu.memory_space<hbm>>
        %dma_wait3A_249 = tpu.memref_squeeze %dma_wait3A_248 : memref<1x400xi32, #tpu.memory_space<hbm>> -> memref<400xi32, #tpu.memory_space<hbm>>
        %dma_wait3A_250 = tpu.memref_slice %arg2[%dma_wait3A_247, %mul3A_2] : memref<2x800000xi32, #tpu.memory_space<hbm>> -> memref<1x400xi32, #tpu.memory_space<hbm>>
        %dma_wait3A_251 = tpu.memref_squeeze %dma_wait3A_250 : memref<1x400xi32, #tpu.memory_space<hbm>> -> memref<400xi32, #tpu.memory_space<hbm>>
        tpu.wait_dma2 semaphore(%arg12 : memref<!tpu.dma_semaphore, #tpu.memory_space<semaphore_mem>>) src(%dma_wait3A_251 : memref<400xi32, #tpu.memory_space<hbm>>) dst(%arg5 : memref<400xi32, #tpu.memory_space<vmem>>)
        %dma_wait3A_252 = arith.constant 1 : i32
        %dma_wait3A_253 = tpu.memref_slice %arg2[%dma_wait3A_252, %mul3A_2] : memref<2x800000xi32, #tpu.memory_space<hbm>> -> memref<1x400xi32, #tpu.memory_space<hbm>>
        %dma_wait3A_254 = tpu.memref_squeeze %dma_wait3A_253 : memref<1x400xi32, #tpu.memory_space<hbm>> -> memref<400xi32, #tpu.memory_space<hbm>>
        %dma_wait3A_255 = tpu.memref_slice %arg2[%dma_wait3A_252, %mul3A_2] : memref<2x800000xi32, #tpu.memory_space<hbm>> -> memref<1x400xi32, #tpu.memory_space<hbm>>
        %dma_wait3A_256 = tpu.memref_squeeze %dma_wait3A_255 : memref<1x400xi32, #tpu.memory_space<hbm>> -> memref<400xi32, #tpu.memory_space<hbm>>
        tpu.wait_dma2 semaphore(%arg14 : memref<!tpu.dma_semaphore, #tpu.memory_space<semaphore_mem>>) src(%dma_wait3A_256 : memref<400xi32, #tpu.memory_space<hbm>>) dst(%arg7 : memref<400xi32, #tpu.memory_space<vmem>>)
        %scan3A_257 = arith.constant 0 : i32
        %scan3A_258 = arith.constant 0 : i32
        %scan3A_259 = arith.constant 25 : i32
        %scan3A_260 = arith.addi %scan3A_258, %scan3A_259 : i32
        %scan3A_261 = arith.constant 1 : i32
        scf.for %scan3A_266 = %scan3A_258 to %scan3A_260 step %scan3A_261  : i32 {
          %mul3A_267 = arith.constant 16 : i32
          %mul3A_268 = arith.muli %scan3A_266, %mul3A_267 : i32
          %get3A = arith.index_cast %mul3A_268 : i32 to index
          %get3A_269 = tpu.vector_load %arg5[%get3A] {strides = array<i32>} : memref<400xi32, #tpu.memory_space<vmem>>, vector<16xi32>,
          %get3A_270 = vector.shape_cast %get3A_269 : vector<16xi32> to vector<16xi32>
          %mul3A_271 = arith.constant 4 : i32
          %mul3A_272 = vector.broadcast %mul3A_271 : i32 to vector<16xi32>
          %mul3A_273 = arith.muli %get3A_270, %mul3A_272 : vector<16xi32>
          %add3A_274 = arith.constant 1 : i32
          %add3A_275 = vector.broadcast %add3A_274 : i32 to vector<16xi32>
          %add3A_276 = arith.addi %mul3A_273, %add3A_275 : vector<16xi32>
          %mul3A_277 = arith.constant 16 : i32
          %mul3A_278 = arith.muli %scan3A_266, %mul3A_277 : i32
          %swap3A = arith.index_cast %mul3A_278 : i32 to index
          %swap3A_279 = tpu.vector_load %arg5[%swap3A] {strides = array<i32>} : memref<400xi32, #tpu.memory_space<vmem>>, vector<16xi32>,
          %swap3A_280 = vector.shape_cast %swap3A_279 : vector<16xi32> to vector<16xi32>
          %swap3A_281 = vector.shape_cast %add3A_276 : vector<16xi32> to vector<16xi32>
          tpu.vector_store %arg5[%swap3A], %swap3A_281 {strides = array<i32>} : memref<400xi32, #tpu.memory_space<vmem>>, vector<16xi32>,
        }
        %scan3A_262 = arith.constant 25 : i32
        %dma_start3A_263 = arith.constant 0 : i32
        %dma_start3A_264 = arith.constant 0 : i32
        %dma_start3A_265 = tpu.memref_slice %arg3[%dma_start3A_263, %dma_start3A_264] : memref<200704x32xf32, #tpu.memory_space<hbm>> -> memref<200704x32xf32, #tpu.memory_space<hbm>>
        tpu.enqueue_indirect_dma source(%dma_start3A_265 : memref<200704x32xf32, #tpu.memory_space<hbm>>) target(%arg9 : memref<400x32xf32, #tpu.memory_space<vmem>>) offsets(%arg5 : memref<400xi32, #tpu.memory_space<vmem>>) semaphore(%arg16 : memref<!tpu.dma_semaphore, #tpu.memory_space<semaphore_mem>>)
      }
      %scan3A_162 = arith.constant 62 : i32
      %dma_wait3A_163 = arith.constant 0 : i32
      %dma_wait3A_164 = arith.constant 0 : i32
      %dma_wait3A_165 = tpu.memref_slice %arg11[%dma_wait3A_163, %dma_wait3A_164] : memref<50176x32xf32, #tpu.memory_space<vmem_shared>> -> memref<50176x32xf32, #tpu.memory_space<vmem_shared>>
      tpu.wait_indirect_dma semaphore(%arg19 : memref<!tpu.dma_semaphore, #tpu.memory_space<semaphore_mem>>) src(%arg10 : memref<400x32xf32, #tpu.memory_space<vmem>>) dst(%dma_wait3A_165 : memref<50176x32xf32, #tpu.memory_space<vmem_shared>>)
      %dma_wait3A_166 = arith.constant 0 : i32
      %dma_wait3A_167 = arith.constant 0 : i32
      %dma_wait3A_168 = tpu.memref_slice %arg3[%dma_wait3A_166, %dma_wait3A_167] : memref<200704x32xf32, #tpu.memory_space<hbm>> -> memref<200704x32xf32, #tpu.memory_space<hbm>>
      tpu.wait_indirect_dma semaphore(%arg16 : memref<!tpu.dma_semaphore, #tpu.memory_space<semaphore_mem>>) src(%dma_wait3A_168 : memref<200704x32xf32, #tpu.memory_space<hbm>>) dst(%arg9 : memref<400x32xf32, #tpu.memory_space<vmem>>)
      %dma_start3A_169 = arith.constant 0 : i32
      %dma_start3A_170 = arith.constant 0 : i32
      %dma_start3A_171 = tpu.memref_slice %arg11[%dma_start3A_169, %dma_start3A_170] : memref<50176x32xf32, #tpu.memory_space<vmem_shared>> -> memref<50176x32xf32, #tpu.memory_space<vmem_shared>>
      tpu.enqueue_indirect_dma source(%arg9 : memref<400x32xf32, #tpu.memory_space<vmem>>) target(%dma_start3A_171 : memref<50176x32xf32, #tpu.memory_space<vmem_shared>>) offsets(%arg7 : memref<400xi32, #tpu.memory_space<vmem>>) semaphore(%arg18 : memref<!tpu.dma_semaphore, #tpu.memory_space<semaphore_mem>>) {add = true}
      %dma_wait3A_172 = arith.constant 0 : i32
      %dma_wait3A_173 = arith.constant 0 : i32
      %dma_wait3A_174 = tpu.memref_slice %arg11[%dma_wait3A_172, %dma_wait3A_173] : memref<50176x32xf32, #tpu.memory_space<vmem_shared>> -> memref<50176x32xf32, #tpu.memory_space<vmem_shared>>
      tpu.wait_indirect_dma semaphore(%arg18 : memref<!tpu.dma_semaphore, #tpu.memory_space<semaphore_mem>>) src(%arg9 : memref<400x32xf32, #tpu.memory_space<vmem>>) dst(%dma_wait3A_174 : memref<50176x32xf32, #tpu.memory_space<vmem_shared>>)
      %barrier3A_175 = arith.constant 0 : index
      tpu.barrier barrier_id(%barrier3A_175)
      "tpu.region"() ({
        %run_scoped3A = tpu.sem_alloc : memref<!tpu.dma_semaphore, #tpu.memory_space<semaphore_mem>>
        %dma_start3A_177 = arith.constant 32 : i32
        %dma_start3A_178 = tpu.memref_slice %arg4[%mul3A_0, %dma_start3A_177] : memref<50176x128xf32, #tpu.memory_space<hbm>> -> memref<3136x32xf32, #tpu.memory_space<hbm>>
        %dma_start3A_179 = arith.constant 0 : i32
        %dma_start3A_180 = tpu.memref_slice %arg11[%mul3A_0, %dma_start3A_179] : memref<50176x32xf32, #tpu.memory_space<vmem_shared>> -> memref<3136x32xf32, #tpu.memory_space<vmem_shared>>
        tpu.enqueue_dma source(%dma_start3A_180 : memref<3136x32xf32, #tpu.memory_space<vmem_shared>>) target(%dma_start3A_178 : memref<3136x32xf32, #tpu.memory_space<hbm>>) target_semaphore(%run_scoped3A : memref<!tpu.dma_semaphore, #tpu.memory_space<semaphore_mem>>)
        %dma_wait3A_181 = arith.constant 32 : i32
        %dma_wait3A_182 = tpu.memref_slice %arg4[%mul3A_0, %dma_wait3A_181] : memref<50176x128xf32, #tpu.memory_space<hbm>> -> memref<3136x32xf32, #tpu.memory_space<hbm>>
        %dma_wait3A_183 = arith.constant 0 : i32
        %dma_wait3A_184 = tpu.memref_slice %arg11[%mul3A_0, %dma_wait3A_183] : memref<50176x32xf32, #tpu.memory_space<vmem_shared>> -> memref<3136x32xf32, #tpu.memory_space<vmem_shared>>
        tpu.wait_dma2 semaphore(%run_scoped3A : memref<!tpu.dma_semaphore, #tpu.memory_space<semaphore_mem>>) src(%dma_wait3A_184 : memref<3136x32xf32, #tpu.memory_space<vmem_shared>>) dst(%dma_wait3A_182 : memref<3136x32xf32, #tpu.memory_space<hbm>>)
        tpu.yield
      }) : () -> ()
      %barrier3A_176 = arith.constant 0 : index
      tpu.barrier barrier_id(%barrier3A_176)
    } else {
    }
    %eq3A_10 = arith.constant 1 : i32
    %eq3A_11 = arith.cmpi eq, %arg0, %eq3A_10 : i32
    %convert_element_type3A_12 = arith.extui %eq3A_11 : i1 to i32
    %cond3A_13 = arith.constant 0 : i32
    %cond3A_14 = arith.cmpi ne, %convert_element_type3A_12, %cond3A_13 : i32
    scf.if %cond3A_14 {
      %scan3A_15 = arith.constant 0 : i32
      %scan3A_16 = arith.constant 0 : i32
      %scan3A_17 = arith.constant 400 : i32
      %scan3A_18 = arith.addi %scan3A_16, %scan3A_17 : i32
      %scan3A_19 = arith.constant 1 : i32
      scf.for %scan3A_177 = %scan3A_16 to %scan3A_18 step %scan3A_19  : i32 {
        %broadcast_in_dim3A = arith.constant 0.000000e+00 : f32
        %broadcast_in_dim3A_178 = vector.broadcast %broadcast_in_dim3A : f32 to vector<16xf32>
        %swap3A = arith.index_cast %scan3A_177 : i32 to index
        %swap3A_179 = arith.constant 0 : index
        %swap3A_180 = tpu.vector_load %arg9[%swap3A, %swap3A_179] {strides = array<i32>} : memref<400x32xf32, #tpu.memory_space<vmem>>, vector<1x16xf32>,
        %swap3A_181 = vector.shape_cast %swap3A_180 : vector<1x16xf32> to vector<16xf32>
        %swap3A_182 = vector.shape_cast %broadcast_in_dim3A_178 : vector<16xf32> to vector<1x16xf32>
        tpu.vector_store %arg9[%swap3A, %swap3A_179], %swap3A_182 {strides = array<i32>} : memref<400x32xf32, #tpu.memory_space<vmem>>, vector<1x16xf32>,
        %swap3A_183 = arith.index_cast %scan3A_177 : i32 to index
        %swap3A_184 = arith.constant 16 : index
        %swap3A_185 = tpu.vector_load %arg9[%swap3A_183, %swap3A_184] {strides = array<i32>} : memref<400x32xf32, #tpu.memory_space<vmem>>, vector<1x16xf32>,
        %swap3A_186 = vector.shape_cast %swap3A_185 : vector<1x16xf32> to vector<16xf32>
        %swap3A_187 = vector.shape_cast %broadcast_in_dim3A_178 : vector<16xf32> to vector<1x16xf32>
        tpu.vector_store %arg9[%swap3A_183, %swap3A_184], %swap3A_187 {strides = array<i32>} : memref<400x32xf32, #tpu.memory_space<vmem>>, vector<1x16xf32>,
      }
      %scan3A_20 = arith.constant 400 : i32
      %scan3A_21 = arith.constant 0 : i32
      %scan3A_22 = arith.constant 0 : i32
      %scan3A_23 = arith.constant 400 : i32
      %scan3A_24 = arith.addi %scan3A_22, %scan3A_23 : i32
      %scan3A_25 = arith.constant 1 : i32
      scf.for %scan3A_177 = %scan3A_22 to %scan3A_24 step %scan3A_25  : i32 {
        %broadcast_in_dim3A = arith.constant 0.000000e+00 : f32
        %broadcast_in_dim3A_178 = vector.broadcast %broadcast_in_dim3A : f32 to vector<16xf32>
        %swap3A = arith.index_cast %scan3A_177 : i32 to index
        %swap3A_179 = arith.constant 0 : index
        %swap3A_180 = tpu.vector_load %arg10[%swap3A, %swap3A_179] {strides = array<i32>} : memref<400x32xf32, #tpu.memory_space<vmem>>, vector<1x16xf32>,
        %swap3A_181 = vector.shape_cast %swap3A_180 : vector<1x16xf32> to vector<16xf32>
        %swap3A_182 = vector.shape_cast %broadcast_in_dim3A_178 : vector<16xf32> to vector<1x16xf32>
        tpu.vector_store %arg10[%swap3A, %swap3A_179], %swap3A_182 {strides = array<i32>} : memref<400x32xf32, #tpu.memory_space<vmem>>, vector<1x16xf32>,
        %swap3A_183 = arith.index_cast %scan3A_177 : i32 to index
        %swap3A_184 = arith.constant 16 : index
        %swap3A_185 = tpu.vector_load %arg10[%swap3A_183, %swap3A_184] {strides = array<i32>} : memref<400x32xf32, #tpu.memory_space<vmem>>, vector<1x16xf32>,
        %swap3A_186 = vector.shape_cast %swap3A_185 : vector<1x16xf32> to vector<16xf32>
        %swap3A_187 = vector.shape_cast %broadcast_in_dim3A_178 : vector<16xf32> to vector<1x16xf32>
        tpu.vector_store %arg10[%swap3A_183, %swap3A_184], %swap3A_187 {strides = array<i32>} : memref<400x32xf32, #tpu.memory_space<vmem>>, vector<1x16xf32>,
      }
      %scan3A_26 = arith.constant 400 : i32
      %add3A = arith.constant 0 : i32
      %add3A_27 = arith.addi %mul3A_0, %add3A : i32
      "tpu.region"() ({
        %run_scoped3A = tpu.sem_alloc : memref<!tpu.dma_semaphore, #tpu.memory_space<semaphore_mem>>
        %dma_start3A_177 = arith.constant 0 : i32
        %dma_start3A_178 = tpu.memref_slice %arg11[%add3A_27, %dma_start3A_177] : memref<50176x32xf32, #tpu.memory_space<vmem_shared>> -> memref<400x32xf32, #tpu.memory_space<vmem_shared>>
        %dma_start3A_179 = arith.constant 0 : i32
        %dma_start3A_180 = tpu.memref_slice %arg11[%add3A_27, %dma_start3A_179] : memref<50176x32xf32, #tpu.memory_space<vmem_shared>> -> memref<400x32xf32, #tpu.memory_space<vmem_shared>>
        tpu.enqueue_dma source(%arg9 : memref<400x32xf32, #tpu.memory_space<vmem>>) target(%dma_start3A_180 : memref<400x32xf32, #tpu.memory_space<vmem_shared>>) target_semaphore(%run_scoped3A : memref<!tpu.dma_semaphore, #tpu.memory_space<semaphore_mem>>)
        %dma_wait3A_181 = arith.constant 0 : i32
        %dma_wait3A_182 = tpu.memref_slice %arg11[%add3A_27, %dma_wait3A_181] : memref<50176x32xf32, #tpu.memory_space<vmem_shared>> -> memref<400x32xf32, #tpu.memory_space<vmem_shared>>
        %dma_wait3A_183 = arith.constant 0 : i32
        %dma_wait3A_184 = tpu.memref_slice %arg11[%add3A_27, %dma_wait3A_183] : memref<50176x32xf32, #tpu.memory_space<vmem_shared>> -> memref<400x32xf32, #tpu.memory_space<vmem_shared>>
        tpu.wait_dma2 semaphore(%run_scoped3A : memref<!tpu.dma_semaphore, #tpu.memory_space<semaphore_mem>>) src(%arg9 : memref<400x32xf32, #tpu.memory_space<vmem>>) dst(%dma_wait3A_184 : memref<400x32xf32, #tpu.memory_space<vmem_shared>>)
        tpu.yield
      }) : () -> ()
      %add3A_28 = arith.constant 400 : i32
      %add3A_29 = arith.addi %mul3A_0, %add3A_28 : i32
      "tpu.region"() ({
        %run_scoped3A = tpu.sem_alloc : memref<!tpu.dma_semaphore, #tpu.memory_space<semaphore_mem>>
        %dma_start3A_177 = arith.constant 0 : i32
        %dma_start3A_178 = tpu.memref_slice %arg11[%add3A_29, %dma_start3A_177] : memref<50176x32xf32, #tpu.memory_space<vmem_shared>> -> memref<400x32xf32, #tpu.memory_space<vmem_shared>>
        %dma_start3A_179 = arith.constant 0 : i32
        %dma_start3A_180 = tpu.memref_slice %arg11[%add3A_29, %dma_start3A_179] : memref<50176x32xf32, #tpu.memory_space<vmem_shared>> -> memref<400x32xf32, #tpu.memory_space<vmem_shared>>
        tpu.enqueue_dma source(%arg9 : memref<400x32xf32, #tpu.memory_space<vmem>>) target(%dma_start3A_180 : memref<400x32xf32, #tpu.memory_space<vmem_shared>>) target_semaphore(%run_scoped3A : memref<!tpu.dma_semaphore, #tpu.memory_space<semaphore_mem>>)
        %dma_wait3A_181 = arith.constant 0 : i32
        %dma_wait3A_182 = tpu.memref_slice %arg11[%add3A_29, %dma_wait3A_181] : memref<50176x32xf32, #tpu.memory_space<vmem_shared>> -> memref<400x32xf32, #tpu.memory_space<vmem_shared>>
        %dma_wait3A_183 = arith.constant 0 : i32
        %dma_wait3A_184 = tpu.memref_slice %arg11[%add3A_29, %dma_wait3A_183] : memref<50176x32xf32, #tpu.memory_space<vmem_shared>> -> memref<400x32xf32, #tpu.memory_space<vmem_shared>>
        tpu.wait_dma2 semaphore(%run_scoped3A : memref<!tpu.dma_semaphore, #tpu.memory_space<semaphore_mem>>) src(%arg9 : memref<400x32xf32, #tpu.memory_space<vmem>>) dst(%dma_wait3A_184 : memref<400x32xf32, #tpu.memory_space<vmem_shared>>)
        tpu.yield
      }) : () -> ()
      %add3A_30 = arith.constant 800 : i32
      %add3A_31 = arith.addi %mul3A_0, %add3A_30 : i32
      "tpu.region"() ({
        %run_scoped3A = tpu.sem_alloc : memref<!tpu.dma_semaphore, #tpu.memory_space<semaphore_mem>>
        %dma_start3A_177 = arith.constant 0 : i32
        %dma_start3A_178 = tpu.memref_slice %arg11[%add3A_31, %dma_start3A_177] : memref<50176x32xf32, #tpu.memory_space<vmem_shared>> -> memref<400x32xf32, #tpu.memory_space<vmem_shared>>
        %dma_start3A_179 = arith.constant 0 : i32
        %dma_start3A_180 = tpu.memref_slice %arg11[%add3A_31, %dma_start3A_179] : memref<50176x32xf32, #tpu.memory_space<vmem_shared>> -> memref<400x32xf32, #tpu.memory_space<vmem_shared>>
        tpu.enqueue_dma source(%arg9 : memref<400x32xf32, #tpu.memory_space<vmem>>) target(%dma_start3A_180 : memref<400x32xf32, #tpu.memory_space<vmem_shared>>) target_semaphore(%run_scoped3A : memref<!tpu.dma_semaphore, #tpu.memory_space<semaphore_mem>>)
        %dma_wait3A_181 = arith.constant 0 : i32
        %dma_wait3A_182 = tpu.memref_slice %arg11[%add3A_31, %dma_wait3A_181] : memref<50176x32xf32, #tpu.memory_space<vmem_shared>> -> memref<400x32xf32, #tpu.memory_space<vmem_shared>>
        %dma_wait3A_183 = arith.constant 0 : i32
        %dma_wait3A_184 = tpu.memref_slice %arg11[%add3A_31, %dma_wait3A_183] : memref<50176x32xf32, #tpu.memory_space<vmem_shared>> -> memref<400x32xf32, #tpu.memory_space<vmem_shared>>
        tpu.wait_dma2 semaphore(%run_scoped3A : memref<!tpu.dma_semaphore, #tpu.memory_space<semaphore_mem>>) src(%arg9 : memref<400x32xf32, #tpu.memory_space<vmem>>) dst(%dma_wait3A_184 : memref<400x32xf32, #tpu.memory_space<vmem_shared>>)
        tpu.yield
      }) : () -> ()
      %add3A_32 = arith.constant 1200 : i32
      %add3A_33 = arith.addi %mul3A_0, %add3A_32 : i32
      "tpu.region"() ({
        %run_scoped3A = tpu.sem_alloc : memref<!tpu.dma_semaphore, #tpu.memory_space<semaphore_mem>>
        %dma_start3A_177 = arith.constant 0 : i32
        %dma_start3A_178 = tpu.memref_slice %arg11[%add3A_33, %dma_start3A_177] : memref<50176x32xf32, #tpu.memory_space<vmem_shared>> -> memref<400x32xf32, #tpu.memory_space<vmem_shared>>
        %dma_start3A_179 = arith.constant 0 : i32
        %dma_start3A_180 = tpu.memref_slice %arg11[%add3A_33, %dma_start3A_179] : memref<50176x32xf32, #tpu.memory_space<vmem_shared>> -> memref<400x32xf32, #tpu.memory_space<vmem_shared>>
        tpu.enqueue_dma source(%arg9 : memref<400x32xf32, #tpu.memory_space<vmem>>) target(%dma_start3A_180 : memref<400x32xf32, #tpu.memory_space<vmem_shared>>) target_semaphore(%run_scoped3A : memref<!tpu.dma_semaphore, #tpu.memory_space<semaphore_mem>>)
        %dma_wait3A_181 = arith.constant 0 : i32
        %dma_wait3A_182 = tpu.memref_slice %arg11[%add3A_33, %dma_wait3A_181] : memref<50176x32xf32, #tpu.memory_space<vmem_shared>> -> memref<400x32xf32, #tpu.memory_space<vmem_shared>>
        %dma_wait3A_183 = arith.constant 0 : i32
        %dma_wait3A_184 = tpu.memref_slice %arg11[%add3A_33, %dma_wait3A_183] : memref<50176x32xf32, #tpu.memory_space<vmem_shared>> -> memref<400x32xf32, #tpu.memory_space<vmem_shared>>
        tpu.wait_dma2 semaphore(%run_scoped3A : memref<!tpu.dma_semaphore, #tpu.memory_space<semaphore_mem>>) src(%arg9 : memref<400x32xf32, #tpu.memory_space<vmem>>) dst(%dma_wait3A_184 : memref<400x32xf32, #tpu.memory_space<vmem_shared>>)
        tpu.yield
      }) : () -> ()
      %add3A_34 = arith.constant 1600 : i32
      %add3A_35 = arith.addi %mul3A_0, %add3A_34 : i32
      "tpu.region"() ({
        %run_scoped3A = tpu.sem_alloc : memref<!tpu.dma_semaphore, #tpu.memory_space<semaphore_mem>>
        %dma_start3A_177 = arith.constant 0 : i32
        %dma_start3A_178 = tpu.memref_slice %arg11[%add3A_35, %dma_start3A_177] : memref<50176x32xf32, #tpu.memory_space<vmem_shared>> -> memref<400x32xf32, #tpu.memory_space<vmem_shared>>
        %dma_start3A_179 = arith.constant 0 : i32
        %dma_start3A_180 = tpu.memref_slice %arg11[%add3A_35, %dma_start3A_179] : memref<50176x32xf32, #tpu.memory_space<vmem_shared>> -> memref<400x32xf32, #tpu.memory_space<vmem_shared>>
        tpu.enqueue_dma source(%arg9 : memref<400x32xf32, #tpu.memory_space<vmem>>) target(%dma_start3A_180 : memref<400x32xf32, #tpu.memory_space<vmem_shared>>) target_semaphore(%run_scoped3A : memref<!tpu.dma_semaphore, #tpu.memory_space<semaphore_mem>>)
        %dma_wait3A_181 = arith.constant 0 : i32
        %dma_wait3A_182 = tpu.memref_slice %arg11[%add3A_35, %dma_wait3A_181] : memref<50176x32xf32, #tpu.memory_space<vmem_shared>> -> memref<400x32xf32, #tpu.memory_space<vmem_shared>>
        %dma_wait3A_183 = arith.constant 0 : i32
        %dma_wait3A_184 = tpu.memref_slice %arg11[%add3A_35, %dma_wait3A_183] : memref<50176x32xf32, #tpu.memory_space<vmem_shared>> -> memref<400x32xf32, #tpu.memory_space<vmem_shared>>
        tpu.wait_dma2 semaphore(%run_scoped3A : memref<!tpu.dma_semaphore, #tpu.memory_space<semaphore_mem>>) src(%arg9 : memref<400x32xf32, #tpu.memory_space<vmem>>) dst(%dma_wait3A_184 : memref<400x32xf32, #tpu.memory_space<vmem_shared>>)
        tpu.yield
      }) : () -> ()
      %add3A_36 = arith.constant 2000 : i32
      %add3A_37 = arith.addi %mul3A_0, %add3A_36 : i32
      "tpu.region"() ({
        %run_scoped3A = tpu.sem_alloc : memref<!tpu.dma_semaphore, #tpu.memory_space<semaphore_mem>>
        %dma_start3A_177 = arith.constant 0 : i32
        %dma_start3A_178 = tpu.memref_slice %arg11[%add3A_37, %dma_start3A_177] : memref<50176x32xf32, #tpu.memory_space<vmem_shared>> -> memref<400x32xf32, #tpu.memory_space<vmem_shared>>
        %dma_start3A_179 = arith.constant 0 : i32
        %dma_start3A_180 = tpu.memref_slice %arg11[%add3A_37, %dma_start3A_179] : memref<50176x32xf32, #tpu.memory_space<vmem_shared>> -> memref<400x32xf32, #tpu.memory_space<vmem_shared>>
        tpu.enqueue_dma source(%arg9 : memref<400x32xf32, #tpu.memory_space<vmem>>) target(%dma_start3A_180 : memref<400x32xf32, #tpu.memory_space<vmem_shared>>) target_semaphore(%run_scoped3A : memref<!tpu.dma_semaphore, #tpu.memory_space<semaphore_mem>>)
        %dma_wait3A_181 = arith.constant 0 : i32
        %dma_wait3A_182 = tpu.memref_slice %arg11[%add3A_37, %dma_wait3A_181] : memref<50176x32xf32, #tpu.memory_space<vmem_shared>> -> memref<400x32xf32, #tpu.memory_space<vmem_shared>>
        %dma_wait3A_183 = arith.constant 0 : i32
        %dma_wait3A_184 = tpu.memref_slice %arg11[%add3A_37, %dma_wait3A_183] : memref<50176x32xf32, #tpu.memory_space<vmem_shared>> -> memref<400x32xf32, #tpu.memory_space<vmem_shared>>
        tpu.wait_dma2 semaphore(%run_scoped3A : memref<!tpu.dma_semaphore, #tpu.memory_space<semaphore_mem>>) src(%arg9 : memref<400x32xf32, #tpu.memory_space<vmem>>) dst(%dma_wait3A_184 : memref<400x32xf32, #tpu.memory_space<vmem_shared>>)
        tpu.yield
      }) : () -> ()
      %add3A_38 = arith.constant 2400 : i32
      %add3A_39 = arith.addi %mul3A_0, %add3A_38 : i32
      "tpu.region"() ({
        %run_scoped3A = tpu.sem_alloc : memref<!tpu.dma_semaphore, #tpu.memory_space<semaphore_mem>>
        %dma_start3A_177 = arith.constant 0 : i32
        %dma_start3A_178 = tpu.memref_slice %arg11[%add3A_39, %dma_start3A_177] : memref<50176x32xf32, #tpu.memory_space<vmem_shared>> -> memref<400x32xf32, #tpu.memory_space<vmem_shared>>
        %dma_start3A_179 = arith.constant 0 : i32
        %dma_start3A_180 = tpu.memref_slice %arg11[%add3A_39, %dma_start3A_179] : memref<50176x32xf32, #tpu.memory_space<vmem_shared>> -> memref<400x32xf32, #tpu.memory_space<vmem_shared>>
        tpu.enqueue_dma source(%arg9 : memref<400x32xf32, #tpu.memory_space<vmem>>) target(%dma_start3A_180 : memref<400x32xf32, #tpu.memory_space<vmem_shared>>) target_semaphore(%run_scoped3A : memref<!tpu.dma_semaphore, #tpu.memory_space<semaphore_mem>>)
        %dma_wait3A_181 = arith.constant 0 : i32
        %dma_wait3A_182 = tpu.memref_slice %arg11[%add3A_39, %dma_wait3A_181] : memref<50176x32xf32, #tpu.memory_space<vmem_shared>> -> memref<400x32xf32, #tpu.memory_space<vmem_shared>>
        %dma_wait3A_183 = arith.constant 0 : i32
        %dma_wait3A_184 = tpu.memref_slice %arg11[%add3A_39, %dma_wait3A_183] : memref<50176x32xf32, #tpu.memory_space<vmem_shared>> -> memref<400x32xf32, #tpu.memory_space<vmem_shared>>
        tpu.wait_dma2 semaphore(%run_scoped3A : memref<!tpu.dma_semaphore, #tpu.memory_space<semaphore_mem>>) src(%arg9 : memref<400x32xf32, #tpu.memory_space<vmem>>) dst(%dma_wait3A_184 : memref<400x32xf32, #tpu.memory_space<vmem_shared>>)
        tpu.yield
      }) : () -> ()
      %add3A_40 = arith.constant 2800 : i32
      %add3A_41 = arith.addi %mul3A_0, %add3A_40 : i32
      "tpu.region"() ({
        %run_scoped3A = tpu.sem_alloc : memref<!tpu.dma_semaphore, #tpu.memory_space<semaphore_mem>>
        %dma_start3A_177 = arith.constant 0 : i32
        %dma_start3A_178 = arith.constant 0 : i32
        %dma_start3A_179 = tpu.memref_slice %arg9[%dma_start3A_177, %dma_start3A_178] : memref<400x32xf32, #tpu.memory_space<vmem>> -> memref<336x32xf32, #tpu.memory_space<vmem>>
        %dma_start3A_180 = arith.constant 0 : i32
        %dma_start3A_181 = tpu.memref_slice %arg11[%add3A_41, %dma_start3A_180] : memref<50176x32xf32, #tpu.memory_space<vmem_shared>> -> memref<336x32xf32, #tpu.memory_space<vmem_shared>>
        %dma_start3A_182 = arith.constant 0 : i32
        %dma_start3A_183 = tpu.memref_slice %arg11[%add3A_41, %dma_start3A_182] : memref<50176x32xf32, #tpu.memory_space<vmem_shared>> -> memref<336x32xf32, #tpu.memory_space<vmem_shared>>
        %dma_start3A_184 = arith.constant 0 : i32
        %dma_start3A_185 = arith.constant 0 : i32
        %dma_start3A_186 = tpu.memref_slice %arg9[%dma_start3A_184, %dma_start3A_185] : memref<400x32xf32, #tpu.memory_space<vmem>> -> memref<336x32xf32, #tpu.memory_space<vmem>>
        tpu.enqueue_dma source(%dma_start3A_186 : memref<336x32xf32, #tpu.memory_space<vmem>>) target(%dma_start3A_183 : memref<336x32xf32, #tpu.memory_space<vmem_shared>>) target_semaphore(%run_scoped3A : memref<!tpu.dma_semaphore, #tpu.memory_space<semaphore_mem>>)
        %dma_wait3A_187 = arith.constant 0 : i32
        %dma_wait3A_188 = arith.constant 0 : i32
        %dma_wait3A_189 = tpu.memref_slice %arg9[%dma_wait3A_187, %dma_wait3A_188] : memref<400x32xf32, #tpu.memory_space<vmem>> -> memref<336x32xf32, #tpu.memory_space<vmem>>
        %dma_wait3A_190 = arith.constant 0 : i32
        %dma_wait3A_191 = tpu.memref_slice %arg11[%add3A_41, %dma_wait3A_190] : memref<50176x32xf32, #tpu.memory_space<vmem_shared>> -> memref<336x32xf32, #tpu.memory_space<vmem_shared>>
        %dma_wait3A_192 = arith.constant 0 : i32
        %dma_wait3A_193 = tpu.memref_slice %arg11[%add3A_41, %dma_wait3A_192] : memref<50176x32xf32, #tpu.memory_space<vmem_shared>> -> memref<336x32xf32, #tpu.memory_space<vmem_shared>>
        %dma_wait3A_194 = arith.constant 0 : i32
        %dma_wait3A_195 = arith.constant 0 : i32
        %dma_wait3A_196 = tpu.memref_slice %arg9[%dma_wait3A_194, %dma_wait3A_195] : memref<400x32xf32, #tpu.memory_space<vmem>> -> memref<336x32xf32, #tpu.memory_space<vmem>>
        tpu.wait_dma2 semaphore(%run_scoped3A : memref<!tpu.dma_semaphore, #tpu.memory_space<semaphore_mem>>) src(%dma_wait3A_196 : memref<336x32xf32, #tpu.memory_space<vmem>>) dst(%dma_wait3A_193 : memref<336x32xf32, #tpu.memory_space<vmem_shared>>)
        tpu.yield
      }) : () -> ()
      %barrier3A = arith.constant 0 : index
      tpu.barrier barrier_id(%barrier3A)
      %add3A_42 = arith.constant 0 : i32
      %add3A_43 = arith.addi %mul3A_2, %add3A_42 : i32
      %dma_start3A = arith.constant 0 : i32
      %dma_start3A_44 = tpu.memref_slice %arg2[%dma_start3A, %add3A_43] : memref<2x800000xi32, #tpu.memory_space<hbm>> -> memref<1x400xi32, #tpu.memory_space<hbm>>
      %dma_start3A_45 = tpu.memref_squeeze %dma_start3A_44 : memref<1x400xi32, #tpu.memory_space<hbm>> -> memref<400xi32, #tpu.memory_space<hbm>>
      %dma_start3A_46 = tpu.memref_slice %arg2[%dma_start3A, %add3A_43] : memref<2x800000xi32, #tpu.memory_space<hbm>> -> memref<1x400xi32, #tpu.memory_space<hbm>>
      %dma_start3A_47 = tpu.memref_squeeze %dma_start3A_46 : memref<1x400xi32, #tpu.memory_space<hbm>> -> memref<400xi32, #tpu.memory_space<hbm>>
      tpu.enqueue_dma source(%dma_start3A_47 : memref<400xi32, #tpu.memory_space<hbm>>) target(%arg5 : memref<400xi32, #tpu.memory_space<vmem>>) target_semaphore(%arg12 : memref<!tpu.dma_semaphore, #tpu.memory_space<semaphore_mem>>)
      %dma_start3A_48 = arith.constant 1 : i32
      %dma_start3A_49 = tpu.memref_slice %arg2[%dma_start3A_48, %add3A_43] : memref<2x800000xi32, #tpu.memory_space<hbm>> -> memref<1x400xi32, #tpu.memory_space<hbm>>
      %dma_start3A_50 = tpu.memref_squeeze %dma_start3A_49 : memref<1x400xi32, #tpu.memory_space<hbm>> -> memref<400xi32, #tpu.memory_space<hbm>>
      %dma_start3A_51 = tpu.memref_slice %arg2[%dma_start3A_48, %add3A_43] : memref<2x800000xi32, #tpu.memory_space<hbm>> -> memref<1x400xi32, #tpu.memory_space<hbm>>
      %dma_start3A_52 = tpu.memref_squeeze %dma_start3A_51 : memref<1x400xi32, #tpu.memory_space<hbm>> -> memref<400xi32, #tpu.memory_space<hbm>>
      tpu.enqueue_dma source(%dma_start3A_52 : memref<400xi32, #tpu.memory_space<hbm>>) target(%arg7 : memref<400xi32, #tpu.memory_space<vmem>>) target_semaphore(%arg14 : memref<!tpu.dma_semaphore, #tpu.memory_space<semaphore_mem>>)
      %dma_wait3A = arith.constant 0 : i32
      %dma_wait3A_53 = tpu.memref_slice %arg2[%dma_wait3A, %mul3A_2] : memref<2x800000xi32, #tpu.memory_space<hbm>> -> memref<1x400xi32, #tpu.memory_space<hbm>>
      %dma_wait3A_54 = tpu.memref_squeeze %dma_wait3A_53 : memref<1x400xi32, #tpu.memory_space<hbm>> -> memref<400xi32, #tpu.memory_space<hbm>>
      %dma_wait3A_55 = tpu.memref_slice %arg2[%dma_wait3A, %mul3A_2] : memref<2x800000xi32, #tpu.memory_space<hbm>> -> memref<1x400xi32, #tpu.memory_space<hbm>>
      %dma_wait3A_56 = tpu.memref_squeeze %dma_wait3A_55 : memref<1x400xi32, #tpu.memory_space<hbm>> -> memref<400xi32, #tpu.memory_space<hbm>>
      tpu.wait_dma2 semaphore(%arg12 : memref<!tpu.dma_semaphore, #tpu.memory_space<semaphore_mem>>) src(%dma_wait3A_56 : memref<400xi32, #tpu.memory_space<hbm>>) dst(%arg5 : memref<400xi32, #tpu.memory_space<vmem>>)
      %dma_wait3A_57 = arith.constant 1 : i32
      %dma_wait3A_58 = tpu.memref_slice %arg2[%dma_wait3A_57, %mul3A_2] : memref<2x800000xi32, #tpu.memory_space<hbm>> -> memref<1x400xi32, #tpu.memory_space<hbm>>
      %dma_wait3A_59 = tpu.memref_squeeze %dma_wait3A_58 : memref<1x400xi32, #tpu.memory_space<hbm>> -> memref<400xi32, #tpu.memory_space<hbm>>
      %dma_wait3A_60 = tpu.memref_slice %arg2[%dma_wait3A_57, %mul3A_2] : memref<2x800000xi32, #tpu.memory_space<hbm>> -> memref<1x400xi32, #tpu.memory_space<hbm>>
      %dma_wait3A_61 = tpu.memref_squeeze %dma_wait3A_60 : memref<1x400xi32, #tpu.memory_space<hbm>> -> memref<400xi32, #tpu.memory_space<hbm>>
      tpu.wait_dma2 semaphore(%arg14 : memref<!tpu.dma_semaphore, #tpu.memory_space<semaphore_mem>>) src(%dma_wait3A_61 : memref<400xi32, #tpu.memory_space<hbm>>) dst(%arg7 : memref<400xi32, #tpu.memory_space<vmem>>)
      %scan3A_62 = arith.constant 0 : i32
      %scan3A_63 = arith.constant 0 : i32
      %scan3A_64 = arith.constant 25 : i32
      %scan3A_65 = arith.addi %scan3A_63, %scan3A_64 : i32
      %scan3A_66 = arith.constant 1 : i32
      scf.for %scan3A_177 = %scan3A_63 to %scan3A_65 step %scan3A_66  : i32 {
        %mul3A_178 = arith.constant 16 : i32
        %mul3A_179 = arith.muli %scan3A_177, %mul3A_178 : i32
        %get3A = arith.index_cast %mul3A_179 : i32 to index
        %get3A_180 = tpu.vector_load %arg5[%get3A] {strides = array<i32>} : memref<400xi32, #tpu.memory_space<vmem>>, vector<16xi32>,
        %get3A_181 = vector.shape_cast %get3A_180 : vector<16xi32> to vector<16xi32>
        %mul3A_182 = arith.constant 4 : i32
        %mul3A_183 = vector.broadcast %mul3A_182 : i32 to vector<16xi32>
        %mul3A_184 = arith.muli %get3A_181, %mul3A_183 : vector<16xi32>
        %add3A_185 = arith.constant 2 : i32
        %add3A_186 = vector.broadcast %add3A_185 : i32 to vector<16xi32>
        %add3A_187 = arith.addi %mul3A_184, %add3A_186 : vector<16xi32>
        %mul3A_188 = arith.constant 16 : i32
        %mul3A_189 = arith.muli %scan3A_177, %mul3A_188 : i32
        %swap3A = arith.index_cast %mul3A_189 : i32 to index
        %swap3A_190 = tpu.vector_load %arg5[%swap3A] {strides = array<i32>} : memref<400xi32, #tpu.memory_space<vmem>>, vector<16xi32>,
        %swap3A_191 = vector.shape_cast %swap3A_190 : vector<16xi32> to vector<16xi32>
        %swap3A_192 = vector.shape_cast %add3A_187 : vector<16xi32> to vector<16xi32>
        tpu.vector_store %arg5[%swap3A], %swap3A_192 {strides = array<i32>} : memref<400xi32, #tpu.memory_space<vmem>>, vector<16xi32>,
      }
      %scan3A_67 = arith.constant 25 : i32
      %dma_start3A_68 = arith.constant 0 : i32
      %dma_start3A_69 = arith.constant 0 : i32
      %dma_start3A_70 = tpu.memref_slice %arg3[%dma_start3A_68, %dma_start3A_69] : memref<200704x32xf32, #tpu.memory_space<hbm>> -> memref<200704x32xf32, #tpu.memory_space<hbm>>
      tpu.enqueue_indirect_dma source(%dma_start3A_70 : memref<200704x32xf32, #tpu.memory_space<hbm>>) target(%arg9 : memref<400x32xf32, #tpu.memory_space<vmem>>) offsets(%arg5 : memref<400xi32, #tpu.memory_space<vmem>>) semaphore(%arg16 : memref<!tpu.dma_semaphore, #tpu.memory_space<semaphore_mem>>)
      %dma_start3A_71 = arith.constant 0 : i32
      %dma_start3A_72 = arith.constant 0 : i32
      %dma_start3A_73 = tpu.memref_slice %arg11[%dma_start3A_71, %dma_start3A_72] : memref<50176x32xf32, #tpu.memory_space<vmem_shared>> -> memref<50176x32xf32, #tpu.memory_space<vmem_shared>>
      tpu.enqueue_indirect_dma source(%arg10 : memref<400x32xf32, #tpu.memory_space<vmem>>) target(%dma_start3A_73 : memref<50176x32xf32, #tpu.memory_space<vmem_shared>>) offsets(%arg8 : memref<400xi32, #tpu.memory_space<vmem>>) semaphore(%arg19 : memref<!tpu.dma_semaphore, #tpu.memory_space<semaphore_mem>>) {add = true}
      %scan3A_74 = arith.constant 0 : i32
      %scan3A_75 = arith.constant 0 : i32
      %scan3A_76 = arith.constant 62 : i32
      %scan3A_77 = arith.addi %scan3A_75, %scan3A_76 : i32
      %scan3A_78 = arith.constant 1 : i32
      scf.for %scan3A_177 = %scan3A_75 to %scan3A_77 step %scan3A_78  : i32 {
        %mul3A_178 = arith.constant 2 : i32
        %mul3A_179 = arith.muli %mul3A_178, %scan3A_177 : i32
        %dma_wait3A_180 = arith.constant 0 : i32
        %dma_wait3A_181 = arith.constant 0 : i32
        %dma_wait3A_182 = tpu.memref_slice %arg11[%dma_wait3A_180, %dma_wait3A_181] : memref<50176x32xf32, #tpu.memory_space<vmem_shared>> -> memref<50176x32xf32, #tpu.memory_space<vmem_shared>>
        tpu.wait_indirect_dma semaphore(%arg19 : memref<!tpu.dma_semaphore, #tpu.memory_space<semaphore_mem>>) src(%arg10 : memref<400x32xf32, #tpu.memory_space<vmem>>) dst(%dma_wait3A_182 : memref<50176x32xf32, #tpu.memory_space<vmem_shared>>)
        %add3A_183 = arith.constant 1 : i32
        %add3A_184 = arith.addi %mul3A_179, %add3A_183 : i32
        %mul3A_185 = arith.constant 400 : i32
        %mul3A_186 = arith.muli %add3A_184, %mul3A_185 : i32
        %add3A_187 = arith.addi %mul3A_2, %mul3A_186 : i32
        %dma_start3A_188 = arith.constant 0 : i32
        %dma_start3A_189 = tpu.memref_slice %arg2[%dma_start3A_188, %add3A_187] : memref<2x800000xi32, #tpu.memory_space<hbm>> -> memref<1x400xi32, #tpu.memory_space<hbm>>
        %dma_start3A_190 = tpu.memref_squeeze %dma_start3A_189 : memref<1x400xi32, #tpu.memory_space<hbm>> -> memref<400xi32, #tpu.memory_space<hbm>>
        %dma_start3A_191 = tpu.memref_slice %arg2[%dma_start3A_188, %add3A_187] : memref<2x800000xi32, #tpu.memory_space<hbm>> -> memref<1x400xi32, #tpu.memory_space<hbm>>
        %dma_start3A_192 = tpu.memref_squeeze %dma_start3A_191 : memref<1x400xi32, #tpu.memory_space<hbm>> -> memref<400xi32, #tpu.memory_space<hbm>>
        tpu.enqueue_dma source(%dma_start3A_192 : memref<400xi32, #tpu.memory_space<hbm>>) target(%arg6 : memref<400xi32, #tpu.memory_space<vmem>>) target_semaphore(%arg13 : memref<!tpu.dma_semaphore, #tpu.memory_space<semaphore_mem>>)
        %dma_start3A_193 = arith.constant 1 : i32
        %dma_start3A_194 = tpu.memref_slice %arg2[%dma_start3A_193, %add3A_187] : memref<2x800000xi32, #tpu.memory_space<hbm>> -> memref<1x400xi32, #tpu.memory_space<hbm>>
        %dma_start3A_195 = tpu.memref_squeeze %dma_start3A_194 : memref<1x400xi32, #tpu.memory_space<hbm>> -> memref<400xi32, #tpu.memory_space<hbm>>
        %dma_start3A_196 = tpu.memref_slice %arg2[%dma_start3A_193, %add3A_187] : memref<2x800000xi32, #tpu.memory_space<hbm>> -> memref<1x400xi32, #tpu.memory_space<hbm>>
        %dma_start3A_197 = tpu.memref_squeeze %dma_start3A_196 : memref<1x400xi32, #tpu.memory_space<hbm>> -> memref<400xi32, #tpu.memory_space<hbm>>
        tpu.enqueue_dma source(%dma_start3A_197 : memref<400xi32, #tpu.memory_space<hbm>>) target(%arg8 : memref<400xi32, #tpu.memory_space<vmem>>) target_semaphore(%arg15 : memref<!tpu.dma_semaphore, #tpu.memory_space<semaphore_mem>>)
        %dma_wait3A_198 = arith.constant 0 : i32
        %dma_wait3A_199 = arith.constant 0 : i32
        %dma_wait3A_200 = tpu.memref_slice %arg3[%dma_wait3A_198, %dma_wait3A_199] : memref<200704x32xf32, #tpu.memory_space<hbm>> -> memref<200704x32xf32, #tpu.memory_space<hbm>>
        tpu.wait_indirect_dma semaphore(%arg16 : memref<!tpu.dma_semaphore, #tpu.memory_space<semaphore_mem>>) src(%dma_wait3A_200 : memref<200704x32xf32, #tpu.memory_space<hbm>>) dst(%arg9 : memref<400x32xf32, #tpu.memory_space<vmem>>)
        %dma_start3A_201 = arith.constant 0 : i32
        %dma_start3A_202 = arith.constant 0 : i32
        %dma_start3A_203 = tpu.memref_slice %arg11[%dma_start3A_201, %dma_start3A_202] : memref<50176x32xf32, #tpu.memory_space<vmem_shared>> -> memref<50176x32xf32, #tpu.memory_space<vmem_shared>>
        tpu.enqueue_indirect_dma source(%arg9 : memref<400x32xf32, #tpu.memory_space<vmem>>) target(%dma_start3A_203 : memref<50176x32xf32, #tpu.memory_space<vmem_shared>>) offsets(%arg7 : memref<400xi32, #tpu.memory_space<vmem>>) semaphore(%arg18 : memref<!tpu.dma_semaphore, #tpu.memory_space<semaphore_mem>>) {add = true}
        %dma_wait3A_204 = arith.constant 0 : i32
        %dma_wait3A_205 = tpu.memref_slice %arg2[%dma_wait3A_204, %mul3A_2] : memref<2x800000xi32, #tpu.memory_space<hbm>> -> memref<1x400xi32, #tpu.memory_space<hbm>>
        %dma_wait3A_206 = tpu.memref_squeeze %dma_wait3A_205 : memref<1x400xi32, #tpu.memory_space<hbm>> -> memref<400xi32, #tpu.memory_space<hbm>>
        %dma_wait3A_207 = tpu.memref_slice %arg2[%dma_wait3A_204, %mul3A_2] : memref<2x800000xi32, #tpu.memory_space<hbm>> -> memref<1x400xi32, #tpu.memory_space<hbm>>
        %dma_wait3A_208 = tpu.memref_squeeze %dma_wait3A_207 : memref<1x400xi32, #tpu.memory_space<hbm>> -> memref<400xi32, #tpu.memory_space<hbm>>
        tpu.wait_dma2 semaphore(%arg13 : memref<!tpu.dma_semaphore, #tpu.memory_space<semaphore_mem>>) src(%dma_wait3A_208 : memref<400xi32, #tpu.memory_space<hbm>>) dst(%arg6 : memref<400xi32, #tpu.memory_space<vmem>>)
        %dma_wait3A_209 = arith.constant 1 : i32
        %dma_wait3A_210 = tpu.memref_slice %arg2[%dma_wait3A_209, %mul3A_2] : memref<2x800000xi32, #tpu.memory_space<hbm>> -> memref<1x400xi32, #tpu.memory_space<hbm>>
        %dma_wait3A_211 = tpu.memref_squeeze %dma_wait3A_210 : memref<1x400xi32, #tpu.memory_space<hbm>> -> memref<400xi32, #tpu.memory_space<hbm>>
        %dma_wait3A_212 = tpu.memref_slice %arg2[%dma_wait3A_209, %mul3A_2] : memref<2x800000xi32, #tpu.memory_space<hbm>> -> memref<1x400xi32, #tpu.memory_space<hbm>>
        %dma_wait3A_213 = tpu.memref_squeeze %dma_wait3A_212 : memref<1x400xi32, #tpu.memory_space<hbm>> -> memref<400xi32, #tpu.memory_space<hbm>>
        tpu.wait_dma2 semaphore(%arg15 : memref<!tpu.dma_semaphore, #tpu.memory_space<semaphore_mem>>) src(%dma_wait3A_213 : memref<400xi32, #tpu.memory_space<hbm>>) dst(%arg8 : memref<400xi32, #tpu.memory_space<vmem>>)
        %scan3A_214 = arith.constant 0 : i32
        %scan3A_215 = arith.constant 0 : i32
        %scan3A_216 = arith.constant 25 : i32
        %scan3A_217 = arith.addi %scan3A_215, %scan3A_216 : i32
        %scan3A_218 = arith.constant 1 : i32
        scf.for %scan3A_266 = %scan3A_215 to %scan3A_217 step %scan3A_218  : i32 {
          %mul3A_267 = arith.constant 16 : i32
          %mul3A_268 = arith.muli %scan3A_266, %mul3A_267 : i32
          %get3A = arith.index_cast %mul3A_268 : i32 to index
          %get3A_269 = tpu.vector_load %arg6[%get3A] {strides = array<i32>} : memref<400xi32, #tpu.memory_space<vmem>>, vector<16xi32>,
          %get3A_270 = vector.shape_cast %get3A_269 : vector<16xi32> to vector<16xi32>
          %mul3A_271 = arith.constant 4 : i32
          %mul3A_272 = vector.broadcast %mul3A_271 : i32 to vector<16xi32>
          %mul3A_273 = arith.muli %get3A_270, %mul3A_272 : vector<16xi32>
          %add3A_274 = arith.constant 2 : i32
          %add3A_275 = vector.broadcast %add3A_274 : i32 to vector<16xi32>
          %add3A_276 = arith.addi %mul3A_273, %add3A_275 : vector<16xi32>
          %mul3A_277 = arith.constant 16 : i32
          %mul3A_278 = arith.muli %scan3A_266, %mul3A_277 : i32
          %swap3A = arith.index_cast %mul3A_278 : i32 to index
          %swap3A_279 = tpu.vector_load %arg6[%swap3A] {strides = array<i32>} : memref<400xi32, #tpu.memory_space<vmem>>, vector<16xi32>,
          %swap3A_280 = vector.shape_cast %swap3A_279 : vector<16xi32> to vector<16xi32>
          %swap3A_281 = vector.shape_cast %add3A_276 : vector<16xi32> to vector<16xi32>
          tpu.vector_store %arg6[%swap3A], %swap3A_281 {strides = array<i32>} : memref<400xi32, #tpu.memory_space<vmem>>, vector<16xi32>,
        }
        %scan3A_219 = arith.constant 25 : i32
        %dma_start3A_220 = arith.constant 0 : i32
        %dma_start3A_221 = arith.constant 0 : i32
        %dma_start3A_222 = tpu.memref_slice %arg3[%dma_start3A_220, %dma_start3A_221] : memref<200704x32xf32, #tpu.memory_space<hbm>> -> memref<200704x32xf32, #tpu.memory_space<hbm>>
        tpu.enqueue_indirect_dma source(%dma_start3A_222 : memref<200704x32xf32, #tpu.memory_space<hbm>>) target(%arg10 : memref<400x32xf32, #tpu.memory_space<vmem>>) offsets(%arg6 : memref<400xi32, #tpu.memory_space<vmem>>) semaphore(%arg17 : memref<!tpu.dma_semaphore, #tpu.memory_space<semaphore_mem>>)
        %dma_wait3A_223 = arith.constant 0 : i32
        %dma_wait3A_224 = arith.constant 0 : i32
        %dma_wait3A_225 = tpu.memref_slice %arg11[%dma_wait3A_223, %dma_wait3A_224] : memref<50176x32xf32, #tpu.memory_space<vmem_shared>> -> memref<50176x32xf32, #tpu.memory_space<vmem_shared>>
        tpu.wait_indirect_dma semaphore(%arg18 : memref<!tpu.dma_semaphore, #tpu.memory_space<semaphore_mem>>) src(%arg9 : memref<400x32xf32, #tpu.memory_space<vmem>>) dst(%dma_wait3A_225 : memref<50176x32xf32, #tpu.memory_space<vmem_shared>>)
        %add3A_226 = arith.constant 2 : i32
        %add3A_227 = arith.addi %mul3A_179, %add3A_226 : i32
        %mul3A_228 = arith.constant 400 : i32
        %mul3A_229 = arith.muli %add3A_227, %mul3A_228 : i32
        %add3A_230 = arith.addi %mul3A_2, %mul3A_229 : i32
        %dma_start3A_231 = arith.constant 0 : i32
        %dma_start3A_232 = tpu.memref_slice %arg2[%dma_start3A_231, %add3A_230] : memref<2x800000xi32, #tpu.memory_space<hbm>> -> memref<1x400xi32, #tpu.memory_space<hbm>>
        %dma_start3A_233 = tpu.memref_squeeze %dma_start3A_232 : memref<1x400xi32, #tpu.memory_space<hbm>> -> memref<400xi32, #tpu.memory_space<hbm>>
        %dma_start3A_234 = tpu.memref_slice %arg2[%dma_start3A_231, %add3A_230] : memref<2x800000xi32, #tpu.memory_space<hbm>> -> memref<1x400xi32, #tpu.memory_space<hbm>>
        %dma_start3A_235 = tpu.memref_squeeze %dma_start3A_234 : memref<1x400xi32, #tpu.memory_space<hbm>> -> memref<400xi32, #tpu.memory_space<hbm>>
        tpu.enqueue_dma source(%dma_start3A_235 : memref<400xi32, #tpu.memory_space<hbm>>) target(%arg5 : memref<400xi32, #tpu.memory_space<vmem>>) target_semaphore(%arg12 : memref<!tpu.dma_semaphore, #tpu.memory_space<semaphore_mem>>)
        %dma_start3A_236 = arith.constant 1 : i32
        %dma_start3A_237 = tpu.memref_slice %arg2[%dma_start3A_236, %add3A_230] : memref<2x800000xi32, #tpu.memory_space<hbm>> -> memref<1x400xi32, #tpu.memory_space<hbm>>
        %dma_start3A_238 = tpu.memref_squeeze %dma_start3A_237 : memref<1x400xi32, #tpu.memory_space<hbm>> -> memref<400xi32, #tpu.memory_space<hbm>>
        %dma_start3A_239 = tpu.memref_slice %arg2[%dma_start3A_236, %add3A_230] : memref<2x800000xi32, #tpu.memory_space<hbm>> -> memref<1x400xi32, #tpu.memory_space<hbm>>
        %dma_start3A_240 = tpu.memref_squeeze %dma_start3A_239 : memref<1x400xi32, #tpu.memory_space<hbm>> -> memref<400xi32, #tpu.memory_space<hbm>>
        tpu.enqueue_dma source(%dma_start3A_240 : memref<400xi32, #tpu.memory_space<hbm>>) target(%arg7 : memref<400xi32, #tpu.memory_space<vmem>>) target_semaphore(%arg14 : memref<!tpu.dma_semaphore, #tpu.memory_space<semaphore_mem>>)
        %dma_wait3A_241 = arith.constant 0 : i32
        %dma_wait3A_242 = arith.constant 0 : i32
        %dma_wait3A_243 = tpu.memref_slice %arg3[%dma_wait3A_241, %dma_wait3A_242] : memref<200704x32xf32, #tpu.memory_space<hbm>> -> memref<200704x32xf32, #tpu.memory_space<hbm>>
        tpu.wait_indirect_dma semaphore(%arg17 : memref<!tpu.dma_semaphore, #tpu.memory_space<semaphore_mem>>) src(%dma_wait3A_243 : memref<200704x32xf32, #tpu.memory_space<hbm>>) dst(%arg10 : memref<400x32xf32, #tpu.memory_space<vmem>>)
        %dma_start3A_244 = arith.constant 0 : i32
        %dma_start3A_245 = arith.constant 0 : i32
        %dma_start3A_246 = tpu.memref_slice %arg11[%dma_start3A_244, %dma_start3A_245] : memref<50176x32xf32, #tpu.memory_space<vmem_shared>> -> memref<50176x32xf32, #tpu.memory_space<vmem_shared>>
        tpu.enqueue_indirect_dma source(%arg10 : memref<400x32xf32, #tpu.memory_space<vmem>>) target(%dma_start3A_246 : memref<50176x32xf32, #tpu.memory_space<vmem_shared>>) offsets(%arg8 : memref<400xi32, #tpu.memory_space<vmem>>) semaphore(%arg19 : memref<!tpu.dma_semaphore, #tpu.memory_space<semaphore_mem>>) {add = true}
        %dma_wait3A_247 = arith.constant 0 : i32
        %dma_wait3A_248 = tpu.memref_slice %arg2[%dma_wait3A_247, %mul3A_2] : memref<2x800000xi32, #tpu.memory_space<hbm>> -> memref<1x400xi32, #tpu.memory_space<hbm>>
        %dma_wait3A_249 = tpu.memref_squeeze %dma_wait3A_248 : memref<1x400xi32, #tpu.memory_space<hbm>> -> memref<400xi32, #tpu.memory_space<hbm>>
        %dma_wait3A_250 = tpu.memref_slice %arg2[%dma_wait3A_247, %mul3A_2] : memref<2x800000xi32, #tpu.memory_space<hbm>> -> memref<1x400xi32, #tpu.memory_space<hbm>>
        %dma_wait3A_251 = tpu.memref_squeeze %dma_wait3A_250 : memref<1x400xi32, #tpu.memory_space<hbm>> -> memref<400xi32, #tpu.memory_space<hbm>>
        tpu.wait_dma2 semaphore(%arg12 : memref<!tpu.dma_semaphore, #tpu.memory_space<semaphore_mem>>) src(%dma_wait3A_251 : memref<400xi32, #tpu.memory_space<hbm>>) dst(%arg5 : memref<400xi32, #tpu.memory_space<vmem>>)
        %dma_wait3A_252 = arith.constant 1 : i32
        %dma_wait3A_253 = tpu.memref_slice %arg2[%dma_wait3A_252, %mul3A_2] : memref<2x800000xi32, #tpu.memory_space<hbm>> -> memref<1x400xi32, #tpu.memory_space<hbm>>
        %dma_wait3A_254 = tpu.memref_squeeze %dma_wait3A_253 : memref<1x400xi32, #tpu.memory_space<hbm>> -> memref<400xi32, #tpu.memory_space<hbm>>
        %dma_wait3A_255 = tpu.memref_slice %arg2[%dma_wait3A_252, %mul3A_2] : memref<2x800000xi32, #tpu.memory_space<hbm>> -> memref<1x400xi32, #tpu.memory_space<hbm>>
        %dma_wait3A_256 = tpu.memref_squeeze %dma_wait3A_255 : memref<1x400xi32, #tpu.memory_space<hbm>> -> memref<400xi32, #tpu.memory_space<hbm>>
        tpu.wait_dma2 semaphore(%arg14 : memref<!tpu.dma_semaphore, #tpu.memory_space<semaphore_mem>>) src(%dma_wait3A_256 : memref<400xi32, #tpu.memory_space<hbm>>) dst(%arg7 : memref<400xi32, #tpu.memory_space<vmem>>)
        %scan3A_257 = arith.constant 0 : i32
        %scan3A_258 = arith.constant 0 : i32
        %scan3A_259 = arith.constant 25 : i32
        %scan3A_260 = arith.addi %scan3A_258, %scan3A_259 : i32
        %scan3A_261 = arith.constant 1 : i32
        scf.for %scan3A_266 = %scan3A_258 to %scan3A_260 step %scan3A_261  : i32 {
          %mul3A_267 = arith.constant 16 : i32
          %mul3A_268 = arith.muli %scan3A_266, %mul3A_267 : i32
          %get3A = arith.index_cast %mul3A_268 : i32 to index
          %get3A_269 = tpu.vector_load %arg5[%get3A] {strides = array<i32>} : memref<400xi32, #tpu.memory_space<vmem>>, vector<16xi32>,
          %get3A_270 = vector.shape_cast %get3A_269 : vector<16xi32> to vector<16xi32>
          %mul3A_271 = arith.constant 4 : i32
          %mul3A_272 = vector.broadcast %mul3A_271 : i32 to vector<16xi32>
          %mul3A_273 = arith.muli %get3A_270, %mul3A_272 : vector<16xi32>
          %add3A_274 = arith.constant 2 : i32
          %add3A_275 = vector.broadcast %add3A_274 : i32 to vector<16xi32>
          %add3A_276 = arith.addi %mul3A_273, %add3A_275 : vector<16xi32>
          %mul3A_277 = arith.constant 16 : i32
          %mul3A_278 = arith.muli %scan3A_266, %mul3A_277 : i32
          %swap3A = arith.index_cast %mul3A_278 : i32 to index
          %swap3A_279 = tpu.vector_load %arg5[%swap3A] {strides = array<i32>} : memref<400xi32, #tpu.memory_space<vmem>>, vector<16xi32>,
          %swap3A_280 = vector.shape_cast %swap3A_279 : vector<16xi32> to vector<16xi32>
          %swap3A_281 = vector.shape_cast %add3A_276 : vector<16xi32> to vector<16xi32>
          tpu.vector_store %arg5[%swap3A], %swap3A_281 {strides = array<i32>} : memref<400xi32, #tpu.memory_space<vmem>>, vector<16xi32>,
        }
        %scan3A_262 = arith.constant 25 : i32
        %dma_start3A_263 = arith.constant 0 : i32
        %dma_start3A_264 = arith.constant 0 : i32
        %dma_start3A_265 = tpu.memref_slice %arg3[%dma_start3A_263, %dma_start3A_264] : memref<200704x32xf32, #tpu.memory_space<hbm>> -> memref<200704x32xf32, #tpu.memory_space<hbm>>
        tpu.enqueue_indirect_dma source(%dma_start3A_265 : memref<200704x32xf32, #tpu.memory_space<hbm>>) target(%arg9 : memref<400x32xf32, #tpu.memory_space<vmem>>) offsets(%arg5 : memref<400xi32, #tpu.memory_space<vmem>>) semaphore(%arg16 : memref<!tpu.dma_semaphore, #tpu.memory_space<semaphore_mem>>)
      }
      %scan3A_79 = arith.constant 62 : i32
      %dma_wait3A_80 = arith.constant 0 : i32
      %dma_wait3A_81 = arith.constant 0 : i32
      %dma_wait3A_82 = tpu.memref_slice %arg11[%dma_wait3A_80, %dma_wait3A_81] : memref<50176x32xf32, #tpu.memory_space<vmem_shared>> -> memref<50176x32xf32, #tpu.memory_space<vmem_shared>>
      tpu.wait_indirect_dma semaphore(%arg19 : memref<!tpu.dma_semaphore, #tpu.memory_space<semaphore_mem>>) src(%arg10 : memref<400x32xf32, #tpu.memory_space<vmem>>) dst(%dma_wait3A_82 : memref<50176x32xf32, #tpu.memory_space<vmem_shared>>)
      %dma_wait3A_83 = arith.constant 0 : i32
      %dma_wait3A_84 = arith.constant 0 : i32
      %dma_wait3A_85 = tpu.memref_slice %arg3[%dma_wait3A_83, %dma_wait3A_84] : memref<200704x32xf32, #tpu.memory_space<hbm>> -> memref<200704x32xf32, #tpu.memory_space<hbm>>
      tpu.wait_indirect_dma semaphore(%arg16 : memref<!tpu.dma_semaphore, #tpu.memory_space<semaphore_mem>>) src(%dma_wait3A_85 : memref<200704x32xf32, #tpu.memory_space<hbm>>) dst(%arg9 : memref<400x32xf32, #tpu.memory_space<vmem>>)
      %dma_start3A_86 = arith.constant 0 : i32
      %dma_start3A_87 = arith.constant 0 : i32
      %dma_start3A_88 = tpu.memref_slice %arg11[%dma_start3A_86, %dma_start3A_87] : memref<50176x32xf32, #tpu.memory_space<vmem_shared>> -> memref<50176x32xf32, #tpu.memory_space<vmem_shared>>
      tpu.enqueue_indirect_dma source(%arg9 : memref<400x32xf32, #tpu.memory_space<vmem>>) target(%dma_start3A_88 : memref<50176x32xf32, #tpu.memory_space<vmem_shared>>) offsets(%arg7 : memref<400xi32, #tpu.memory_space<vmem>>) semaphore(%arg18 : memref<!tpu.dma_semaphore, #tpu.memory_space<semaphore_mem>>) {add = true}
      %dma_wait3A_89 = arith.constant 0 : i32
      %dma_wait3A_90 = arith.constant 0 : i32
      %dma_wait3A_91 = tpu.memref_slice %arg11[%dma_wait3A_89, %dma_wait3A_90] : memref<50176x32xf32, #tpu.memory_space<vmem_shared>> -> memref<50176x32xf32, #tpu.memory_space<vmem_shared>>
      tpu.wait_indirect_dma semaphore(%arg18 : memref<!tpu.dma_semaphore, #tpu.memory_space<semaphore_mem>>) src(%arg9 : memref<400x32xf32, #tpu.memory_space<vmem>>) dst(%dma_wait3A_91 : memref<50176x32xf32, #tpu.memory_space<vmem_shared>>)
      %barrier3A_92 = arith.constant 0 : index
      tpu.barrier barrier_id(%barrier3A_92)
      "tpu.region"() ({
        %run_scoped3A = tpu.sem_alloc : memref<!tpu.dma_semaphore, #tpu.memory_space<semaphore_mem>>
        %dma_start3A_177 = arith.constant 64 : i32
        %dma_start3A_178 = tpu.memref_slice %arg4[%mul3A_0, %dma_start3A_177] : memref<50176x128xf32, #tpu.memory_space<hbm>> -> memref<3136x32xf32, #tpu.memory_space<hbm>>
        %dma_start3A_179 = arith.constant 0 : i32
        %dma_start3A_180 = tpu.memref_slice %arg11[%mul3A_0, %dma_start3A_179] : memref<50176x32xf32, #tpu.memory_space<vmem_shared>> -> memref<3136x32xf32, #tpu.memory_space<vmem_shared>>
        tpu.enqueue_dma source(%dma_start3A_180 : memref<3136x32xf32, #tpu.memory_space<vmem_shared>>) target(%dma_start3A_178 : memref<3136x32xf32, #tpu.memory_space<hbm>>) target_semaphore(%run_scoped3A : memref<!tpu.dma_semaphore, #tpu.memory_space<semaphore_mem>>)
        %dma_wait3A_181 = arith.constant 64 : i32
        %dma_wait3A_182 = tpu.memref_slice %arg4[%mul3A_0, %dma_wait3A_181] : memref<50176x128xf32, #tpu.memory_space<hbm>> -> memref<3136x32xf32, #tpu.memory_space<hbm>>
        %dma_wait3A_183 = arith.constant 0 : i32
        %dma_wait3A_184 = tpu.memref_slice %arg11[%mul3A_0, %dma_wait3A_183] : memref<50176x32xf32, #tpu.memory_space<vmem_shared>> -> memref<3136x32xf32, #tpu.memory_space<vmem_shared>>
        tpu.wait_dma2 semaphore(%run_scoped3A : memref<!tpu.dma_semaphore, #tpu.memory_space<semaphore_mem>>) src(%dma_wait3A_184 : memref<3136x32xf32, #tpu.memory_space<vmem_shared>>) dst(%dma_wait3A_182 : memref<3136x32xf32, #tpu.memory_space<hbm>>)
        tpu.yield
      }) : () -> ()
      %barrier3A_93 = arith.constant 0 : index
      tpu.barrier barrier_id(%barrier3A_93)
      %scan3A_94 = arith.constant 0 : i32
      %scan3A_95 = arith.constant 0 : i32
      %scan3A_96 = arith.constant 400 : i32
      %scan3A_97 = arith.addi %scan3A_95, %scan3A_96 : i32
      %scan3A_98 = arith.constant 1 : i32
      scf.for %scan3A_177 = %scan3A_95 to %scan3A_97 step %scan3A_98  : i32 {
        %broadcast_in_dim3A = arith.constant 0.000000e+00 : f32
        %broadcast_in_dim3A_178 = vector.broadcast %broadcast_in_dim3A : f32 to vector<16xf32>
        %swap3A = arith.index_cast %scan3A_177 : i32 to index
        %swap3A_179 = arith.constant 0 : index
        %swap3A_180 = tpu.vector_load %arg9[%swap3A, %swap3A_179] {strides = array<i32>} : memref<400x32xf32, #tpu.memory_space<vmem>>, vector<1x16xf32>,
        %swap3A_181 = vector.shape_cast %swap3A_180 : vector<1x16xf32> to vector<16xf32>
        %swap3A_182 = vector.shape_cast %broadcast_in_dim3A_178 : vector<16xf32> to vector<1x16xf32>
        tpu.vector_store %arg9[%swap3A, %swap3A_179], %swap3A_182 {strides = array<i32>} : memref<400x32xf32, #tpu.memory_space<vmem>>, vector<1x16xf32>,
        %swap3A_183 = arith.index_cast %scan3A_177 : i32 to index
        %swap3A_184 = arith.constant 16 : index
        %swap3A_185 = tpu.vector_load %arg9[%swap3A_183, %swap3A_184] {strides = array<i32>} : memref<400x32xf32, #tpu.memory_space<vmem>>, vector<1x16xf32>,
        %swap3A_186 = vector.shape_cast %swap3A_185 : vector<1x16xf32> to vector<16xf32>
        %swap3A_187 = vector.shape_cast %broadcast_in_dim3A_178 : vector<16xf32> to vector<1x16xf32>
        tpu.vector_store %arg9[%swap3A_183, %swap3A_184], %swap3A_187 {strides = array<i32>} : memref<400x32xf32, #tpu.memory_space<vmem>>, vector<1x16xf32>,
      }
      %scan3A_99 = arith.constant 400 : i32
      %scan3A_100 = arith.constant 0 : i32
      %scan3A_101 = arith.constant 0 : i32
      %scan3A_102 = arith.constant 400 : i32
      %scan3A_103 = arith.addi %scan3A_101, %scan3A_102 : i32
      %scan3A_104 = arith.constant 1 : i32
      scf.for %scan3A_177 = %scan3A_101 to %scan3A_103 step %scan3A_104  : i32 {
        %broadcast_in_dim3A = arith.constant 0.000000e+00 : f32
        %broadcast_in_dim3A_178 = vector.broadcast %broadcast_in_dim3A : f32 to vector<16xf32>
        %swap3A = arith.index_cast %scan3A_177 : i32 to index
        %swap3A_179 = arith.constant 0 : index
        %swap3A_180 = tpu.vector_load %arg10[%swap3A, %swap3A_179] {strides = array<i32>} : memref<400x32xf32, #tpu.memory_space<vmem>>, vector<1x16xf32>,
        %swap3A_181 = vector.shape_cast %swap3A_180 : vector<1x16xf32> to vector<16xf32>
        %swap3A_182 = vector.shape_cast %broadcast_in_dim3A_178 : vector<16xf32> to vector<1x16xf32>
        tpu.vector_store %arg10[%swap3A, %swap3A_179], %swap3A_182 {strides = array<i32>} : memref<400x32xf32, #tpu.memory_space<vmem>>, vector<1x16xf32>,
        %swap3A_183 = arith.index_cast %scan3A_177 : i32 to index
        %swap3A_184 = arith.constant 16 : index
        %swap3A_185 = tpu.vector_load %arg10[%swap3A_183, %swap3A_184] {strides = array<i32>} : memref<400x32xf32, #tpu.memory_space<vmem>>, vector<1x16xf32>,
        %swap3A_186 = vector.shape_cast %swap3A_185 : vector<1x16xf32> to vector<16xf32>
        %swap3A_187 = vector.shape_cast %broadcast_in_dim3A_178 : vector<16xf32> to vector<1x16xf32>
        tpu.vector_store %arg10[%swap3A_183, %swap3A_184], %swap3A_187 {strides = array<i32>} : memref<400x32xf32, #tpu.memory_space<vmem>>, vector<1x16xf32>,
      }
      %scan3A_105 = arith.constant 400 : i32
      %add3A_106 = arith.constant 0 : i32
      %add3A_107 = arith.addi %mul3A_0, %add3A_106 : i32
      "tpu.region"() ({
        %run_scoped3A = tpu.sem_alloc : memref<!tpu.dma_semaphore, #tpu.memory_space<semaphore_mem>>
        %dma_start3A_177 = arith.constant 0 : i32
        %dma_start3A_178 = tpu.memref_slice %arg11[%add3A_107, %dma_start3A_177] : memref<50176x32xf32, #tpu.memory_space<vmem_shared>> -> memref<400x32xf32, #tpu.memory_space<vmem_shared>>
        %dma_start3A_179 = arith.constant 0 : i32
        %dma_start3A_180 = tpu.memref_slice %arg11[%add3A_107, %dma_start3A_179] : memref<50176x32xf32, #tpu.memory_space<vmem_shared>> -> memref<400x32xf32, #tpu.memory_space<vmem_shared>>
        tpu.enqueue_dma source(%arg9 : memref<400x32xf32, #tpu.memory_space<vmem>>) target(%dma_start3A_180 : memref<400x32xf32, #tpu.memory_space<vmem_shared>>) target_semaphore(%run_scoped3A : memref<!tpu.dma_semaphore, #tpu.memory_space<semaphore_mem>>)
        %dma_wait3A_181 = arith.constant 0 : i32
        %dma_wait3A_182 = tpu.memref_slice %arg11[%add3A_107, %dma_wait3A_181] : memref<50176x32xf32, #tpu.memory_space<vmem_shared>> -> memref<400x32xf32, #tpu.memory_space<vmem_shared>>
        %dma_wait3A_183 = arith.constant 0 : i32
        %dma_wait3A_184 = tpu.memref_slice %arg11[%add3A_107, %dma_wait3A_183] : memref<50176x32xf32, #tpu.memory_space<vmem_shared>> -> memref<400x32xf32, #tpu.memory_space<vmem_shared>>
        tpu.wait_dma2 semaphore(%run_scoped3A : memref<!tpu.dma_semaphore, #tpu.memory_space<semaphore_mem>>) src(%arg9 : memref<400x32xf32, #tpu.memory_space<vmem>>) dst(%dma_wait3A_184 : memref<400x32xf32, #tpu.memory_space<vmem_shared>>)
        tpu.yield
      }) : () -> ()
      %add3A_108 = arith.constant 400 : i32
      %add3A_109 = arith.addi %mul3A_0, %add3A_108 : i32
      "tpu.region"() ({
        %run_scoped3A = tpu.sem_alloc : memref<!tpu.dma_semaphore, #tpu.memory_space<semaphore_mem>>
        %dma_start3A_177 = arith.constant 0 : i32
        %dma_start3A_178 = tpu.memref_slice %arg11[%add3A_109, %dma_start3A_177] : memref<50176x32xf32, #tpu.memory_space<vmem_shared>> -> memref<400x32xf32, #tpu.memory_space<vmem_shared>>
        %dma_start3A_179 = arith.constant 0 : i32
        %dma_start3A_180 = tpu.memref_slice %arg11[%add3A_109, %dma_start3A_179] : memref<50176x32xf32, #tpu.memory_space<vmem_shared>> -> memref<400x32xf32, #tpu.memory_space<vmem_shared>>
        tpu.enqueue_dma source(%arg9 : memref<400x32xf32, #tpu.memory_space<vmem>>) target(%dma_start3A_180 : memref<400x32xf32, #tpu.memory_space<vmem_shared>>) target_semaphore(%run_scoped3A : memref<!tpu.dma_semaphore, #tpu.memory_space<semaphore_mem>>)
        %dma_wait3A_181 = arith.constant 0 : i32
        %dma_wait3A_182 = tpu.memref_slice %arg11[%add3A_109, %dma_wait3A_181] : memref<50176x32xf32, #tpu.memory_space<vmem_shared>> -> memref<400x32xf32, #tpu.memory_space<vmem_shared>>
        %dma_wait3A_183 = arith.constant 0 : i32
        %dma_wait3A_184 = tpu.memref_slice %arg11[%add3A_109, %dma_wait3A_183] : memref<50176x32xf32, #tpu.memory_space<vmem_shared>> -> memref<400x32xf32, #tpu.memory_space<vmem_shared>>
        tpu.wait_dma2 semaphore(%run_scoped3A : memref<!tpu.dma_semaphore, #tpu.memory_space<semaphore_mem>>) src(%arg9 : memref<400x32xf32, #tpu.memory_space<vmem>>) dst(%dma_wait3A_184 : memref<400x32xf32, #tpu.memory_space<vmem_shared>>)
        tpu.yield
      }) : () -> ()
      %add3A_110 = arith.constant 800 : i32
      %add3A_111 = arith.addi %mul3A_0, %add3A_110 : i32
      "tpu.region"() ({
        %run_scoped3A = tpu.sem_alloc : memref<!tpu.dma_semaphore, #tpu.memory_space<semaphore_mem>>
        %dma_start3A_177 = arith.constant 0 : i32
        %dma_start3A_178 = tpu.memref_slice %arg11[%add3A_111, %dma_start3A_177] : memref<50176x32xf32, #tpu.memory_space<vmem_shared>> -> memref<400x32xf32, #tpu.memory_space<vmem_shared>>
        %dma_start3A_179 = arith.constant 0 : i32
        %dma_start3A_180 = tpu.memref_slice %arg11[%add3A_111, %dma_start3A_179] : memref<50176x32xf32, #tpu.memory_space<vmem_shared>> -> memref<400x32xf32, #tpu.memory_space<vmem_shared>>
        tpu.enqueue_dma source(%arg9 : memref<400x32xf32, #tpu.memory_space<vmem>>) target(%dma_start3A_180 : memref<400x32xf32, #tpu.memory_space<vmem_shared>>) target_semaphore(%run_scoped3A : memref<!tpu.dma_semaphore, #tpu.memory_space<semaphore_mem>>)
        %dma_wait3A_181 = arith.constant 0 : i32
        %dma_wait3A_182 = tpu.memref_slice %arg11[%add3A_111, %dma_wait3A_181] : memref<50176x32xf32, #tpu.memory_space<vmem_shared>> -> memref<400x32xf32, #tpu.memory_space<vmem_shared>>
        %dma_wait3A_183 = arith.constant 0 : i32
        %dma_wait3A_184 = tpu.memref_slice %arg11[%add3A_111, %dma_wait3A_183] : memref<50176x32xf32, #tpu.memory_space<vmem_shared>> -> memref<400x32xf32, #tpu.memory_space<vmem_shared>>
        tpu.wait_dma2 semaphore(%run_scoped3A : memref<!tpu.dma_semaphore, #tpu.memory_space<semaphore_mem>>) src(%arg9 : memref<400x32xf32, #tpu.memory_space<vmem>>) dst(%dma_wait3A_184 : memref<400x32xf32, #tpu.memory_space<vmem_shared>>)
        tpu.yield
      }) : () -> ()
      %add3A_112 = arith.constant 1200 : i32
      %add3A_113 = arith.addi %mul3A_0, %add3A_112 : i32
      "tpu.region"() ({
        %run_scoped3A = tpu.sem_alloc : memref<!tpu.dma_semaphore, #tpu.memory_space<semaphore_mem>>
        %dma_start3A_177 = arith.constant 0 : i32
        %dma_start3A_178 = tpu.memref_slice %arg11[%add3A_113, %dma_start3A_177] : memref<50176x32xf32, #tpu.memory_space<vmem_shared>> -> memref<400x32xf32, #tpu.memory_space<vmem_shared>>
        %dma_start3A_179 = arith.constant 0 : i32
        %dma_start3A_180 = tpu.memref_slice %arg11[%add3A_113, %dma_start3A_179] : memref<50176x32xf32, #tpu.memory_space<vmem_shared>> -> memref<400x32xf32, #tpu.memory_space<vmem_shared>>
        tpu.enqueue_dma source(%arg9 : memref<400x32xf32, #tpu.memory_space<vmem>>) target(%dma_start3A_180 : memref<400x32xf32, #tpu.memory_space<vmem_shared>>) target_semaphore(%run_scoped3A : memref<!tpu.dma_semaphore, #tpu.memory_space<semaphore_mem>>)
        %dma_wait3A_181 = arith.constant 0 : i32
        %dma_wait3A_182 = tpu.memref_slice %arg11[%add3A_113, %dma_wait3A_181] : memref<50176x32xf32, #tpu.memory_space<vmem_shared>> -> memref<400x32xf32, #tpu.memory_space<vmem_shared>>
        %dma_wait3A_183 = arith.constant 0 : i32
        %dma_wait3A_184 = tpu.memref_slice %arg11[%add3A_113, %dma_wait3A_183] : memref<50176x32xf32, #tpu.memory_space<vmem_shared>> -> memref<400x32xf32, #tpu.memory_space<vmem_shared>>
        tpu.wait_dma2 semaphore(%run_scoped3A : memref<!tpu.dma_semaphore, #tpu.memory_space<semaphore_mem>>) src(%arg9 : memref<400x32xf32, #tpu.memory_space<vmem>>) dst(%dma_wait3A_184 : memref<400x32xf32, #tpu.memory_space<vmem_shared>>)
        tpu.yield
      }) : () -> ()
      %add3A_114 = arith.constant 1600 : i32
      %add3A_115 = arith.addi %mul3A_0, %add3A_114 : i32
      "tpu.region"() ({
        %run_scoped3A = tpu.sem_alloc : memref<!tpu.dma_semaphore, #tpu.memory_space<semaphore_mem>>
        %dma_start3A_177 = arith.constant 0 : i32
        %dma_start3A_178 = tpu.memref_slice %arg11[%add3A_115, %dma_start3A_177] : memref<50176x32xf32, #tpu.memory_space<vmem_shared>> -> memref<400x32xf32, #tpu.memory_space<vmem_shared>>
        %dma_start3A_179 = arith.constant 0 : i32
        %dma_start3A_180 = tpu.memref_slice %arg11[%add3A_115, %dma_start3A_179] : memref<50176x32xf32, #tpu.memory_space<vmem_shared>> -> memref<400x32xf32, #tpu.memory_space<vmem_shared>>
        tpu.enqueue_dma source(%arg9 : memref<400x32xf32, #tpu.memory_space<vmem>>) target(%dma_start3A_180 : memref<400x32xf32, #tpu.memory_space<vmem_shared>>) target_semaphore(%run_scoped3A : memref<!tpu.dma_semaphore, #tpu.memory_space<semaphore_mem>>)
        %dma_wait3A_181 = arith.constant 0 : i32
        %dma_wait3A_182 = tpu.memref_slice %arg11[%add3A_115, %dma_wait3A_181] : memref<50176x32xf32, #tpu.memory_space<vmem_shared>> -> memref<400x32xf32, #tpu.memory_space<vmem_shared>>
        %dma_wait3A_183 = arith.constant 0 : i32
        %dma_wait3A_184 = tpu.memref_slice %arg11[%add3A_115, %dma_wait3A_183] : memref<50176x32xf32, #tpu.memory_space<vmem_shared>> -> memref<400x32xf32, #tpu.memory_space<vmem_shared>>
        tpu.wait_dma2 semaphore(%run_scoped3A : memref<!tpu.dma_semaphore, #tpu.memory_space<semaphore_mem>>) src(%arg9 : memref<400x32xf32, #tpu.memory_space<vmem>>) dst(%dma_wait3A_184 : memref<400x32xf32, #tpu.memory_space<vmem_shared>>)
        tpu.yield
      }) : () -> ()
      %add3A_116 = arith.constant 2000 : i32
      %add3A_117 = arith.addi %mul3A_0, %add3A_116 : i32
      "tpu.region"() ({
        %run_scoped3A = tpu.sem_alloc : memref<!tpu.dma_semaphore, #tpu.memory_space<semaphore_mem>>
        %dma_start3A_177 = arith.constant 0 : i32
        %dma_start3A_178 = tpu.memref_slice %arg11[%add3A_117, %dma_start3A_177] : memref<50176x32xf32, #tpu.memory_space<vmem_shared>> -> memref<400x32xf32, #tpu.memory_space<vmem_shared>>
        %dma_start3A_179 = arith.constant 0 : i32
        %dma_start3A_180 = tpu.memref_slice %arg11[%add3A_117, %dma_start3A_179] : memref<50176x32xf32, #tpu.memory_space<vmem_shared>> -> memref<400x32xf32, #tpu.memory_space<vmem_shared>>
        tpu.enqueue_dma source(%arg9 : memref<400x32xf32, #tpu.memory_space<vmem>>) target(%dma_start3A_180 : memref<400x32xf32, #tpu.memory_space<vmem_shared>>) target_semaphore(%run_scoped3A : memref<!tpu.dma_semaphore, #tpu.memory_space<semaphore_mem>>)
        %dma_wait3A_181 = arith.constant 0 : i32
        %dma_wait3A_182 = tpu.memref_slice %arg11[%add3A_117, %dma_wait3A_181] : memref<50176x32xf32, #tpu.memory_space<vmem_shared>> -> memref<400x32xf32, #tpu.memory_space<vmem_shared>>
        %dma_wait3A_183 = arith.constant 0 : i32
        %dma_wait3A_184 = tpu.memref_slice %arg11[%add3A_117, %dma_wait3A_183] : memref<50176x32xf32, #tpu.memory_space<vmem_shared>> -> memref<400x32xf32, #tpu.memory_space<vmem_shared>>
        tpu.wait_dma2 semaphore(%run_scoped3A : memref<!tpu.dma_semaphore, #tpu.memory_space<semaphore_mem>>) src(%arg9 : memref<400x32xf32, #tpu.memory_space<vmem>>) dst(%dma_wait3A_184 : memref<400x32xf32, #tpu.memory_space<vmem_shared>>)
        tpu.yield
      }) : () -> ()
      %add3A_118 = arith.constant 2400 : i32
      %add3A_119 = arith.addi %mul3A_0, %add3A_118 : i32
      "tpu.region"() ({
        %run_scoped3A = tpu.sem_alloc : memref<!tpu.dma_semaphore, #tpu.memory_space<semaphore_mem>>
        %dma_start3A_177 = arith.constant 0 : i32
        %dma_start3A_178 = tpu.memref_slice %arg11[%add3A_119, %dma_start3A_177] : memref<50176x32xf32, #tpu.memory_space<vmem_shared>> -> memref<400x32xf32, #tpu.memory_space<vmem_shared>>
        %dma_start3A_179 = arith.constant 0 : i32
        %dma_start3A_180 = tpu.memref_slice %arg11[%add3A_119, %dma_start3A_179] : memref<50176x32xf32, #tpu.memory_space<vmem_shared>> -> memref<400x32xf32, #tpu.memory_space<vmem_shared>>
        tpu.enqueue_dma source(%arg9 : memref<400x32xf32, #tpu.memory_space<vmem>>) target(%dma_start3A_180 : memref<400x32xf32, #tpu.memory_space<vmem_shared>>) target_semaphore(%run_scoped3A : memref<!tpu.dma_semaphore, #tpu.memory_space<semaphore_mem>>)
        %dma_wait3A_181 = arith.constant 0 : i32
        %dma_wait3A_182 = tpu.memref_slice %arg11[%add3A_119, %dma_wait3A_181] : memref<50176x32xf32, #tpu.memory_space<vmem_shared>> -> memref<400x32xf32, #tpu.memory_space<vmem_shared>>
        %dma_wait3A_183 = arith.constant 0 : i32
        %dma_wait3A_184 = tpu.memref_slice %arg11[%add3A_119, %dma_wait3A_183] : memref<50176x32xf32, #tpu.memory_space<vmem_shared>> -> memref<400x32xf32, #tpu.memory_space<vmem_shared>>
        tpu.wait_dma2 semaphore(%run_scoped3A : memref<!tpu.dma_semaphore, #tpu.memory_space<semaphore_mem>>) src(%arg9 : memref<400x32xf32, #tpu.memory_space<vmem>>) dst(%dma_wait3A_184 : memref<400x32xf32, #tpu.memory_space<vmem_shared>>)
        tpu.yield
      }) : () -> ()
      %add3A_120 = arith.constant 2800 : i32
      %add3A_121 = arith.addi %mul3A_0, %add3A_120 : i32
      "tpu.region"() ({
        %run_scoped3A = tpu.sem_alloc : memref<!tpu.dma_semaphore, #tpu.memory_space<semaphore_mem>>
        %dma_start3A_177 = arith.constant 0 : i32
        %dma_start3A_178 = arith.constant 0 : i32
        %dma_start3A_179 = tpu.memref_slice %arg9[%dma_start3A_177, %dma_start3A_178] : memref<400x32xf32, #tpu.memory_space<vmem>> -> memref<336x32xf32, #tpu.memory_space<vmem>>
        %dma_start3A_180 = arith.constant 0 : i32
        %dma_start3A_181 = tpu.memref_slice %arg11[%add3A_121, %dma_start3A_180] : memref<50176x32xf32, #tpu.memory_space<vmem_shared>> -> memref<336x32xf32, #tpu.memory_space<vmem_shared>>
        %dma_start3A_182 = arith.constant 0 : i32
        %dma_start3A_183 = tpu.memref_slice %arg11[%add3A_121, %dma_start3A_182] : memref<50176x32xf32, #tpu.memory_space<vmem_shared>> -> memref<336x32xf32, #tpu.memory_space<vmem_shared>>
        %dma_start3A_184 = arith.constant 0 : i32
        %dma_start3A_185 = arith.constant 0 : i32
        %dma_start3A_186 = tpu.memref_slice %arg9[%dma_start3A_184, %dma_start3A_185] : memref<400x32xf32, #tpu.memory_space<vmem>> -> memref<336x32xf32, #tpu.memory_space<vmem>>
        tpu.enqueue_dma source(%dma_start3A_186 : memref<336x32xf32, #tpu.memory_space<vmem>>) target(%dma_start3A_183 : memref<336x32xf32, #tpu.memory_space<vmem_shared>>) target_semaphore(%run_scoped3A : memref<!tpu.dma_semaphore, #tpu.memory_space<semaphore_mem>>)
        %dma_wait3A_187 = arith.constant 0 : i32
        %dma_wait3A_188 = arith.constant 0 : i32
        %dma_wait3A_189 = tpu.memref_slice %arg9[%dma_wait3A_187, %dma_wait3A_188] : memref<400x32xf32, #tpu.memory_space<vmem>> -> memref<336x32xf32, #tpu.memory_space<vmem>>
        %dma_wait3A_190 = arith.constant 0 : i32
        %dma_wait3A_191 = tpu.memref_slice %arg11[%add3A_121, %dma_wait3A_190] : memref<50176x32xf32, #tpu.memory_space<vmem_shared>> -> memref<336x32xf32, #tpu.memory_space<vmem_shared>>
        %dma_wait3A_192 = arith.constant 0 : i32
        %dma_wait3A_193 = tpu.memref_slice %arg11[%add3A_121, %dma_wait3A_192] : memref<50176x32xf32, #tpu.memory_space<vmem_shared>> -> memref<336x32xf32, #tpu.memory_space<vmem_shared>>
        %dma_wait3A_194 = arith.constant 0 : i32
        %dma_wait3A_195 = arith.constant 0 : i32
        %dma_wait3A_196 = tpu.memref_slice %arg9[%dma_wait3A_194, %dma_wait3A_195] : memref<400x32xf32, #tpu.memory_space<vmem>> -> memref<336x32xf32, #tpu.memory_space<vmem>>
        tpu.wait_dma2 semaphore(%run_scoped3A : memref<!tpu.dma_semaphore, #tpu.memory_space<semaphore_mem>>) src(%dma_wait3A_196 : memref<336x32xf32, #tpu.memory_space<vmem>>) dst(%dma_wait3A_193 : memref<336x32xf32, #tpu.memory_space<vmem_shared>>)
        tpu.yield
      }) : () -> ()
      %barrier3A_122 = arith.constant 0 : index
      tpu.barrier barrier_id(%barrier3A_122)
      %add3A_123 = arith.constant 0 : i32
      %add3A_124 = arith.addi %mul3A_2, %add3A_123 : i32
      %dma_start3A_125 = arith.constant 0 : i32
      %dma_start3A_126 = tpu.memref_slice %arg2[%dma_start3A_125, %add3A_124] : memref<2x800000xi32, #tpu.memory_space<hbm>> -> memref<1x400xi32, #tpu.memory_space<hbm>>
      %dma_start3A_127 = tpu.memref_squeeze %dma_start3A_126 : memref<1x400xi32, #tpu.memory_space<hbm>> -> memref<400xi32, #tpu.memory_space<hbm>>
      %dma_start3A_128 = tpu.memref_slice %arg2[%dma_start3A_125, %add3A_124] : memref<2x800000xi32, #tpu.memory_space<hbm>> -> memref<1x400xi32, #tpu.memory_space<hbm>>
      %dma_start3A_129 = tpu.memref_squeeze %dma_start3A_128 : memref<1x400xi32, #tpu.memory_space<hbm>> -> memref<400xi32, #tpu.memory_space<hbm>>
      tpu.enqueue_dma source(%dma_start3A_129 : memref<400xi32, #tpu.memory_space<hbm>>) target(%arg5 : memref<400xi32, #tpu.memory_space<vmem>>) target_semaphore(%arg12 : memref<!tpu.dma_semaphore, #tpu.memory_space<semaphore_mem>>)
      %dma_start3A_130 = arith.constant 1 : i32
      %dma_start3A_131 = tpu.memref_slice %arg2[%dma_start3A_130, %add3A_124] : memref<2x800000xi32, #tpu.memory_space<hbm>> -> memref<1x400xi32, #tpu.memory_space<hbm>>
      %dma_start3A_132 = tpu.memref_squeeze %dma_start3A_131 : memref<1x400xi32, #tpu.memory_space<hbm>> -> memref<400xi32, #tpu.memory_space<hbm>>
      %dma_start3A_133 = tpu.memref_slice %arg2[%dma_start3A_130, %add3A_124] : memref<2x800000xi32, #tpu.memory_space<hbm>> -> memref<1x400xi32, #tpu.memory_space<hbm>>
      %dma_start3A_134 = tpu.memref_squeeze %dma_start3A_133 : memref<1x400xi32, #tpu.memory_space<hbm>> -> memref<400xi32, #tpu.memory_space<hbm>>
      tpu.enqueue_dma source(%dma_start3A_134 : memref<400xi32, #tpu.memory_space<hbm>>) target(%arg7 : memref<400xi32, #tpu.memory_space<vmem>>) target_semaphore(%arg14 : memref<!tpu.dma_semaphore, #tpu.memory_space<semaphore_mem>>)
      %dma_wait3A_135 = arith.constant 0 : i32
      %dma_wait3A_136 = tpu.memref_slice %arg2[%dma_wait3A_135, %mul3A_2] : memref<2x800000xi32, #tpu.memory_space<hbm>> -> memref<1x400xi32, #tpu.memory_space<hbm>>
      %dma_wait3A_137 = tpu.memref_squeeze %dma_wait3A_136 : memref<1x400xi32, #tpu.memory_space<hbm>> -> memref<400xi32, #tpu.memory_space<hbm>>
      %dma_wait3A_138 = tpu.memref_slice %arg2[%dma_wait3A_135, %mul3A_2] : memref<2x800000xi32, #tpu.memory_space<hbm>> -> memref<1x400xi32, #tpu.memory_space<hbm>>
      %dma_wait3A_139 = tpu.memref_squeeze %dma_wait3A_138 : memref<1x400xi32, #tpu.memory_space<hbm>> -> memref<400xi32, #tpu.memory_space<hbm>>
      tpu.wait_dma2 semaphore(%arg12 : memref<!tpu.dma_semaphore, #tpu.memory_space<semaphore_mem>>) src(%dma_wait3A_139 : memref<400xi32, #tpu.memory_space<hbm>>) dst(%arg5 : memref<400xi32, #tpu.memory_space<vmem>>)
      %dma_wait3A_140 = arith.constant 1 : i32
      %dma_wait3A_141 = tpu.memref_slice %arg2[%dma_wait3A_140, %mul3A_2] : memref<2x800000xi32, #tpu.memory_space<hbm>> -> memref<1x400xi32, #tpu.memory_space<hbm>>
      %dma_wait3A_142 = tpu.memref_squeeze %dma_wait3A_141 : memref<1x400xi32, #tpu.memory_space<hbm>> -> memref<400xi32, #tpu.memory_space<hbm>>
      %dma_wait3A_143 = tpu.memref_slice %arg2[%dma_wait3A_140, %mul3A_2] : memref<2x800000xi32, #tpu.memory_space<hbm>> -> memref<1x400xi32, #tpu.memory_space<hbm>>
      %dma_wait3A_144 = tpu.memref_squeeze %dma_wait3A_143 : memref<1x400xi32, #tpu.memory_space<hbm>> -> memref<400xi32, #tpu.memory_space<hbm>>
      tpu.wait_dma2 semaphore(%arg14 : memref<!tpu.dma_semaphore, #tpu.memory_space<semaphore_mem>>) src(%dma_wait3A_144 : memref<400xi32, #tpu.memory_space<hbm>>) dst(%arg7 : memref<400xi32, #tpu.memory_space<vmem>>)
      %scan3A_145 = arith.constant 0 : i32
      %scan3A_146 = arith.constant 0 : i32
      %scan3A_147 = arith.constant 25 : i32
      %scan3A_148 = arith.addi %scan3A_146, %scan3A_147 : i32
      %scan3A_149 = arith.constant 1 : i32
      scf.for %scan3A_177 = %scan3A_146 to %scan3A_148 step %scan3A_149  : i32 {
        %mul3A_178 = arith.constant 16 : i32
        %mul3A_179 = arith.muli %scan3A_177, %mul3A_178 : i32
        %get3A = arith.index_cast %mul3A_179 : i32 to index
        %get3A_180 = tpu.vector_load %arg5[%get3A] {strides = array<i32>} : memref<400xi32, #tpu.memory_space<vmem>>, vector<16xi32>,
        %get3A_181 = vector.shape_cast %get3A_180 : vector<16xi32> to vector<16xi32>
        %mul3A_182 = arith.constant 4 : i32
        %mul3A_183 = vector.broadcast %mul3A_182 : i32 to vector<16xi32>
        %mul3A_184 = arith.muli %get3A_181, %mul3A_183 : vector<16xi32>
        %add3A_185 = arith.constant 3 : i32
        %add3A_186 = vector.broadcast %add3A_185 : i32 to vector<16xi32>
        %add3A_187 = arith.addi %mul3A_184, %add3A_186 : vector<16xi32>
        %mul3A_188 = arith.constant 16 : i32
        %mul3A_189 = arith.muli %scan3A_177, %mul3A_188 : i32
        %swap3A = arith.index_cast %mul3A_189 : i32 to index
        %swap3A_190 = tpu.vector_load %arg5[%swap3A] {strides = array<i32>} : memref<400xi32, #tpu.memory_space<vmem>>, vector<16xi32>,
        %swap3A_191 = vector.shape_cast %swap3A_190 : vector<16xi32> to vector<16xi32>
        %swap3A_192 = vector.shape_cast %add3A_187 : vector<16xi32> to vector<16xi32>
        tpu.vector_store %arg5[%swap3A], %swap3A_192 {strides = array<i32>} : memref<400xi32, #tpu.memory_space<vmem>>, vector<16xi32>,
      }
      %scan3A_150 = arith.constant 25 : i32
      %dma_start3A_151 = arith.constant 0 : i32
      %dma_start3A_152 = arith.constant 0 : i32
      %dma_start3A_153 = tpu.memref_slice %arg3[%dma_start3A_151, %dma_start3A_152] : memref<200704x32xf32, #tpu.memory_space<hbm>> -> memref<200704x32xf32, #tpu.memory_space<hbm>>
      tpu.enqueue_indirect_dma source(%dma_start3A_153 : memref<200704x32xf32, #tpu.memory_space<hbm>>) target(%arg9 : memref<400x32xf32, #tpu.memory_space<vmem>>) offsets(%arg5 : memref<400xi32, #tpu.memory_space<vmem>>) semaphore(%arg16 : memref<!tpu.dma_semaphore, #tpu.memory_space<semaphore_mem>>)
      %dma_start3A_154 = arith.constant 0 : i32
      %dma_start3A_155 = arith.constant 0 : i32
      %dma_start3A_156 = tpu.memref_slice %arg11[%dma_start3A_154, %dma_start3A_155] : memref<50176x32xf32, #tpu.memory_space<vmem_shared>> -> memref<50176x32xf32, #tpu.memory_space<vmem_shared>>
      tpu.enqueue_indirect_dma source(%arg10 : memref<400x32xf32, #tpu.memory_space<vmem>>) target(%dma_start3A_156 : memref<50176x32xf32, #tpu.memory_space<vmem_shared>>) offsets(%arg8 : memref<400xi32, #tpu.memory_space<vmem>>) semaphore(%arg19 : memref<!tpu.dma_semaphore, #tpu.memory_space<semaphore_mem>>) {add = true}
      %scan3A_157 = arith.constant 0 : i32
      %scan3A_158 = arith.constant 0 : i32
      %scan3A_159 = arith.constant 62 : i32
      %scan3A_160 = arith.addi %scan3A_158, %scan3A_159 : i32
      %scan3A_161 = arith.constant 1 : i32
      scf.for %scan3A_177 = %scan3A_158 to %scan3A_160 step %scan3A_161  : i32 {
        %mul3A_178 = arith.constant 2 : i32
        %mul3A_179 = arith.muli %mul3A_178, %scan3A_177 : i32
        %dma_wait3A_180 = arith.constant 0 : i32
        %dma_wait3A_181 = arith.constant 0 : i32
        %dma_wait3A_182 = tpu.memref_slice %arg11[%dma_wait3A_180, %dma_wait3A_181] : memref<50176x32xf32, #tpu.memory_space<vmem_shared>> -> memref<50176x32xf32, #tpu.memory_space<vmem_shared>>
        tpu.wait_indirect_dma semaphore(%arg19 : memref<!tpu.dma_semaphore, #tpu.memory_space<semaphore_mem>>) src(%arg10 : memref<400x32xf32, #tpu.memory_space<vmem>>) dst(%dma_wait3A_182 : memref<50176x32xf32, #tpu.memory_space<vmem_shared>>)
        %add3A_183 = arith.constant 1 : i32
        %add3A_184 = arith.addi %mul3A_179, %add3A_183 : i32
        %mul3A_185 = arith.constant 400 : i32
        %mul3A_186 = arith.muli %add3A_184, %mul3A_185 : i32
        %add3A_187 = arith.addi %mul3A_2, %mul3A_186 : i32
        %dma_start3A_188 = arith.constant 0 : i32
        %dma_start3A_189 = tpu.memref_slice %arg2[%dma_start3A_188, %add3A_187] : memref<2x800000xi32, #tpu.memory_space<hbm>> -> memref<1x400xi32, #tpu.memory_space<hbm>>
        %dma_start3A_190 = tpu.memref_squeeze %dma_start3A_189 : memref<1x400xi32, #tpu.memory_space<hbm>> -> memref<400xi32, #tpu.memory_space<hbm>>
        %dma_start3A_191 = tpu.memref_slice %arg2[%dma_start3A_188, %add3A_187] : memref<2x800000xi32, #tpu.memory_space<hbm>> -> memref<1x400xi32, #tpu.memory_space<hbm>>
        %dma_start3A_192 = tpu.memref_squeeze %dma_start3A_191 : memref<1x400xi32, #tpu.memory_space<hbm>> -> memref<400xi32, #tpu.memory_space<hbm>>
        tpu.enqueue_dma source(%dma_start3A_192 : memref<400xi32, #tpu.memory_space<hbm>>) target(%arg6 : memref<400xi32, #tpu.memory_space<vmem>>) target_semaphore(%arg13 : memref<!tpu.dma_semaphore, #tpu.memory_space<semaphore_mem>>)
        %dma_start3A_193 = arith.constant 1 : i32
        %dma_start3A_194 = tpu.memref_slice %arg2[%dma_start3A_193, %add3A_187] : memref<2x800000xi32, #tpu.memory_space<hbm>> -> memref<1x400xi32, #tpu.memory_space<hbm>>
        %dma_start3A_195 = tpu.memref_squeeze %dma_start3A_194 : memref<1x400xi32, #tpu.memory_space<hbm>> -> memref<400xi32, #tpu.memory_space<hbm>>
        %dma_start3A_196 = tpu.memref_slice %arg2[%dma_start3A_193, %add3A_187] : memref<2x800000xi32, #tpu.memory_space<hbm>> -> memref<1x400xi32, #tpu.memory_space<hbm>>
        %dma_start3A_197 = tpu.memref_squeeze %dma_start3A_196 : memref<1x400xi32, #tpu.memory_space<hbm>> -> memref<400xi32, #tpu.memory_space<hbm>>
        tpu.enqueue_dma source(%dma_start3A_197 : memref<400xi32, #tpu.memory_space<hbm>>) target(%arg8 : memref<400xi32, #tpu.memory_space<vmem>>) target_semaphore(%arg15 : memref<!tpu.dma_semaphore, #tpu.memory_space<semaphore_mem>>)
        %dma_wait3A_198 = arith.constant 0 : i32
        %dma_wait3A_199 = arith.constant 0 : i32
        %dma_wait3A_200 = tpu.memref_slice %arg3[%dma_wait3A_198, %dma_wait3A_199] : memref<200704x32xf32, #tpu.memory_space<hbm>> -> memref<200704x32xf32, #tpu.memory_space<hbm>>
        tpu.wait_indirect_dma semaphore(%arg16 : memref<!tpu.dma_semaphore, #tpu.memory_space<semaphore_mem>>) src(%dma_wait3A_200 : memref<200704x32xf32, #tpu.memory_space<hbm>>) dst(%arg9 : memref<400x32xf32, #tpu.memory_space<vmem>>)
        %dma_start3A_201 = arith.constant 0 : i32
        %dma_start3A_202 = arith.constant 0 : i32
        %dma_start3A_203 = tpu.memref_slice %arg11[%dma_start3A_201, %dma_start3A_202] : memref<50176x32xf32, #tpu.memory_space<vmem_shared>> -> memref<50176x32xf32, #tpu.memory_space<vmem_shared>>
        tpu.enqueue_indirect_dma source(%arg9 : memref<400x32xf32, #tpu.memory_space<vmem>>) target(%dma_start3A_203 : memref<50176x32xf32, #tpu.memory_space<vmem_shared>>) offsets(%arg7 : memref<400xi32, #tpu.memory_space<vmem>>) semaphore(%arg18 : memref<!tpu.dma_semaphore, #tpu.memory_space<semaphore_mem>>) {add = true}
        %dma_wait3A_204 = arith.constant 0 : i32
        %dma_wait3A_205 = tpu.memref_slice %arg2[%dma_wait3A_204, %mul3A_2] : memref<2x800000xi32, #tpu.memory_space<hbm>> -> memref<1x400xi32, #tpu.memory_space<hbm>>
        %dma_wait3A_206 = tpu.memref_squeeze %dma_wait3A_205 : memref<1x400xi32, #tpu.memory_space<hbm>> -> memref<400xi32, #tpu.memory_space<hbm>>
        %dma_wait3A_207 = tpu.memref_slice %arg2[%dma_wait3A_204, %mul3A_2] : memref<2x800000xi32, #tpu.memory_space<hbm>> -> memref<1x400xi32, #tpu.memory_space<hbm>>
        %dma_wait3A_208 = tpu.memref_squeeze %dma_wait3A_207 : memref<1x400xi32, #tpu.memory_space<hbm>> -> memref<400xi32, #tpu.memory_space<hbm>>
        tpu.wait_dma2 semaphore(%arg13 : memref<!tpu.dma_semaphore, #tpu.memory_space<semaphore_mem>>) src(%dma_wait3A_208 : memref<400xi32, #tpu.memory_space<hbm>>) dst(%arg6 : memref<400xi32, #tpu.memory_space<vmem>>)
        %dma_wait3A_209 = arith.constant 1 : i32
        %dma_wait3A_210 = tpu.memref_slice %arg2[%dma_wait3A_209, %mul3A_2] : memref<2x800000xi32, #tpu.memory_space<hbm>> -> memref<1x400xi32, #tpu.memory_space<hbm>>
        %dma_wait3A_211 = tpu.memref_squeeze %dma_wait3A_210 : memref<1x400xi32, #tpu.memory_space<hbm>> -> memref<400xi32, #tpu.memory_space<hbm>>
        %dma_wait3A_212 = tpu.memref_slice %arg2[%dma_wait3A_209, %mul3A_2] : memref<2x800000xi32, #tpu.memory_space<hbm>> -> memref<1x400xi32, #tpu.memory_space<hbm>>
        %dma_wait3A_213 = tpu.memref_squeeze %dma_wait3A_212 : memref<1x400xi32, #tpu.memory_space<hbm>> -> memref<400xi32, #tpu.memory_space<hbm>>
        tpu.wait_dma2 semaphore(%arg15 : memref<!tpu.dma_semaphore, #tpu.memory_space<semaphore_mem>>) src(%dma_wait3A_213 : memref<400xi32, #tpu.memory_space<hbm>>) dst(%arg8 : memref<400xi32, #tpu.memory_space<vmem>>)
        %scan3A_214 = arith.constant 0 : i32
        %scan3A_215 = arith.constant 0 : i32
        %scan3A_216 = arith.constant 25 : i32
        %scan3A_217 = arith.addi %scan3A_215, %scan3A_216 : i32
        %scan3A_218 = arith.constant 1 : i32
        scf.for %scan3A_266 = %scan3A_215 to %scan3A_217 step %scan3A_218  : i32 {
          %mul3A_267 = arith.constant 16 : i32
          %mul3A_268 = arith.muli %scan3A_266, %mul3A_267 : i32
          %get3A = arith.index_cast %mul3A_268 : i32 to index
          %get3A_269 = tpu.vector_load %arg6[%get3A] {strides = array<i32>} : memref<400xi32, #tpu.memory_space<vmem>>, vector<16xi32>,
          %get3A_270 = vector.shape_cast %get3A_269 : vector<16xi32> to vector<16xi32>
          %mul3A_271 = arith.constant 4 : i32
          %mul3A_272 = vector.broadcast %mul3A_271 : i32 to vector<16xi32>
          %mul3A_273 = arith.muli %get3A_270, %mul3A_272 : vector<16xi32>
          %add3A_274 = arith.constant 3 : i32
          %add3A_275 = vector.broadcast %add3A_274 : i32 to vector<16xi32>
          %add3A_276 = arith.addi %mul3A_273, %add3A_275 : vector<16xi32>
          %mul3A_277 = arith.constant 16 : i32
          %mul3A_278 = arith.muli %scan3A_266, %mul3A_277 : i32
          %swap3A = arith.index_cast %mul3A_278 : i32 to index
          %swap3A_279 = tpu.vector_load %arg6[%swap3A] {strides = array<i32>} : memref<400xi32, #tpu.memory_space<vmem>>, vector<16xi32>,
          %swap3A_280 = vector.shape_cast %swap3A_279 : vector<16xi32> to vector<16xi32>
          %swap3A_281 = vector.shape_cast %add3A_276 : vector<16xi32> to vector<16xi32>
          tpu.vector_store %arg6[%swap3A], %swap3A_281 {strides = array<i32>} : memref<400xi32, #tpu.memory_space<vmem>>, vector<16xi32>,
        }
        %scan3A_219 = arith.constant 25 : i32
        %dma_start3A_220 = arith.constant 0 : i32
        %dma_start3A_221 = arith.constant 0 : i32
        %dma_start3A_222 = tpu.memref_slice %arg3[%dma_start3A_220, %dma_start3A_221] : memref<200704x32xf32, #tpu.memory_space<hbm>> -> memref<200704x32xf32, #tpu.memory_space<hbm>>
        tpu.enqueue_indirect_dma source(%dma_start3A_222 : memref<200704x32xf32, #tpu.memory_space<hbm>>) target(%arg10 : memref<400x32xf32, #tpu.memory_space<vmem>>) offsets(%arg6 : memref<400xi32, #tpu.memory_space<vmem>>) semaphore(%arg17 : memref<!tpu.dma_semaphore, #tpu.memory_space<semaphore_mem>>)
        %dma_wait3A_223 = arith.constant 0 : i32
        %dma_wait3A_224 = arith.constant 0 : i32
        %dma_wait3A_225 = tpu.memref_slice %arg11[%dma_wait3A_223, %dma_wait3A_224] : memref<50176x32xf32, #tpu.memory_space<vmem_shared>> -> memref<50176x32xf32, #tpu.memory_space<vmem_shared>>
        tpu.wait_indirect_dma semaphore(%arg18 : memref<!tpu.dma_semaphore, #tpu.memory_space<semaphore_mem>>) src(%arg9 : memref<400x32xf32, #tpu.memory_space<vmem>>) dst(%dma_wait3A_225 : memref<50176x32xf32, #tpu.memory_space<vmem_shared>>)
        %add3A_226 = arith.constant 2 : i32
        %add3A_227 = arith.addi %mul3A_179, %add3A_226 : i32
        %mul3A_228 = arith.constant 400 : i32
        %mul3A_229 = arith.muli %add3A_227, %mul3A_228 : i32
        %add3A_230 = arith.addi %mul3A_2, %mul3A_229 : i32
        %dma_start3A_231 = arith.constant 0 : i32
        %dma_start3A_232 = tpu.memref_slice %arg2[%dma_start3A_231, %add3A_230] : memref<2x800000xi32, #tpu.memory_space<hbm>> -> memref<1x400xi32, #tpu.memory_space<hbm>>
        %dma_start3A_233 = tpu.memref_squeeze %dma_start3A_232 : memref<1x400xi32, #tpu.memory_space<hbm>> -> memref<400xi32, #tpu.memory_space<hbm>>
        %dma_start3A_234 = tpu.memref_slice %arg2[%dma_start3A_231, %add3A_230] : memref<2x800000xi32, #tpu.memory_space<hbm>> -> memref<1x400xi32, #tpu.memory_space<hbm>>
        %dma_start3A_235 = tpu.memref_squeeze %dma_start3A_234 : memref<1x400xi32, #tpu.memory_space<hbm>> -> memref<400xi32, #tpu.memory_space<hbm>>
        tpu.enqueue_dma source(%dma_start3A_235 : memref<400xi32, #tpu.memory_space<hbm>>) target(%arg5 : memref<400xi32, #tpu.memory_space<vmem>>) target_semaphore(%arg12 : memref<!tpu.dma_semaphore, #tpu.memory_space<semaphore_mem>>)
        %dma_start3A_236 = arith.constant 1 : i32
        %dma_start3A_237 = tpu.memref_slice %arg2[%dma_start3A_236, %add3A_230] : memref<2x800000xi32, #tpu.memory_space<hbm>> -> memref<1x400xi32, #tpu.memory_space<hbm>>
        %dma_start3A_238 = tpu.memref_squeeze %dma_start3A_237 : memref<1x400xi32, #tpu.memory_space<hbm>> -> memref<400xi32, #tpu.memory_space<hbm>>
        %dma_start3A_239 = tpu.memref_slice %arg2[%dma_start3A_236, %add3A_230] : memref<2x800000xi32, #tpu.memory_space<hbm>> -> memref<1x400xi32, #tpu.memory_space<hbm>>
        %dma_start3A_240 = tpu.memref_squeeze %dma_start3A_239 : memref<1x400xi32, #tpu.memory_space<hbm>> -> memref<400xi32, #tpu.memory_space<hbm>>
        tpu.enqueue_dma source(%dma_start3A_240 : memref<400xi32, #tpu.memory_space<hbm>>) target(%arg7 : memref<400xi32, #tpu.memory_space<vmem>>) target_semaphore(%arg14 : memref<!tpu.dma_semaphore, #tpu.memory_space<semaphore_mem>>)
        %dma_wait3A_241 = arith.constant 0 : i32
        %dma_wait3A_242 = arith.constant 0 : i32
        %dma_wait3A_243 = tpu.memref_slice %arg3[%dma_wait3A_241, %dma_wait3A_242] : memref<200704x32xf32, #tpu.memory_space<hbm>> -> memref<200704x32xf32, #tpu.memory_space<hbm>>
        tpu.wait_indirect_dma semaphore(%arg17 : memref<!tpu.dma_semaphore, #tpu.memory_space<semaphore_mem>>) src(%dma_wait3A_243 : memref<200704x32xf32, #tpu.memory_space<hbm>>) dst(%arg10 : memref<400x32xf32, #tpu.memory_space<vmem>>)
        %dma_start3A_244 = arith.constant 0 : i32
        %dma_start3A_245 = arith.constant 0 : i32
        %dma_start3A_246 = tpu.memref_slice %arg11[%dma_start3A_244, %dma_start3A_245] : memref<50176x32xf32, #tpu.memory_space<vmem_shared>> -> memref<50176x32xf32, #tpu.memory_space<vmem_shared>>
        tpu.enqueue_indirect_dma source(%arg10 : memref<400x32xf32, #tpu.memory_space<vmem>>) target(%dma_start3A_246 : memref<50176x32xf32, #tpu.memory_space<vmem_shared>>) offsets(%arg8 : memref<400xi32, #tpu.memory_space<vmem>>) semaphore(%arg19 : memref<!tpu.dma_semaphore, #tpu.memory_space<semaphore_mem>>) {add = true}
        %dma_wait3A_247 = arith.constant 0 : i32
        %dma_wait3A_248 = tpu.memref_slice %arg2[%dma_wait3A_247, %mul3A_2] : memref<2x800000xi32, #tpu.memory_space<hbm>> -> memref<1x400xi32, #tpu.memory_space<hbm>>
        %dma_wait3A_249 = tpu.memref_squeeze %dma_wait3A_248 : memref<1x400xi32, #tpu.memory_space<hbm>> -> memref<400xi32, #tpu.memory_space<hbm>>
        %dma_wait3A_250 = tpu.memref_slice %arg2[%dma_wait3A_247, %mul3A_2] : memref<2x800000xi32, #tpu.memory_space<hbm>> -> memref<1x400xi32, #tpu.memory_space<hbm>>
        %dma_wait3A_251 = tpu.memref_squeeze %dma_wait3A_250 : memref<1x400xi32, #tpu.memory_space<hbm>> -> memref<400xi32, #tpu.memory_space<hbm>>
        tpu.wait_dma2 semaphore(%arg12 : memref<!tpu.dma_semaphore, #tpu.memory_space<semaphore_mem>>) src(%dma_wait3A_251 : memref<400xi32, #tpu.memory_space<hbm>>) dst(%arg5 : memref<400xi32, #tpu.memory_space<vmem>>)
        %dma_wait3A_252 = arith.constant 1 : i32
        %dma_wait3A_253 = tpu.memref_slice %arg2[%dma_wait3A_252, %mul3A_2] : memref<2x800000xi32, #tpu.memory_space<hbm>> -> memref<1x400xi32, #tpu.memory_space<hbm>>
        %dma_wait3A_254 = tpu.memref_squeeze %dma_wait3A_253 : memref<1x400xi32, #tpu.memory_space<hbm>> -> memref<400xi32, #tpu.memory_space<hbm>>
        %dma_wait3A_255 = tpu.memref_slice %arg2[%dma_wait3A_252, %mul3A_2] : memref<2x800000xi32, #tpu.memory_space<hbm>> -> memref<1x400xi32, #tpu.memory_space<hbm>>
        %dma_wait3A_256 = tpu.memref_squeeze %dma_wait3A_255 : memref<1x400xi32, #tpu.memory_space<hbm>> -> memref<400xi32, #tpu.memory_space<hbm>>
        tpu.wait_dma2 semaphore(%arg14 : memref<!tpu.dma_semaphore, #tpu.memory_space<semaphore_mem>>) src(%dma_wait3A_256 : memref<400xi32, #tpu.memory_space<hbm>>) dst(%arg7 : memref<400xi32, #tpu.memory_space<vmem>>)
        %scan3A_257 = arith.constant 0 : i32
        %scan3A_258 = arith.constant 0 : i32
        %scan3A_259 = arith.constant 25 : i32
        %scan3A_260 = arith.addi %scan3A_258, %scan3A_259 : i32
        %scan3A_261 = arith.constant 1 : i32
        scf.for %scan3A_266 = %scan3A_258 to %scan3A_260 step %scan3A_261  : i32 {
          %mul3A_267 = arith.constant 16 : i32
          %mul3A_268 = arith.muli %scan3A_266, %mul3A_267 : i32
          %get3A = arith.index_cast %mul3A_268 : i32 to index
          %get3A_269 = tpu.vector_load %arg5[%get3A] {strides = array<i32>} : memref<400xi32, #tpu.memory_space<vmem>>, vector<16xi32>,
          %get3A_270 = vector.shape_cast %get3A_269 : vector<16xi32> to vector<16xi32>
          %mul3A_271 = arith.constant 4 : i32
          %mul3A_272 = vector.broadcast %mul3A_271 : i32 to vector<16xi32>
          %mul3A_273 = arith.muli %get3A_270, %mul3A_272 : vector<16xi32>
          %add3A_274 = arith.constant 3 : i32
          %add3A_275 = vector.broadcast %add3A_274 : i32 to vector<16xi32>
          %add3A_276 = arith.addi %mul3A_273, %add3A_275 : vector<16xi32>
          %mul3A_277 = arith.constant 16 : i32
          %mul3A_278 = arith.muli %scan3A_266, %mul3A_277 : i32
          %swap3A = arith.index_cast %mul3A_278 : i32 to index
          %swap3A_279 = tpu.vector_load %arg5[%swap3A] {strides = array<i32>} : memref<400xi32, #tpu.memory_space<vmem>>, vector<16xi32>,
          %swap3A_280 = vector.shape_cast %swap3A_279 : vector<16xi32> to vector<16xi32>
          %swap3A_281 = vector.shape_cast %add3A_276 : vector<16xi32> to vector<16xi32>
          tpu.vector_store %arg5[%swap3A], %swap3A_281 {strides = array<i32>} : memref<400xi32, #tpu.memory_space<vmem>>, vector<16xi32>,
        }
        %scan3A_262 = arith.constant 25 : i32
        %dma_start3A_263 = arith.constant 0 : i32
        %dma_start3A_264 = arith.constant 0 : i32
        %dma_start3A_265 = tpu.memref_slice %arg3[%dma_start3A_263, %dma_start3A_264] : memref<200704x32xf32, #tpu.memory_space<hbm>> -> memref<200704x32xf32, #tpu.memory_space<hbm>>
        tpu.enqueue_indirect_dma source(%dma_start3A_265 : memref<200704x32xf32, #tpu.memory_space<hbm>>) target(%arg9 : memref<400x32xf32, #tpu.memory_space<vmem>>) offsets(%arg5 : memref<400xi32, #tpu.memory_space<vmem>>) semaphore(%arg16 : memref<!tpu.dma_semaphore, #tpu.memory_space<semaphore_mem>>)
      }
      %scan3A_162 = arith.constant 62 : i32
      %dma_wait3A_163 = arith.constant 0 : i32
      %dma_wait3A_164 = arith.constant 0 : i32
      %dma_wait3A_165 = tpu.memref_slice %arg11[%dma_wait3A_163, %dma_wait3A_164] : memref<50176x32xf32, #tpu.memory_space<vmem_shared>> -> memref<50176x32xf32, #tpu.memory_space<vmem_shared>>
      tpu.wait_indirect_dma semaphore(%arg19 : memref<!tpu.dma_semaphore, #tpu.memory_space<semaphore_mem>>) src(%arg10 : memref<400x32xf32, #tpu.memory_space<vmem>>) dst(%dma_wait3A_165 : memref<50176x32xf32, #tpu.memory_space<vmem_shared>>)
      %dma_wait3A_166 = arith.constant 0 : i32
      %dma_wait3A_167 = arith.constant 0 : i32
      %dma_wait3A_168 = tpu.memref_slice %arg3[%dma_wait3A_166, %dma_wait3A_167] : memref<200704x32xf32, #tpu.memory_space<hbm>> -> memref<200704x32xf32, #tpu.memory_space<hbm>>
      tpu.wait_indirect_dma semaphore(%arg16 : memref<!tpu.dma_semaphore, #tpu.memory_space<semaphore_mem>>) src(%dma_wait3A_168 : memref<200704x32xf32, #tpu.memory_space<hbm>>) dst(%arg9 : memref<400x32xf32, #tpu.memory_space<vmem>>)
      %dma_start3A_169 = arith.constant 0 : i32
      %dma_start3A_170 = arith.constant 0 : i32
      %dma_start3A_171 = tpu.memref_slice %arg11[%dma_start3A_169, %dma_start3A_170] : memref<50176x32xf32, #tpu.memory_space<vmem_shared>> -> memref<50176x32xf32, #tpu.memory_space<vmem_shared>>
      tpu.enqueue_indirect_dma source(%arg9 : memref<400x32xf32, #tpu.memory_space<vmem>>) target(%dma_start3A_171 : memref<50176x32xf32, #tpu.memory_space<vmem_shared>>) offsets(%arg7 : memref<400xi32, #tpu.memory_space<vmem>>) semaphore(%arg18 : memref<!tpu.dma_semaphore, #tpu.memory_space<semaphore_mem>>) {add = true}
      %dma_wait3A_172 = arith.constant 0 : i32
      %dma_wait3A_173 = arith.constant 0 : i32
      %dma_wait3A_174 = tpu.memref_slice %arg11[%dma_wait3A_172, %dma_wait3A_173] : memref<50176x32xf32, #tpu.memory_space<vmem_shared>> -> memref<50176x32xf32, #tpu.memory_space<vmem_shared>>
      tpu.wait_indirect_dma semaphore(%arg18 : memref<!tpu.dma_semaphore, #tpu.memory_space<semaphore_mem>>) src(%arg9 : memref<400x32xf32, #tpu.memory_space<vmem>>) dst(%dma_wait3A_174 : memref<50176x32xf32, #tpu.memory_space<vmem_shared>>)
      %barrier3A_175 = arith.constant 0 : index
      tpu.barrier barrier_id(%barrier3A_175)
      "tpu.region"() ({
        %run_scoped3A = tpu.sem_alloc : memref<!tpu.dma_semaphore, #tpu.memory_space<semaphore_mem>>
        %dma_start3A_177 = arith.constant 96 : i32
        %dma_start3A_178 = tpu.memref_slice %arg4[%mul3A_0, %dma_start3A_177] : memref<50176x128xf32, #tpu.memory_space<hbm>> -> memref<3136x32xf32, #tpu.memory_space<hbm>>
        %dma_start3A_179 = arith.constant 0 : i32
        %dma_start3A_180 = tpu.memref_slice %arg11[%mul3A_0, %dma_start3A_179] : memref<50176x32xf32, #tpu.memory_space<vmem_shared>> -> memref<3136x32xf32, #tpu.memory_space<vmem_shared>>
        tpu.enqueue_dma source(%dma_start3A_180 : memref<3136x32xf32, #tpu.memory_space<vmem_shared>>) target(%dma_start3A_178 : memref<3136x32xf32, #tpu.memory_space<hbm>>) target_semaphore(%run_scoped3A : memref<!tpu.dma_semaphore, #tpu.memory_space<semaphore_mem>>)
        %dma_wait3A_181 = arith.constant 96 : i32
        %dma_wait3A_182 = tpu.memref_slice %arg4[%mul3A_0, %dma_wait3A_181] : memref<50176x128xf32, #tpu.memory_space<hbm>> -> memref<3136x32xf32, #tpu.memory_space<hbm>>
        %dma_wait3A_183 = arith.constant 0 : i32
        %dma_wait3A_184 = tpu.memref_slice %arg11[%mul3A_0, %dma_wait3A_183] : memref<50176x32xf32, #tpu.memory_space<vmem_shared>> -> memref<3136x32xf32, #tpu.memory_space<vmem_shared>>
        tpu.wait_dma2 semaphore(%run_scoped3A : memref<!tpu.dma_semaphore, #tpu.memory_space<semaphore_mem>>) src(%dma_wait3A_184 : memref<3136x32xf32, #tpu.memory_space<vmem_shared>>) dst(%dma_wait3A_182 : memref<3136x32xf32, #tpu.memory_space<hbm>>)
        tpu.yield
      }) : () -> ()
      %barrier3A_176 = arith.constant 0 : index
      tpu.barrier barrier_id(%barrier3A_176)
    } else {
    }
    return
  }
}

module attributes {stable_mosaic.version = 14 : i64} {
  func.func @_pre_body(%arg0: i32, %arg1: memref<8x512xf32, #tpu.memory_space<vmem>>, %arg2: memref<8x384xf32, #tpu.memory_space<vmem>>, %arg3: memref<1x384xf32, #tpu.memory_space<vmem>>, %arg4: memref<128x128xf32, #tpu.memory_space<vmem>>, %arg5: memref<1x128xf32, #tpu.memory_space<vmem>>, %arg6: memref<128x128xf32, #tpu.memory_space<vmem>>, %arg7: memref<512x128xf32, #tpu.memory_space<vmem>>) attributes {dimension_semantics = [#tpu.dimension_semantics<arbitrary>], iteration_bounds = array<i64: 98>, scalar_prefetch = 0 : i64, scratch_operands = 0 : i64, tpu.core_type = #tpu.core_type<tc>, window_params = [{transform_indices = @transform_0, window_bounds = array<i64: 8, 512>}, {pipeline_mode = #tpu.pipeline_mode<synchronous>, transform_indices = @transform_1, window_bounds = array<i64: 8, 384>}, {pipeline_mode = #tpu.pipeline_mode<synchronous>, transform_indices = @transform_2, window_bounds = array<i64: 1, 384>}, {pipeline_mode = #tpu.pipeline_mode<synchronous>, transform_indices = @transform_3, window_bounds = array<i64: 128, 128>}, {pipeline_mode = #tpu.pipeline_mode<synchronous>, transform_indices = @transform_4, window_bounds = array<i64: 1, 128>}, {pipeline_mode = #tpu.pipeline_mode<synchronous>, transform_indices = @transform_5, window_bounds = array<i64: 128, 128>}, {transform_indices = @transform_6, window_bounds = array<i64: 512, 128>}]} {
    %get3A = arith.constant 0 : index
    %get3A_0 = arith.constant 0 : index
    %get3A_1 = vector.load %arg1[%get3A, %get3A_0] : memref<8x512xf32, #tpu.memory_space<vmem>>, vector<8x512xf32>
    %get3A_2 = arith.constant 0 : index
    %get3A_3 = arith.constant 0 : index
    %get3A_4 = vector.load %arg2[%get3A_2, %get3A_3] : memref<8x384xf32, #tpu.memory_space<vmem>>, vector<8x384xf32>
    %dot_general3A = arith.constant dense<0.000000e+00> : vector<512x384xf32>
    %dot_general3A_5 = tpu.matmul %get3A_1, %get3A_4, %dot_general3A {dimension_numbers = #tpu.dot_dimension_numbers<[0], [0], [1], [1], [0, 1, 1, 1], [], []>, transpose_lhs_hint = false} : vector<8x512xf32>, vector<8x384xf32>, vector<512x384xf32> -> vector<512x384xf32>
    %get3A_6 = arith.constant 0 : index
    %get3A_7 = arith.constant 0 : index
    %get3A_8 = vector.load %arg3[%get3A_6, %get3A_7] : memref<1x384xf32, #tpu.memory_space<vmem>>, vector<1x384xf32>
    %slice3A = vector.extract_strided_slice %dot_general3A_5 {offsets = [0, 0], sizes = [512, 128], strides = [1, 1]} : vector<512x384xf32> to vector<512x128xf32>
    %slice3A_9 = vector.extract_strided_slice %get3A_8 {offsets = [0, 0], sizes = [1, 128], strides = [1, 1]} : vector<1x384xf32> to vector<1x128xf32>
    %add3A = vector.broadcast %slice3A_9 : vector<1x128xf32> to vector<512x128xf32>
    %add3A_10 = arith.addf %slice3A, %add3A : vector<512x128xf32>
    %mul3A = arith.constant 5.000000e-01 : f32
    %mul3A_11 = vector.broadcast %mul3A : f32 to vector<512x128xf32>
    %mul3A_12 = arith.mulf %mul3A_11, %add3A_10 : vector<512x128xf32>
    %tanh3A = math.tanh %mul3A_12 : vector<512x128xf32>
    %mul3A_13 = arith.constant 5.000000e-01 : f32
    %mul3A_14 = vector.broadcast %mul3A_13 : f32 to vector<512x128xf32>
    %mul3A_15 = arith.mulf %mul3A_14, %tanh3A : vector<512x128xf32>
    %add3A_16 = arith.constant 5.000000e-01 : f32
    %add3A_17 = vector.broadcast %add3A_16 : f32 to vector<512x128xf32>
    %add3A_18 = arith.addf %mul3A_15, %add3A_17 : vector<512x128xf32>
    %slice3A_19 = vector.extract_strided_slice %dot_general3A_5 {offsets = [0, 128], sizes = [512, 128], strides = [1, 1]} : vector<512x384xf32> to vector<512x128xf32>
    %slice3A_20 = vector.extract_strided_slice %get3A_8 {offsets = [0, 128], sizes = [1, 128], strides = [1, 1]} : vector<1x384xf32> to vector<1x128xf32>
    %add3A_21 = vector.broadcast %slice3A_20 : vector<1x128xf32> to vector<512x128xf32>
    %add3A_22 = arith.addf %slice3A_19, %add3A_21 : vector<512x128xf32>
    %mul3A_23 = arith.constant 5.000000e-01 : f32
    %mul3A_24 = vector.broadcast %mul3A_23 : f32 to vector<512x128xf32>
    %mul3A_25 = arith.mulf %mul3A_24, %add3A_22 : vector<512x128xf32>
    %tanh3A_26 = math.tanh %mul3A_25 : vector<512x128xf32>
    %mul3A_27 = arith.constant 5.000000e-01 : f32
    %mul3A_28 = vector.broadcast %mul3A_27 : f32 to vector<512x128xf32>
    %mul3A_29 = arith.mulf %mul3A_28, %tanh3A_26 : vector<512x128xf32>
    %add3A_30 = arith.constant 5.000000e-01 : f32
    %add3A_31 = vector.broadcast %add3A_30 : f32 to vector<512x128xf32>
    %add3A_32 = arith.addf %mul3A_29, %add3A_31 : vector<512x128xf32>
    %slice3A_33 = vector.extract_strided_slice %dot_general3A_5 {offsets = [0, 256], sizes = [512, 128], strides = [1, 1]} : vector<512x384xf32> to vector<512x128xf32>
    %slice3A_34 = vector.extract_strided_slice %get3A_8 {offsets = [0, 256], sizes = [1, 128], strides = [1, 1]} : vector<1x384xf32> to vector<1x128xf32>
    %mul3A_35 = vector.broadcast %slice3A_34 : vector<1x128xf32> to vector<512x128xf32>
    %mul3A_36 = arith.mulf %add3A_18, %mul3A_35 : vector<512x128xf32>
    %add3A_37 = arith.addf %slice3A_33, %mul3A_36 : vector<512x128xf32>
    %tanh3A_38 = math.tanh %add3A_37 : vector<512x128xf32>
    %sub3A = arith.constant 1.000000e+00 : f32
    %sub3A_39 = vector.broadcast %sub3A : f32 to vector<512x128xf32>
    %sub3A_40 = arith.subf %sub3A_39, %add3A_32 : vector<512x128xf32>
    %mul3A_41 = arith.mulf %sub3A_40, %tanh3A_38 : vector<512x128xf32>
    %get3A_42 = arith.constant 0 : index
    %get3A_43 = arith.constant 0 : index
    %get3A_44 = vector.load %arg4[%get3A_42, %get3A_43] : memref<128x128xf32, #tpu.memory_space<vmem>>, vector<128x128xf32>
    %dot_general3A_45 = arith.constant dense<0.000000e+00> : vector<512x128xf32>
    %dot_general3A_46 = tpu.matmul %mul3A_41, %get3A_44, %dot_general3A_45 {dimension_numbers = #tpu.dot_dimension_numbers<[1], [0], [0], [1], [0, 0, 1, 1], [], []>, transpose_lhs_hint = false} : vector<512x128xf32>, vector<128x128xf32>, vector<512x128xf32> -> vector<512x128xf32>
    %get3A_47 = arith.constant 0 : index
    %get3A_48 = arith.constant 0 : index
    %get3A_49 = vector.load %arg5[%get3A_47, %get3A_48] : memref<1x128xf32, #tpu.memory_space<vmem>>, vector<1x128xf32>
    %add3A_50 = vector.broadcast %get3A_49 : vector<1x128xf32> to vector<512x128xf32>
    %add3A_51 = arith.addf %dot_general3A_46, %add3A_50 : vector<512x128xf32>
    %mul3A_52 = arith.constant 5.000000e-01 : f32
    %mul3A_53 = vector.broadcast %mul3A_52 : f32 to vector<512x128xf32>
    %mul3A_54 = arith.mulf %mul3A_53, %add3A_51 : vector<512x128xf32>
    %tanh3A_55 = math.tanh %mul3A_54 : vector<512x128xf32>
    %mul3A_56 = arith.constant 5.000000e-01 : f32
    %mul3A_57 = vector.broadcast %mul3A_56 : f32 to vector<512x128xf32>
    %mul3A_58 = arith.mulf %mul3A_57, %tanh3A_55 : vector<512x128xf32>
    %add3A_59 = arith.constant 5.000000e-01 : f32
    %add3A_60 = vector.broadcast %add3A_59 : f32 to vector<512x128xf32>
    %add3A_61 = arith.addf %mul3A_58, %add3A_60 : vector<512x128xf32>
    %get3A_62 = arith.constant 0 : index
    %get3A_63 = arith.constant 0 : index
    %get3A_64 = vector.load %arg6[%get3A_62, %get3A_63] : memref<128x128xf32, #tpu.memory_space<vmem>>, vector<128x128xf32>
    %dot_general3A_65 = arith.constant dense<0.000000e+00> : vector<512x128xf32>
    %dot_general3A_66 = tpu.matmul %mul3A_41, %get3A_64, %dot_general3A_65 {dimension_numbers = #tpu.dot_dimension_numbers<[1], [0], [0], [1], [0, 0, 1, 1], [], []>, transpose_lhs_hint = false} : vector<512x128xf32>, vector<128x128xf32>, vector<512x128xf32> -> vector<512x128xf32>
    %mul3A_67 = arith.mulf %add3A_61, %dot_general3A_66 : vector<512x128xf32>
    %swap3A = arith.constant 0 : index
    %swap3A_68 = arith.constant 0 : index
    %swap3A_69 = vector.load %arg7[%swap3A, %swap3A_68] : memref<512x128xf32, #tpu.memory_space<vmem>>, vector<512x128xf32>
    tpu.vector_store %arg7[%swap3A, %swap3A_68], %mul3A_67 {strides = array<i32>} : memref<512x128xf32, #tpu.memory_space<vmem>>, vector<512x128xf32>,
    return
  }
  func.func @transform_0(%arg0: i32) -> (i32, i32) {
    %c0_i32 = arith.constant 0 : i32
    %c0_i32_0 = arith.constant 0 : i32
    return %c0_i32, %arg0 : i32, i32
  }
  func.func @transform_1(%arg0: i32) -> (i32, i32) {
    %c0_i32 = arith.constant 0 : i32
    %c0_i32_0 = arith.constant 0 : i32
    %c0_i32_1 = arith.constant 0 : i32
    return %c0_i32, %c0_i32_0 : i32, i32
  }
  func.func @transform_2(%arg0: i32) -> (i32, i32) {
    %c0_i32 = arith.constant 0 : i32
    %c0_i32_0 = arith.constant 0 : i32
    %c0_i32_1 = arith.constant 0 : i32
    return %c0_i32, %c0_i32_0 : i32, i32
  }
  func.func @transform_3(%arg0: i32) -> (i32, i32) {
    %c0_i32 = arith.constant 0 : i32
    %c0_i32_0 = arith.constant 0 : i32
    %c0_i32_1 = arith.constant 0 : i32
    return %c0_i32, %c0_i32_0 : i32, i32
  }
  func.func @transform_4(%arg0: i32) -> (i32, i32) {
    %c0_i32 = arith.constant 0 : i32
    %c0_i32_0 = arith.constant 0 : i32
    %c0_i32_1 = arith.constant 0 : i32
    return %c0_i32, %c0_i32_0 : i32, i32
  }
  func.func @transform_5(%arg0: i32) -> (i32, i32) {
    %c0_i32 = arith.constant 0 : i32
    %c0_i32_0 = arith.constant 0 : i32
    %c0_i32_1 = arith.constant 0 : i32
    return %c0_i32, %c0_i32_0 : i32, i32
  }
  func.func @transform_6(%arg0: i32) -> (i32, i32) {
    %c0_i32 = arith.constant 0 : i32
    %c0_i32_0 = arith.constant 0 : i32
    return %arg0, %c0_i32 : i32, i32
  }
}

module attributes {stable_mosaic.version = 14 : i64} {
  func.func @_post_body(%arg0: i32, %arg1: memref<8x512xf32, #tpu.memory_space<vmem>>, %arg2: memref<512x128xf32, #tpu.memory_space<vmem>>, %arg3: memref<8x384xf32, #tpu.memory_space<vmem>>, %arg4: memref<1x384xf32, #tpu.memory_space<vmem>>, %arg5: memref<128x384xf32, #tpu.memory_space<vmem>>, %arg6: memref<128x3xf32, #tpu.memory_space<vmem>>, %arg7: memref<1x3xf32, #tpu.memory_space<vmem>>, %arg8: memref<512x3xf32, #tpu.memory_space<vmem>>) attributes {dimension_semantics = [#tpu.dimension_semantics<arbitrary>], iteration_bounds = array<i64: 98>, scalar_prefetch = 0 : i64, scratch_operands = 0 : i64, tpu.core_type = #tpu.core_type<tc>, window_params = [{transform_indices = @transform_0, window_bounds = array<i64: 8, 512>}, {transform_indices = @transform_1, window_bounds = array<i64: 512, 128>}, {pipeline_mode = #tpu.pipeline_mode<synchronous>, transform_indices = @transform_2, window_bounds = array<i64: 8, 384>}, {pipeline_mode = #tpu.pipeline_mode<synchronous>, transform_indices = @transform_3, window_bounds = array<i64: 1, 384>}, {pipeline_mode = #tpu.pipeline_mode<synchronous>, transform_indices = @transform_4, window_bounds = array<i64: 128, 384>}, {pipeline_mode = #tpu.pipeline_mode<synchronous>, transform_indices = @transform_5, window_bounds = array<i64: 128, 3>}, {pipeline_mode = #tpu.pipeline_mode<synchronous>, transform_indices = @transform_6, window_bounds = array<i64: 1, 3>}, {transform_indices = @transform_7, window_bounds = array<i64: 512, 3>}]} {
    %get3A = arith.constant 0 : index
    %get3A_0 = arith.constant 0 : index
    %get3A_1 = vector.load %arg1[%get3A, %get3A_0] : memref<8x512xf32, #tpu.memory_space<vmem>>, vector<8x512xf32>
    %get3A_2 = arith.constant 0 : index
    %get3A_3 = arith.constant 0 : index
    %get3A_4 = vector.load %arg3[%get3A_2, %get3A_3] : memref<8x384xf32, #tpu.memory_space<vmem>>, vector<8x384xf32>
    %dot_general3A = arith.constant dense<0.000000e+00> : vector<512x384xf32>
    %dot_general3A_5 = tpu.matmul %get3A_1, %get3A_4, %dot_general3A {dimension_numbers = #tpu.dot_dimension_numbers<[0], [0], [1], [1], [0, 1, 1, 1], [], []>, transpose_lhs_hint = false} : vector<8x512xf32>, vector<8x384xf32>, vector<512x384xf32> -> vector<512x384xf32>
    %get3A_6 = arith.constant 0 : index
    %get3A_7 = arith.constant 0 : index
    %get3A_8 = vector.load %arg2[%get3A_6, %get3A_7] : memref<512x128xf32, #tpu.memory_space<vmem>>, vector<512x128xf32>
    %get3A_9 = arith.constant 0 : index
    %get3A_10 = arith.constant 0 : index
    %get3A_11 = vector.load %arg5[%get3A_9, %get3A_10] : memref<128x384xf32, #tpu.memory_space<vmem>>, vector<128x384xf32>
    %dot_general3A_12 = arith.constant dense<0.000000e+00> : vector<512x384xf32>
    %dot_general3A_13 = tpu.matmul %get3A_8, %get3A_11, %dot_general3A_12 {dimension_numbers = #tpu.dot_dimension_numbers<[1], [0], [0], [1], [0, 0, 1, 1], [], []>, transpose_lhs_hint = false} : vector<512x128xf32>, vector<128x384xf32>, vector<512x384xf32> -> vector<512x384xf32>
    %get3A_14 = arith.constant 0 : index
    %get3A_15 = arith.constant 0 : index
    %get3A_16 = vector.load %arg4[%get3A_14, %get3A_15] : memref<1x384xf32, #tpu.memory_space<vmem>>, vector<1x384xf32>
    %add3A = vector.broadcast %get3A_16 : vector<1x384xf32> to vector<512x384xf32>
    %add3A_17 = arith.addf %dot_general3A_13, %add3A : vector<512x384xf32>
    %slice3A = vector.extract_strided_slice %dot_general3A_5 {offsets = [0, 0], sizes = [512, 128], strides = [1, 1]} : vector<512x384xf32> to vector<512x128xf32>
    %slice3A_18 = vector.extract_strided_slice %add3A_17 {offsets = [0, 0], sizes = [512, 128], strides = [1, 1]} : vector<512x384xf32> to vector<512x128xf32>
    %add3A_19 = arith.addf %slice3A, %slice3A_18 : vector<512x128xf32>
    %mul3A = arith.constant 5.000000e-01 : f32
    %mul3A_20 = vector.broadcast %mul3A : f32 to vector<512x128xf32>
    %mul3A_21 = arith.mulf %mul3A_20, %add3A_19 : vector<512x128xf32>
    %tanh3A = math.tanh %mul3A_21 : vector<512x128xf32>
    %mul3A_22 = arith.constant 5.000000e-01 : f32
    %mul3A_23 = vector.broadcast %mul3A_22 : f32 to vector<512x128xf32>
    %mul3A_24 = arith.mulf %mul3A_23, %tanh3A : vector<512x128xf32>
    %add3A_25 = arith.constant 5.000000e-01 : f32
    %add3A_26 = vector.broadcast %add3A_25 : f32 to vector<512x128xf32>
    %add3A_27 = arith.addf %mul3A_24, %add3A_26 : vector<512x128xf32>
    %slice3A_28 = vector.extract_strided_slice %dot_general3A_5 {offsets = [0, 128], sizes = [512, 128], strides = [1, 1]} : vector<512x384xf32> to vector<512x128xf32>
    %slice3A_29 = vector.extract_strided_slice %add3A_17 {offsets = [0, 128], sizes = [512, 128], strides = [1, 1]} : vector<512x384xf32> to vector<512x128xf32>
    %add3A_30 = arith.addf %slice3A_28, %slice3A_29 : vector<512x128xf32>
    %mul3A_31 = arith.constant 5.000000e-01 : f32
    %mul3A_32 = vector.broadcast %mul3A_31 : f32 to vector<512x128xf32>
    %mul3A_33 = arith.mulf %mul3A_32, %add3A_30 : vector<512x128xf32>
    %tanh3A_34 = math.tanh %mul3A_33 : vector<512x128xf32>
    %mul3A_35 = arith.constant 5.000000e-01 : f32
    %mul3A_36 = vector.broadcast %mul3A_35 : f32 to vector<512x128xf32>
    %mul3A_37 = arith.mulf %mul3A_36, %tanh3A_34 : vector<512x128xf32>
    %add3A_38 = arith.constant 5.000000e-01 : f32
    %add3A_39 = vector.broadcast %add3A_38 : f32 to vector<512x128xf32>
    %add3A_40 = arith.addf %mul3A_37, %add3A_39 : vector<512x128xf32>
    %slice3A_41 = vector.extract_strided_slice %dot_general3A_5 {offsets = [0, 256], sizes = [512, 128], strides = [1, 1]} : vector<512x384xf32> to vector<512x128xf32>
    %slice3A_42 = vector.extract_strided_slice %add3A_17 {offsets = [0, 256], sizes = [512, 128], strides = [1, 1]} : vector<512x384xf32> to vector<512x128xf32>
    %mul3A_43 = arith.mulf %add3A_27, %slice3A_42 : vector<512x128xf32>
    %add3A_44 = arith.addf %slice3A_41, %mul3A_43 : vector<512x128xf32>
    %tanh3A_45 = math.tanh %add3A_44 : vector<512x128xf32>
    %sub3A = arith.constant 1.000000e+00 : f32
    %sub3A_46 = vector.broadcast %sub3A : f32 to vector<512x128xf32>
    %sub3A_47 = arith.subf %sub3A_46, %add3A_40 : vector<512x128xf32>
    %mul3A_48 = arith.mulf %sub3A_47, %tanh3A_45 : vector<512x128xf32>
    %mul3A_49 = arith.mulf %add3A_40, %get3A_8 : vector<512x128xf32>
    %add3A_50 = arith.addf %mul3A_48, %mul3A_49 : vector<512x128xf32>
    %get3A_51 = arith.constant 0 : index
    %get3A_52 = arith.constant 0 : index
    %get3A_53 = vector.load %arg6[%get3A_51, %get3A_52] : memref<128x3xf32, #tpu.memory_space<vmem>>, vector<128x3xf32>
    %dot_general3A_54 = arith.constant dense<0.000000e+00> : vector<512x3xf32>
    %dot_general3A_55 = tpu.matmul %add3A_50, %get3A_53, %dot_general3A_54 {dimension_numbers = #tpu.dot_dimension_numbers<[1], [0], [0], [1], [0, 0, 1, 1], [], []>, transpose_lhs_hint = false} : vector<512x128xf32>, vector<128x3xf32>, vector<512x3xf32> -> vector<512x3xf32>
    %get3A_56 = arith.constant 0 : index
    %get3A_57 = arith.constant 0 : index
    %get3A_58 = vector.load %arg7[%get3A_56, %get3A_57] : memref<1x3xf32, #tpu.memory_space<vmem>>, vector<1x3xf32>
    %add3A_59 = vector.broadcast %get3A_58 : vector<1x3xf32> to vector<512x3xf32>
    %add3A_60 = arith.addf %dot_general3A_55, %add3A_59 : vector<512x3xf32>
    %swap3A = arith.constant 0 : index
    %swap3A_61 = arith.constant 0 : index
    %swap3A_62 = vector.load %arg8[%swap3A, %swap3A_61] : memref<512x3xf32, #tpu.memory_space<vmem>>, vector<512x3xf32>
    tpu.vector_store %arg8[%swap3A, %swap3A_61], %add3A_60 {strides = array<i32>} : memref<512x3xf32, #tpu.memory_space<vmem>>, vector<512x3xf32>,
    return
  }
  func.func @transform_0(%arg0: i32) -> (i32, i32) {
    %c0_i32 = arith.constant 0 : i32
    %c0_i32_0 = arith.constant 0 : i32
    return %c0_i32, %arg0 : i32, i32
  }
  func.func @transform_1(%arg0: i32) -> (i32, i32) {
    %c0_i32 = arith.constant 0 : i32
    %c0_i32_0 = arith.constant 0 : i32
    return %arg0, %c0_i32 : i32, i32
  }
  func.func @transform_2(%arg0: i32) -> (i32, i32) {
    %c0_i32 = arith.constant 0 : i32
    %c0_i32_0 = arith.constant 0 : i32
    %c0_i32_1 = arith.constant 0 : i32
    return %c0_i32, %c0_i32_0 : i32, i32
  }
  func.func @transform_3(%arg0: i32) -> (i32, i32) {
    %c0_i32 = arith.constant 0 : i32
    %c0_i32_0 = arith.constant 0 : i32
    %c0_i32_1 = arith.constant 0 : i32
    return %c0_i32, %c0_i32_0 : i32, i32
  }
  func.func @transform_4(%arg0: i32) -> (i32, i32) {
    %c0_i32 = arith.constant 0 : i32
    %c0_i32_0 = arith.constant 0 : i32
    %c0_i32_1 = arith.constant 0 : i32
    return %c0_i32, %c0_i32_0 : i32, i32
  }
  func.func @transform_5(%arg0: i32) -> (i32, i32) {
    %c0_i32 = arith.constant 0 : i32
    %c0_i32_0 = arith.constant 0 : i32
    %c0_i32_1 = arith.constant 0 : i32
    return %c0_i32, %c0_i32_0 : i32, i32
  }
  func.func @transform_6(%arg0: i32) -> (i32, i32) {
    %c0_i32 = arith.constant 0 : i32
    %c0_i32_0 = arith.constant 0 : i32
    %c0_i32_1 = arith.constant 0 : i32
    return %c0_i32, %c0_i32_0 : i32, i32
  }
  func.func @transform_7(%arg0: i32) -> (i32, i32) {
    %c0_i32 = arith.constant 0 : i32
    %c0_i32_0 = arith.constant 0 : i32
    return %arg0, %c0_i32 : i32, i32
  }
}

</mosaic_0001>

<sc_bundles>
// kernel: kernel.5.cloned.1.call-start
scs
__scs_entry_jumppad:
0x0: {  	(pc) =	sbr.rel $0x88, $3  }
0x1: {  	(tag) =	ssettag $0x0;
	lr =	simm.s32 $0x1  }
0x2: {  	[smem:$0x3F96] =	sst lr;
	_ =	strace $0xD0000000  }
0x3: {  	_ = 	snop  }
0x4: {  	_ = 	snop  }
0x5: {  	_ = 	snop  }
0x6: {  	_ = 	snop  }
0x7: {  	_ = 	snop  }
__scs_overlays_trampoline_lowered:
0x8: {  	[smem:$0x3FA5] =	sst s0  }
0x9: {  	[smem:$0x3FA6] =	sst s1  }
0xa: {  	[smem:$0x3FA7] =	sst s2  }
0xb: {  	[smem:$0x3FA8] =	sst s3  }
0xc: {  	[smem:$0x3FA9] =	sst s4  }
0xd: {  	[smem:$0x3FAA] =	sst s5  }
0xe: {  	[smem:$0x3FAB] =	sst s6  }
0xf: {  	[smem:$0x3FAC] =	sst s7  }
0x10: {  	[smem:$0x3FAD] =	sst s8  }
0x11: {  	[smem:$0x3FAE] =	sst s9;
	s0 =	simm.s32 @!p0 $0x0  }
0x12: {  	s1 =	sld [smem:$0x3F94];
	s0 =	simm.s32 @p0 $0x1  }
0x13: {  	[smem:$0x3FAF] =	sst s0;
	s0 =	simm.s32 @!p1 $0x0  }
0x14: {  	s2 =	sld [smem:$0x3F93];
	s0 =	simm.s32 @p1 $0x1  }
0x15: {  	[smem:$0x3FB0] =	sst s0;
	s0 =	simm.s32 @!p2 $0x0  }
0x16: {  	s3 =	sld [smem:$0x3FDB];
	s0 =	simm.s32 @p2 $0x1  }
0x17: {  	s4 =	simm.s32 $0x1BF5;
	[smem:$0x3FB2] =	sst s0  }
0x18: {  	s0 =	sld [smem:$0x3F95];
	_ =	swait.ge [sflag:s4], $0x0  }
0x19: {  	s7 =	sld [smem:$0x3F96]  }
0x1a: {  	s8 =	sadd.s32 $0xFFFFE003, lr  }
0x1b: {  	s9 =	sadd.s32 $0xFFFFFEF7, lr;
	s5 =	simm.s32 $0xFFFFFFFF;
	p2 =	slt.u32 s8, $0xFFFFF086  }
0x1c: {  	p1 =	slt.u32 s9, $0xF7A;
	s5 =	simm.s32 @!p2 $0x0  }
0x1d: {  	s5 =	simm.s32 @p1 $0x1;
	p0 =	seq.s32 s7, s2  }
0x1e: {  	s7 =	smul.u32 @!p0 $0xF7A, s2;
	p2 =	seq.s32 @!p0 s5, $0x0  }
0x1f: {  	s9 =	smul.u32 $0xF7A, s1;
	s8 =	simm.s32 @!p0 $0x1BF5;
	p2 =	por !p2, p0  }
0x20: {  	[sflag:s8] =	ssyncset.s32 @!p0 $0xFFFFF086;
	s6 =	sadd.s32 @!p0 s3, s7;
	s7 =	simm.s32 @!p0 $0x108  }
0x21: {  	s3 =	sadd.s32 s3, s9;
	s6 =	sadd.s32 @!p0 $0x88, s6;
	s7 =	simm.s32 @p2 $0x1082  }
0x22: {  	[simem:s7], [sflag:s8] =	dma.local @!p0 [hbm:s6], $0xF7A  }
0x23: {  	s9 =	sor.u32 $0xD0000000, s2;
	s6 =	simm.s32 $0x108;
	_ =	swait.ge @!p0 [sflag:s8], $0x0  }
0x24: {  	s3 =	sadd.s32 $0x88, s3;
	s6 =	simm.s32 @!p1 $0x1082;
	[sflag:s4] =	ssyncset.s32 $0xFFFFF086  }
0x25: {  	[simem:s6], [sflag:s4] =	dma.local [hbm:s3], $0xF7A  }
0x26: {  	[smem:$0x3F96] =	sst s1;
	(tag) =	ssettag s2;
	_ =	strace s9  }
0x27: {  	s1 =	sld [smem:$0x3FA6]  }
0x28: {  	s2 =	sld [smem:$0x3FA7]  }
0x29: {  	s4 =	sld [smem:$0x3FA9]  }
0x2a: {  	p0 =	seq.s32 s5, $0x0;
	s5 =	sld [smem:$0x3FAA]  }
0x2b: {  	s6 =	sld [smem:$0x3FAB]  }
0x2c: {  	s7 =	sld [smem:$0x3FAC]  }
0x2d: {  	s3 =	simm.s32 $0x108;
	s8 =	sld [smem:$0x3FAD]  }
0x2e: {  	s3 =	simm.s32 @!p0 $0x1082;
	s9 =	sld [smem:$0x3FAE]  }
0x2f: {  	lr =	sadd.s32 s0, s3;
	s0 =	sld [smem:$0x3FA5]  }
0x30: {  	s3 =	sld [smem:$0x3FA8]  }
0x31: {  	[smem:$0x3FB1] =	sst s10  }
0x32: {  	s10 =	sld [smem:$0x3FAF];
	_ =	sdelay $0x3  }
0x33: {  	p0 =	seq.s32 s10, $0x1;
	s10 =	sld [smem:$0x3FB1];
	_ =	sdelay $0x3  }
0x34: {  	[smem:$0x3FB1] =	sst s10  }
0x35: {  	s10 =	sld [smem:$0x3FB0];
	_ =	sdelay $0x3  }
0x36: {  	p1 =	seq.s32 s10, $0x1;
	s10 =	sld [smem:$0x3FB1];
	_ =	sdelay $0x3  }
0x37: {  	[smem:$0x3FB1] =	sst s10  }
0x38: {  	s10 =	sld [smem:$0x3FB2]  }
0x39: {  	_ = 	snop;
	(pc) =	sbr.ind lr, $3  }
0x3a: {  	_ = 	snop  }
0x3b: {  	_ = 	snop  }
0x3c: {  	p2 =	seq.s32 s10, $0x1;
	s10 =	sld [smem:$0x3FB1]  }
0x3d: {  	_ =	shalt  }
0x3e: {  	_ =	shalt  }
0x3f: {  	_ =	shalt  }
0x40: {  	_ =	shalt  }
0x41: {  	_ =	shalt  }
0x42: {  	_ =	shalt  }
0x43: {  	_ =	shalt  }
0x44: {  	_ =	shalt  }
0x45: {  	_ =	shalt  }
0x46: {  	_ =	shalt  }
0x47: {  	_ =	shalt  }
0x48: {  	_ =	shalt  }
0x49: {  	_ =	shalt  }
0x4a: {  	_ =	shalt  }
0x4b: {  	_ =	shalt  }
0x4c: {  	_ =	shalt  }
0x4d: {  	_ =	shalt  }
0x4e: {  	_ =	shalt  }
0x4f: {  	_ =	shalt  }
0x50: {  	_ =	shalt  }
0x51: {  	_ =	shalt  }
0x52: {  	_ =	shalt  }
0x53: {  	_ =	shalt  }
0x54: {  	_ =	shalt  }
0x55: {  	_ =	shalt  }
0x56: {  	_ =	shalt  }
0x57: {  	_ =	shalt  }
0x58: {  	_ =	shalt  }
0x59: {  	_ =	shalt  }
0x5a: {  	_ =	shalt  }
0x5b: {  	_ =	shalt  }
0x5c: {  	_ =	shalt  }
0x5d: {  	_ =	shalt  }
0x5e: {  	_ =	shalt  }
0x5f: {  	_ =	shalt  }
0x60: {  	_ =	shalt  }
0x61: {  	_ =	shalt  }
0x62: {  	_ =	shalt  }
0x63: {  	_ =	shalt  }
0x64: {  	_ =	shalt  }
0x65: {  	_ =	shalt  }
0x66: {  	_ =	shalt  }
0x67: {  	_ =	shalt  }
0x68: {  	_ =	shalt  }
0x69: {  	_ =	shalt  }
0x6a: {  	_ =	shalt  }
0x6b: {  	_ =	shalt  }
0x6c: {  	_ =	shalt  }
0x6d: {  	_ =	shalt  }
0x6e: {  	_ =	shalt  }
0x6f: {  	_ =	shalt  }
0x70: {  	_ =	shalt  }
0x71: {  	_ =	shalt  }
0x72: {  	_ =	shalt  }
0x73: {  	_ =	shalt  }
0x74: {  	_ =	shalt  }
0x75: {  	_ =	shalt  }
0x76: {  	_ =	shalt  }
0x77: {  	_ =	shalt  }
0x78: {  	_ =	shalt  }
0x79: {  	_ =	shalt  }
0x7a: {  	_ =	shalt  }
0x7b: {  	_ =	shalt  }
0x7c: {  	_ =	shalt  }
0x7d: {  	_ =	shalt  }
0x7e: {  	_ =	shalt  }
0x7f: {  	_ =	shalt  }
0x80: {  	_ =	shalt  }
0x81: {  	_ =	shalt  }
0x82: {  	_ =	shalt  }
0x83: {  	_ =	shalt  }
0x84: {  	_ =	shalt  }
0x85: {  	_ =	shalt  }
0x86: {  	_ =	shalt  }
0x87: {  	_ =	shalt  }
.Lfunc_end0:
.L_simem_size_0:
called_computation_lowered:
.L_overlay_start_0:
0x88: {  	s2 =	sld [smem:$0x3FD9]  }
0x89: {  	s3 =	sld [smem:$0x3FFE];
	_ =	sdelay $0x1  }
0x8a: {  	s1 =	srdreg.scid  }
0x8b: {  	s0 =	sand.u32 $0x1, s1  }
0x8c: {  	s16 =	sshll.u32 s0, $0xA;
	s2 =	sadd.s32 s3, s2  }
0x8d: {  	s2 =	sadd.s32 s2, s16  }
0x8e: {  	[smem:$0x3FBD] =	sst s2  }
0x8f: {  	_ = 	snop  }
0x90: {  	(tm) =	ssettm $0x1  }
0x91: {  	s17 =	sld [smem:$0x3FFB];
	_ =	sdelay $0x3  }
0x92: {  	_ =	strace s17  }
0x93: {  	s2 =	sld [smem:$0x3FFC];
	_ =	sdelay $0x3  }
0x94: {  	_ =	strace s2  }
0x95: {  	s2 =	sld [smem:$0x3FFD];
	_ =	sdelay $0x3  }
0x96: {  	_ =	strace s2  }
0x97: {  	_ =	strace $0x8FFFFFFF  }
0x98: {  	s18 =	sld [smem:$0x3FDB];
	_ =	sdelay $0x1  }
0x99: {  	s19 =	simm.s32 $_scs_section_size  }
0x9a: {  	s4 =	simm.s32 $_size__tile_overlayer_lowered;
	s5 =	simm.s32 $_tile_overlayer_lowered  }
0x9b: {  	s22 =	simm.s32 $0x1BFF;
	s21 =	sshll.u32 s5, $0x1;
	s2 =	sadd.s32 s19, s18  }
0x9c: {  	s6 =	simm.s32 $0x0;
	s20 =	sshll.u32 s4, $0x1;
	s4 =	sadd.s32 s21, s2  }
0x9d: {  	[timem:s6], [sflag:s22] =	dma.local [hbm:s4], s20  }
0x9e: {  	_ =	swait.ge [sflag:s22], s20  }
0x9f: {  	s3 =	ssub.s32 $0x0, s20;
	[sflag:s22] =	ssyncset.done $0x0  }
0xa0: {  	[sflag:s22] =	ssyncadd.s32 s3;
	_ =	sdelay $0x1  }
0xa1: {  	s23 =	simm.s32 $0x1B8B  }
0xa2: {  	_ =	swait.ge [sflag:s23], $0x1  }
0xa3: {  	[sflag:s23] =	ssyncset.done $0x0  }
0xa4: {  	s25 =	simm.s32 $0x1B8E;
	s24 =	sld [smem:$0x3FFE];
	[sflag:s23] =	ssyncadd.s32 $0xFFFFFFFF  }
0xa5: {  	s26 =	simm.s32 $execute0_lowered;
	[smem:$0x3FD2] =	sst s25  }
0xa6: {  	s4 =	sshll.u32 s26, $0x1;
	_ =	strace $0x80000046;
	[dreg:$0x1] =	wrdreg $0xFFFFFFFF  }
0xa7: {  	s28 =	simm.s32 $_size_execute0_lowered;
	s2 =	sadd.s32 s2, s4;
	[dreg:$0x0] =	wrdreg $0x0  }
0xa8: {  	s4 =	sshll.u32 s28, $0x1;
	[dreg:$0x2] =	wrdreg s2  }
0xa9: {  	[dreg:$0x3] =	wrdreg s4  }
0xaa: {  	[dreg:$0x4] =	wrdreg $0xC0  }
0xab: {  	_ =	task [dreg:s6], $0x5FFFF  }
0xac: {  	[dreg:$0x1] =	wrdreg $0xFFFFFFFF  }
0xad: {  	[dreg:$0x0] =	wrdreg $0x60  }
0xae: {  	[dreg:$0x2] =	wrdreg s24  }
0xaf: {  	[dreg:$0x3] =	wrdreg $0x6A400  }
0xb0: {  	[dreg:$0x4] =	wrdreg $0x9  }
0xb1: {  	_ =	task.clear_ibuf [dreg:s6], $0x5FFFF;
	_ =	strace $0x90000046  }
0xb2: {  	s29 =	simm.s32 $0x9;
	_ =	strace $0x80000048  }
0xb3: {  	_ =	swait.ge [sflag:s29], $0x1  }
0xb4: {  	[sflag:s29] =	ssyncadd.s32 $0xFFFFFFFF  }
0xb5: {  	_ =	strace $0x90000048  }
0xb6: {  	_ =	sfence  }
0xb7: {  	s30 =	sld [smem:$0x0];
	_ =	sdelay $0x2  }
0xb8: {  	s31 =	sshll.u32 s1, $0xD;
	s1 =	sshrl.u32 s1, $0x2  }
0xb9: {  	s3 =	sand.u32 $0x4000, s31;
	s1 =	sadd.s32 s1, s30  }
0xba: {  	s0 =	sor.u32 s3, s0;
	s1 =	sshll.u32 s1, $0x11  }
0xbb: {  	s0 =	sor.u32 s1, s0  }
0xbc: {  	s0 =	sadd.s32 $0x8F2B, s0  }
0xbd: {  	[sflag:s0] =	ssyncadd.remote.s32 $0x1  }
0xbe: {  	_ =	sfence.sel $0xFFFF  }
0xbf: {  	[dreg:$0x0] =	wrdreg $0xFFFFFFFF;
	(pc) =	sbr.abs _section_cstart, $3  }
0xc0: {  	[dreg:$0x1] =	wrdreg $0xFFFFFFFF  }
0xc1: {  	_ =	task.clear_ibuf [dreg:s6], $0x2FFFF;
	_ =	strace $0x9FFFFFFF  }
0xc2: {  	(tm) =	ssettm $0x7FFFFFFF  }
0xc3: {  	_ =	shalt  }
tec
execute0_lowered:
.L_overlay_start_1:
0x0: {  	(tag) =	ssettag $0x1  }
0x1: {  	s0 =	rddreg [dreg:$0x0]  }
0x2: {  	s2 =	rddreg [dreg:$0x1]  }
0x3: {  	s3 =	simm.s32 $0x0;
	s11 =	stileid.u32;
	s5 =	srdreg.scid  }
0x4: {  	s28 =	simm.s32 $0x320;
	s29 =	simm.s32 $0x1;
	s30 =	simm.s32 $0x3  }
0x5: {  	s31 =	simm.s32 $0x190;
	[smem:$0x7FF] =	sst s3;
	s1 =	smul.u32 $0x62000, s11  }
0x6: {  	s4 =	sadd.s32 $0xA00, s0;
	s6 =	sand.u32 $0x1, s5;
	s10 =	smul.u32 $0xC350, s11  }
0x7: {  	s5 =	sadd.s32 $0x31800, s0;
	s23 =	smul.u32 $0x186A, s11;
	s24 =	sadd.s32 $0xF5804, s0  }
0x8: {  	_ =	strace $0x80000047;
	s7 =	ssub.s32 $0x2, s6;
	p0 =	seq.s32 s6, $0x1  }
0x9: {  	[dreg:$0xc] =	wrdreg s24;
	s6 =	simm.s32 $0x6;
	s8 =	sshrl.u32 s1, $0x3  }
0xa: {  	s9 =	sshrl.u32 s7, $0x1;
	s1 =	sshrl.u32 s1, $0x2;
	s18 =	sshrl.u32 s10, $0x3  }
0xb: {  	s24 =	sadd.s32 s23, s4;
	[dreg:$0x3] =	wrdreg s8;
	s8 =	sadd.s32 s8, s0  }
0xc: {  	s9 =	ssub.s32 s7, s9;
	s7 =	sadd.s32 s1, s2;
	s0 =	sadd.s32 $0xF580C, s0  }
0xd: {  	s23 =	simm.s32 $0x7;
	s1 =	sadd.s32 $0x6400, s7;
	[dreg:$0xe] =	wrdreg s0  }
0xe: {  	s14 =	sadd.s32 s4, s18;
	s16 =	sadd.s32 $0x9600, s7;
	[dreg:$0x5] =	wrdreg s1  }
0xf: {  	s18 =	sadd.s32 $0x320, s10;
	s17 =	sadd.s32 $0xC800, s7;
	[dreg:$0x6] =	wrdreg s16  }
0x10: {  	s15 =	sadd.s32 $0x3200, s7;
	s19 =	sadd.s32 $0xFA00, s7;
	[dreg:$0x7] =	wrdreg s17  }
0x11: {  	s20 =	sadd.s32 $0x12C00, s7;
	s21 =	sadd.s32 $0x15E00, s7;
	[dreg:$0x8] =	wrdreg s19  }
0x12: {  	s22 =	sadd.s32 $0xF5800, s8;
	s25 =	sadd.s32 $0xF5808, s8;
	[dreg:$0x9] =	wrdreg s20  }
0x13: {  	s26 =	smax.u32 s9, $0x1;
	s0 =	simm.s32 $0x4B0;
	[dreg:$0xa] =	wrdreg s21  }
.Ltmp0:
0x14: {  	s8 =	simm.s32 $0x0;
	[dreg:$0xb] =	wrdreg s22;
	(pc) =	sbr.rel .LBB2_1-.Ltmp0, $4  }
0x15: {  	s16 =	sadd.s32 $0x186A0, s14;
	s17 =	sadd.s32 $0x190, s10;
	[dreg:$0xd] =	wrdreg s25  }
0x16: {  	[dreg:$0xf] =	wrdreg s26;
	s25 =	simm.s32 $0x640;
	s26 =	simm.s32 $0x9  }
0x17: {  	s19 =	simm.s32 $0x3840;
	s21 =	simm.s32 $0x8;
	s20 =	simm.s32 $0x5  }
0x18: {  	v0 =	vimm.s32 $0x0;
	v1 =	vimm.f32 $0.0e+00;
	s22 =	simm.s32 $0x2;
	s1 =	simm.s32 $0x4;
	[dreg:$0x4] =	wrdreg s15  }
.LBB2_44:
0x19: {  	_ =	swait.ge [sflag:s21], $0x3200  }
0x1a: {  	[sflag:s21] =	ssyncset.done $0x0  }
0x1b: {  	[sflag:s21] =	ssyncadd.s32 $0xFFFFCE00  }
0x1c: {  	_ =	swait.ge [sflag:s20], $0x3200  }
0x1d: {  	[sflag:s20] =	ssyncset.done $0x0  }
0x1e: {  	[sflag:s20] =	ssyncadd.s32 $0xFFFFCE00  }
0x1f: {  	[spmem:s2] =	stream.indirect.scatter.add.f32 [tilespmem:s25], [sflag:$0x7], $0x20, s28, s31, $0xb8;
	[tilespmem:$0x1F240] =	vst v63  }
0x20: {  	_ =	swait.ge [sflag:s23], $0x3200  }
0x21: {  	[sflag:s23] =	ssyncset.done $0x0  }
0x22: {  	s13 =	sshrl.u32 s7, $0x3;
	s11 =	rddreg [dreg:$0x3];
	[sflag:s23] =	ssyncadd.s32 $0xFFFFCE00  }
0x23: {  	s12 =	simm.s32 $0x10;
	s10 =	sadd.s32 s11, s10;
	[bflag:$0x0] =	sbarrier.arrive $0xFFFF  }
0x24: {  	[hbm:s10@s12], [sflag:s9] =	dma.strided [spmem:s13@s1], $0x3100, s29, $0x4   }
0x25: {  	_ =	swait.ge [sflag:s26], $0x3100  }
0x26: {  	s8 =	sadd.s32 $0x1, s8;
	s15 =	rddreg [dreg:$0xf]  }
0x27: {  	p1 =	sne.s32 s8, s15  }
.Ltmp1:
0x28: {  	_ = 	snop;
	(pc) =	sbr.rel @!p1 .LBB2_45-.Ltmp1, $4  }
0x29: {  	[sflag:s26] =	ssyncset.done $0x0  }
0x2a: {  	[sflag:s26] =	ssyncadd.s32 $0xFFFFCF00  }
0x2b: {  	[bflag:$0x0] =	sbarrier.arrive $0xFFFF  }
0x2c: {  	s15 =	rddreg [dreg:$0x4]  }
.LBB2_1:
0x2d: {  	[tilespmem:$0x4B0] =	vst v0  }
0x2e: {  	[tilespmem:$0x4C0] =	vst v0  }
0x2f: {  	[tilespmem:$0x4D0] =	vst v0  }
0x30: {  	[tilespmem:$0x4E0] =	vst v0  }
0x31: {  	[tilespmem:$0x4F0] =	vst v0  }
0x32: {  	[tilespmem:$0x500] =	vst v0  }
0x33: {  	[tilespmem:$0x510] =	vst v0  }
0x34: {  	[tilespmem:$0x520] =	vst v0  }
0x35: {  	[tilespmem:$0x530] =	vst v0  }
0x36: {  	[tilespmem:$0x540] =	vst v0  }
0x37: {  	[tilespmem:$0x550] =	vst v0  }
0x38: {  	[tilespmem:$0x560] =	vst v0  }
0x39: {  	[tilespmem:$0x570] =	vst v0  }
0x3a: {  	[tilespmem:$0x580] =	vst v0  }
0x3b: {  	[tilespmem:$0x590] =	vst v0  }
0x3c: {  	[tilespmem:$0x5A0] =	vst v0  }
0x3d: {  	[tilespmem:$0x5B0] =	vst v0  }
0x3e: {  	[tilespmem:$0x5C0] =	vst v0  }
0x3f: {  	[tilespmem:$0x5D0] =	vst v0  }
0x40: {  	[tilespmem:$0x5E0] =	vst v0  }
.Ltmp2:
0x41: {  	[tilespmem:$0x5F0] =	vst v0;
	(pc) =	sbr.rel @!p0 .LBB2_2-.Ltmp2, $4  }
0x42: {  	[tilespmem:$0x600] =	vst v0  }
0x43: {  	[tilespmem:$0x610] =	vst v0  }
0x44: {  	[tilespmem:$0x620] =	vst v0  }
0x45: {  	[tilespmem:$0x630] =	vst v0;
	s9 =	simm.s32 $0x0;
	s10 =	simm.s32 $0x0  }
.LBB2_20:
0x46: {  	p1 =	sne.s32 s10, $0xC780  }
.Ltmp3:
0x47: {  	_ = 	snop;
	(pc) =	sbr.rel @p1 .LBB2_20-.Ltmp3, $4  }
0x48: {  	_ = 	snop  }
0x49: {  	s9 =	sshra.s32 s10, $0x2  }
0x4a: {  	[tilespmem:s9+$0x640] =	vst v1  }
0x4b: {  	s10 =	sadd.s32 $0x80, s10;
	[tilespmem:s9+$0x650] =	vst v1  }
0x4c: {  	s9 =	simm.s32 $0x80;
	s10 =	simm.s32 $0x0  }
.LBB2_22:
0x4d: {  	p1 =	sne.s32 s9, $0xC780;
	[tilespmem:s10+$0x3840] =	vst v1;
	s11 =	smov.u32 s9;
	s9 =	sadd.s32 $0x80, s9  }
.Ltmp4:
0x4e: {  	[tilespmem:s10+$0x3850] =	vst v1;
	(pc) =	sbr.rel @p1 .LBB2_22-.Ltmp4, $2  }
0x4f: {  	_ =	sdelay $0x2  }
0x50: {  	s10 =	sshra.s32 s11, $0x2  }
0x51: {  	[tilespmem:s10+$0x3840] =	vst v1  }
0x52: {  	[tilespmem:s10+$0x3850] =	vst v1  }
0x53: {  	[spmem:s7] =	stream.linear.scatter [tilespmem:s25], [sflag:$0x9], $0x3200, $0x38;
	[tilespmem:$0x1F240] =	vst v63  }
0x54: {  	_ =	swait.ge [sflag:s26], $0x3200  }
0x55: {  	[sflag:s26] =	ssyncset.done $0x0  }
0x56: {  	[sflag:s26] =	ssyncadd.s32 $0xFFFFCE00  }
0x57: {  	[spmem:s15] =	stream.linear.scatter [tilespmem:s25], [sflag:$0x9], $0x3200, $0x38;
	[tilespmem:$0x1F240] =	vst v63  }
0x58: {  	_ =	swait.ge [sflag:s26], $0x3200  }
0x59: {  	[sflag:s26] =	ssyncset.done $0x0  }
0x5a: {  	s9 =	rddreg [dreg:$0x5];
	[sflag:s26] =	ssyncadd.s32 $0xFFFFCE00  }
0x5b: {  	[spmem:s9] =	stream.linear.scatter [tilespmem:s25], [sflag:$0x9], $0x3200, $0x38;
	[tilespmem:$0x1F240] =	vst v63  }
0x5c: {  	_ =	swait.ge [sflag:s26], $0x3200  }
0x5d: {  	[sflag:s26] =	ssyncset.done $0x0  }
0x5e: {  	s12 =	rddreg [dreg:$0x6];
	[sflag:s26] =	ssyncadd.s32 $0xFFFFCE00  }
0x5f: {  	[spmem:s12] =	stream.linear.scatter [tilespmem:s25], [sflag:$0x9], $0x3200, $0x38;
	[tilespmem:$0x1F240] =	vst v63  }
0x60: {  	_ =	swait.ge [sflag:s26], $0x3200  }
0x61: {  	[sflag:s26] =	ssyncset.done $0x0  }
0x62: {  	s13 =	rddreg [dreg:$0x7];
	[sflag:s26] =	ssyncadd.s32 $0xFFFFCE00  }
0x63: {  	[spmem:s13] =	stream.linear.scatter [tilespmem:s25], [sflag:$0x9], $0x3200, $0x38;
	[tilespmem:$0x1F240] =	vst v63  }
0x64: {  	_ =	swait.ge [sflag:s26], $0x3200  }
0x65: {  	[sflag:s26] =	ssyncset.done $0x0  }
0x66: {  	s10 =	rddreg [dreg:$0x8];
	[sflag:s26] =	ssyncadd.s32 $0xFFFFCE00  }
0x67: {  	[spmem:s10] =	stream.linear.scatter [tilespmem:s25], [sflag:$0x9], $0x3200, $0x38;
	[tilespmem:$0x1F240] =	vst v63  }
0x68: {  	_ =	swait.ge [sflag:s26], $0x3200  }
0x69: {  	[sflag:s26] =	ssyncset.done $0x0  }
0x6a: {  	s11 =	rddreg [dreg:$0x9];
	[sflag:s26] =	ssyncadd.s32 $0xFFFFCE00  }
0x6b: {  	[spmem:s11] =	stream.linear.scatter [tilespmem:s25], [sflag:$0x9], $0x3200, $0x38;
	[tilespmem:$0x1F240] =	vst v63  }
0x6c: {  	_ =	swait.ge [sflag:s26], $0x3200  }
0x6d: {  	[sflag:s26] =	ssyncset.done $0x0  }
0x6e: {  	s12 =	rddreg [dreg:$0xa];
	[sflag:s26] =	ssyncadd.s32 $0xFFFFCE00  }
0x6f: {  	[spmem:s12] =	stream.linear.scatter [tilespmem:s25], [sflag:$0x9], $0x2A00, $0x38;
	[tilespmem:$0x1F240] =	vst v63  }
0x70: {  	_ =	swait.ge [sflag:s26], $0x2A00  }
0x71: {  	[sflag:s26] =	ssyncset.done $0x0  }
0x72: {  	[sflag:s26] =	ssyncadd.s32 $0xFFFFD600  }
0x73: {  	s13 =	simm.s32 $0x0;
	[bflag:$0x0] =	sbarrier.arrive $0xFFFF  }
0x74: {  	[tilespmem:s13], [sflag:$0x1] =	stream.linear.gather [hbm4b:s14+s13], $0x190, $0x38;
	[tilespmem:$0x1F240] =	vst v63  }
0x75: {  	_ = 	snop  }
0x76: {  	[tilespmem:s28], [sflag:$0x3] =	stream.linear.gather [hbm4b:s16+s13], $0x190, $0x38;
	[tilespmem:$0x1F240] =	vst v63  }
0x77: {  	_ =	swait.ge [sflag:s29], $0x190  }
0x78: {  	[sflag:s29] =	ssyncset.done $0x0  }
0x79: {  	[sflag:s29] =	ssyncadd.s32 $0xFFFFFE70  }
0x7a: {  	_ =	swait.ge [sflag:s30], $0x190  }
0x7b: {  	[sflag:s30] =	ssyncset.done $0x0  }
0x7c: {  	s9 =	simm.s32 $0x0;
	s10 =	simm.s32 $0x40;
	[sflag:s30] =	ssyncadd.s32 $0xFFFFFE70  }
.LBB2_24:
0x7d: {  	p1 =	sne.s32 s10, $0x600;
	v2 =	vld [tilespmem:s9+$0x0];
	_ =	sdelay $0x2  }
.Ltmp5:
0x7e: {  	(pc) =	sbr.rel @p1 .LBB2_24-.Ltmp5, $4  }
0x7f: {  	_ = 	snop  }
0x80: {  	v2 =	vshll.u32 v2, $0x2  }
0x81: {  	v2 =	vor.u32 $0x2, v2  }
0x82: {  	[tilespmem:s9+$0x0] =	vst v2;
	s9 =	sshra.s32 s10, $0x2;
	s10 =	sadd.s32 $0x40, s10  }
0x83: {  	v2 =	vld [tilespmem:s9+$0x0];
	_ =	sdelay $0x4  }
0x84: {  	v2 =	vshll.u32 v2, $0x2  }
0x85: {  	v2 =	vor.u32 $0x2, v2  }
0x86: {  	[tilespmem:s9+$0x0] =	vst v2;
	s9 =	simm.s32 $0x0  }
0x87: {  	[tilespmem:s25], [sflag:$0x5] =	stream.indirect.gather [hbm4b:s5+s31], $0x20, s9, s31, $0xb8;
	[tilespmem:$0x1F240] =	vst v63  }
0x88: {  	s10 =	simm.s32 $0x0  }
0x89: {  	[spmem:s2] =	stream.indirect.scatter.add.f32 [tilespmem:s19], [sflag:$0x8], $0x20, s0, s31, $0xb8;
	[tilespmem:$0x1F240] =	vst v63  }
.LBB2_26:
0x8a: {  	s11 =	smul.u32 $0x320, s10;
	_ =	sdelay $0x1  }
0x8b: {  	_ =	swait.ge [sflag:s21], $0x3200;
	s12 =	sadd.s32 s11, s17  }
0x8c: {  	[sflag:s21] =	ssyncset.done $0x0;
	s12 =	sshrl.u32 s12, $0x3  }
0x8d: {  	[sflag:s21] =	ssyncadd.s32 $0xFFFFCE00;
	s12 =	sadd.s32 s4, s12  }
0x8e: {  	[tilespmem:s31], [sflag:$0x2] =	stream.linear.gather [hbm4b:s12+s9], $0x190, $0x38;
	[tilespmem:$0x1F240] =	vst v63  }
0x8f: {  	s12 =	sadd.s32 $0x186A0, s12  }
0x90: {  	[tilespmem:s0], [sflag:$0x4] =	stream.linear.gather [hbm4b:s12+s9], $0x190, $0x38;
	[tilespmem:$0x1F240] =	vst v63  }
0x91: {  	_ =	swait.ge [sflag:s20], $0x3200  }
0x92: {  	[sflag:s20] =	ssyncset.done $0x0  }
0x93: {  	[sflag:s20] =	ssyncadd.s32 $0xFFFFCE00  }
0x94: {  	[spmem:s2] =	stream.indirect.scatter.add.f32 [tilespmem:s25], [sflag:$0x7], $0x20, s28, s31, $0xb8;
	[tilespmem:$0x1F240] =	vst v63  }
0x95: {  	_ =	swait.ge [sflag:s22], $0x190  }
0x96: {  	[sflag:s22] =	ssyncset.done $0x0  }
0x97: {  	[sflag:s22] =	ssyncadd.s32 $0xFFFFFE70  }
0x98: {  	_ =	swait.ge [sflag:s1], $0x190  }
0x99: {  	[sflag:s1] =	ssyncset.done $0x0  }
0x9a: {  	s13 =	simm.s32 $0x40;
	s12 =	simm.s32 $0x0;
	[sflag:s1] =	ssyncadd.s32 $0xFFFFFE70  }
.LBB2_27:
0x9b: {  	p1 =	sne.s32 s13, $0x600;
	v2 =	vld [tilespmem:s12+$0x190];
	_ =	sdelay $0x2  }
.Ltmp6:
0x9c: {  	(pc) =	sbr.rel @p1 .LBB2_27-.Ltmp6, $4  }
0x9d: {  	_ = 	snop  }
0x9e: {  	v2 =	vshll.u32 v2, $0x2  }
0x9f: {  	v2 =	vor.u32 $0x2, v2  }
0xa0: {  	[tilespmem:s12+$0x190] =	vst v2;
	s12 =	sshra.s32 s13, $0x2;
	s13 =	sadd.s32 $0x40, s13  }
0xa1: {  	v2 =	vld [tilespmem:s12+$0x190];
	_ =	sdelay $0x4  }
0xa2: {  	v2 =	vshll.u32 v2, $0x2  }
0xa3: {  	v2 =	vor.u32 $0x2, v2  }
0xa4: {  	[tilespmem:s12+$0x190] =	vst v2  }
0xa5: {  	[tilespmem:s19], [sflag:$0x6] =	stream.indirect.gather [hbm4b:s5+s31], $0x20, s31, s31, $0xb8;
	[tilespmem:$0x1F240] =	vst v63  }
0xa6: {  	s11 =	sadd.s32 s11, s18;
	_ =	swait.ge [sflag:s23], $0x3200  }
0xa7: {  	s11 =	sshrl.u32 s11, $0x3;
	[sflag:s23] =	ssyncset.done $0x0  }
0xa8: {  	s13 =	simm.s32 $0x0;
	s11 =	sadd.s32 s4, s11;
	[sflag:s23] =	ssyncadd.s32 $0xFFFFCE00  }
0xa9: {  	[tilespmem:s13], [sflag:$0x1] =	stream.linear.gather [hbm4b:s11+s13], $0x190, $0x38;
	[tilespmem:$0x1F240] =	vst v63  }
0xaa: {  	s11 =	sadd.s32 $0x186A0, s11  }
0xab: {  	[tilespmem:s28], [sflag:$0x3] =	stream.linear.gather [hbm4b:s11+s13], $0x190, $0x38;
	[tilespmem:$0x1F240] =	vst v63  }
0xac: {  	_ =	swait.ge [sflag:s6], $0x3200  }
0xad: {  	[sflag:s6] =	ssyncset.done $0x0  }
0xae: {  	[sflag:s6] =	ssyncadd.s32 $0xFFFFCE00  }
0xaf: {  	[spmem:s2] =	stream.indirect.scatter.add.f32 [tilespmem:s19], [sflag:$0x8], $0x20, s0, s31, $0xb8;
	[tilespmem:$0x1F240] =	vst v63  }
0xb0: {  	_ =	swait.ge [sflag:s29], $0x190  }
0xb1: {  	[sflag:s29] =	ssyncset.done $0x0  }
0xb2: {  	[sflag:s29] =	ssyncadd.s32 $0xFFFFFE70  }
0xb3: {  	_ =	swait.ge [sflag:s30], $0x190  }
0xb4: {  	[sflag:s30] =	ssyncset.done $0x0  }
0xb5: {  	s12 =	simm.s32 $0x40;
	s11 =	simm.s32 $0x0;
	[sflag:s30] =	ssyncadd.s32 $0xFFFFFE70  }
.LBB2_29:
0xb6: {  	p1 =	sne.s32 s12, $0x600;
	v2 =	vld [tilespmem:s11+$0x0];
	_ =	sdelay $0x2  }
.Ltmp7:
0xb7: {  	(pc) =	sbr.rel @p1 .LBB2_29-.Ltmp7, $4  }
0xb8: {  	_ = 	snop  }
0xb9: {  	v2 =	vshll.u32 v2, $0x2  }
0xba: {  	v2 =	vor.u32 $0x2, v2  }
0xbb: {  	[tilespmem:s11+$0x0] =	vst v2;
	s11 =	sshra.s32 s12, $0x2;
	s12 =	sadd.s32 $0x40, s12  }
0xbc: {  	v2 =	vld [tilespmem:s11+$0x0];
	_ =	sdelay $0x1  }
0xbd: {  	s10 =	sadd.s32 $0x1, s10  }
0xbe: {  	p1 =	sne.s32 s10, $0x3E  }
.Ltmp8:
0xbf: {  	_ = 	snop;
	(pc) =	sbr.rel @p1 .LBB2_26-.Ltmp8, $4  }
0xc0: {  	v2 =	vshll.u32 v2, $0x2  }
0xc1: {  	v2 =	vor.u32 $0x2, v2  }
0xc2: {  	[tilespmem:s11+$0x0] =	vst v2  }
0xc3: {  	[tilespmem:s25], [sflag:$0x5] =	stream.indirect.gather [hbm4b:s5+s31], $0x20, s3, s31, $0xb8;
	[tilespmem:$0x1F240] =	vst v63  }
0xc4: {  	_ =	swait.ge [sflag:s21], $0x3200  }
0xc5: {  	[sflag:s21] =	ssyncset.done $0x0  }
0xc6: {  	[sflag:s21] =	ssyncadd.s32 $0xFFFFCE00  }
0xc7: {  	_ =	swait.ge [sflag:s20], $0x3200  }
0xc8: {  	[sflag:s20] =	ssyncset.done $0x0  }
0xc9: {  	[sflag:s20] =	ssyncadd.s32 $0xFFFFCE00  }
0xca: {  	[spmem:s2] =	stream.indirect.scatter.add.f32 [tilespmem:s25], [sflag:$0x7], $0x20, s28, s31, $0xb8;
	[tilespmem:$0x1F240] =	vst v63  }
0xcb: {  	_ =	swait.ge [sflag:s23], $0x3200  }
0xcc: {  	[sflag:s23] =	ssyncset.done $0x0  }
0xcd: {  	s9 =	stileid.u32;
	[sflag:s23] =	ssyncadd.s32 $0xFFFFCE00  }
0xce: {  	s10 =	sshrl.u32 s7, $0x3;
	s9 =	sshll.u32 s9, $0x6;
	[bflag:$0x0] =	sbarrier.arrive $0xFFFF  }
0xcf: {  	s12 =	simm.s32 $0x10;
	s9 =	sor.u32 $0x1C09, s9;
	s11 =	rddreg [dreg:$0xd]  }
0xd0: {  	[hbm:s11@s12], [sflag:s9] =	dma.strided [spmem:s10@s1], $0x3100, s29, $0x4   }
0xd1: {  	_ =	swait.ge [sflag:s26], $0x3100  }
0xd2: {  	[sflag:s26] =	ssyncset.done $0x0  }
0xd3: {  	[sflag:s26] =	ssyncadd.s32 $0xFFFFCF00  }
0xd4: {  	s10 =	simm.s32 $0x80;
	s11 =	simm.s32 $0x0;
	[bflag:$0x0] =	sbarrier.arrive $0xFFFF  }
.LBB2_32:
0xd5: {  	p1 =	sne.s32 s10, $0xC780;
	[tilespmem:s11+$0x640] =	vst v1;
	s12 =	smov.u32 s10;
	s10 =	sadd.s32 $0x80, s10  }
.Ltmp9:
0xd6: {  	[tilespmem:s11+$0x650] =	vst v1;
	(pc) =	sbr.rel @p1 .LBB2_32-.Ltmp9, $2  }
0xd7: {  	_ =	sdelay $0x2  }
0xd8: {  	s11 =	sshra.s32 s12, $0x2  }
0xd9: {  	[tilespmem:s11+$0x640] =	vst v1  }
0xda: {  	[tilespmem:s11+$0x650] =	vst v1;
	s10 =	simm.s32 $0x80;
	s11 =	simm.s32 $0x0  }
.LBB2_34:
0xdb: {  	p1 =	sne.s32 s10, $0xC780;
	[tilespmem:s11+$0x3840] =	vst v1;
	s12 =	smov.u32 s10;
	s10 =	sadd.s32 $0x80, s10  }
.Ltmp10:
0xdc: {  	[tilespmem:s11+$0x3850] =	vst v1;
	(pc) =	sbr.rel @p1 .LBB2_34-.Ltmp10, $2  }
0xdd: {  	_ =	sdelay $0x2  }
0xde: {  	s11 =	sshra.s32 s12, $0x2  }
0xdf: {  	[tilespmem:s11+$0x3840] =	vst v1  }
0xe0: {  	[tilespmem:s11+$0x3850] =	vst v1  }
0xe1: {  	[spmem:s7] =	stream.linear.scatter [tilespmem:s25], [sflag:$0x9], $0x3200, $0x38;
	[tilespmem:$0x1F240] =	vst v63  }
0xe2: {  	_ =	swait.ge [sflag:s26], $0x3200  }
0xe3: {  	[sflag:s26] =	ssyncset.done $0x0  }
0xe4: {  	[sflag:s26] =	ssyncadd.s32 $0xFFFFCE00  }
0xe5: {  	[spmem:s15] =	stream.linear.scatter [tilespmem:s25], [sflag:$0x9], $0x3200, $0x38;
	[tilespmem:$0x1F240] =	vst v63  }
0xe6: {  	_ =	swait.ge [sflag:s26], $0x3200  }
0xe7: {  	[sflag:s26] =	ssyncset.done $0x0  }
0xe8: {  	s10 =	rddreg [dreg:$0x5];
	[sflag:s26] =	ssyncadd.s32 $0xFFFFCE00  }
0xe9: {  	[spmem:s10] =	stream.linear.scatter [tilespmem:s25], [sflag:$0x9], $0x3200, $0x38;
	[tilespmem:$0x1F240] =	vst v63  }
0xea: {  	_ =	swait.ge [sflag:s26], $0x3200  }
0xeb: {  	[sflag:s26] =	ssyncset.done $0x0  }
0xec: {  	s13 =	rddreg [dreg:$0x6];
	[sflag:s26] =	ssyncadd.s32 $0xFFFFCE00  }
0xed: {  	[spmem:s13] =	stream.linear.scatter [tilespmem:s25], [sflag:$0x9], $0x3200, $0x38;
	[tilespmem:$0x1F240] =	vst v63  }
0xee: {  	_ =	swait.ge [sflag:s26], $0x3200  }
0xef: {  	[sflag:s26] =	ssyncset.done $0x0  }
0xf0: {  	s15 =	rddreg [dreg:$0x7];
	[sflag:s26] =	ssyncadd.s32 $0xFFFFCE00  }
0xf1: {  	[spmem:s15] =	stream.linear.scatter [tilespmem:s25], [sflag:$0x9], $0x3200, $0x38;
	[tilespmem:$0x1F240] =	vst v63  }
0xf2: {  	_ =	swait.ge [sflag:s26], $0x3200  }
0xf3: {  	[sflag:s26] =	ssyncset.done $0x0  }
0xf4: {  	s11 =	rddreg [dreg:$0x8];
	[sflag:s26] =	ssyncadd.s32 $0xFFFFCE00  }
0xf5: {  	[spmem:s11] =	stream.linear.scatter [tilespmem:s25], [sflag:$0x9], $0x3200, $0x38;
	[tilespmem:$0x1F240] =	vst v63  }
0xf6: {  	_ =	swait.ge [sflag:s26], $0x3200  }
0xf7: {  	[sflag:s26] =	ssyncset.done $0x0  }
0xf8: {  	s12 =	rddreg [dreg:$0x9];
	[sflag:s26] =	ssyncadd.s32 $0xFFFFCE00  }
0xf9: {  	[spmem:s12] =	stream.linear.scatter [tilespmem:s25], [sflag:$0x9], $0x3200, $0x38;
	[tilespmem:$0x1F240] =	vst v63  }
0xfa: {  	_ =	swait.ge [sflag:s26], $0x3200  }
0xfb: {  	[sflag:s26] =	ssyncset.done $0x0  }
0xfc: {  	s13 =	rddreg [dreg:$0xa];
	[sflag:s26] =	ssyncadd.s32 $0xFFFFCE00  }
0xfd: {  	[spmem:s13] =	stream.linear.scatter [tilespmem:s25], [sflag:$0x9], $0x2A00, $0x38;
	[tilespmem:$0x1F240] =	vst v63  }
0xfe: {  	_ =	swait.ge [sflag:s26], $0x2A00  }
0xff: {  	[sflag:s26] =	ssyncset.done $0x0  }
0x100: {  	[sflag:s26] =	ssyncadd.s32 $0xFFFFD600  }
0x101: {  	s15 =	simm.s32 $0x0;
	[bflag:$0x0] =	sbarrier.arrive $0xFFFF  }
0x102: {  	[tilespmem:s15], [sflag:$0x1] =	stream.linear.gather [hbm4b:s14+s15], $0x190, $0x38;
	[tilespmem:$0x1F240] =	vst v63  }
0x103: {  	_ = 	snop  }
0x104: {  	[tilespmem:s28], [sflag:$0x3] =	stream.linear.gather [hbm4b:s16+s15], $0x190, $0x38;
	[tilespmem:$0x1F240] =	vst v63  }
0x105: {  	_ =	swait.ge [sflag:s29], $0x190  }
0x106: {  	[sflag:s29] =	ssyncset.done $0x0  }
0x107: {  	[sflag:s29] =	ssyncadd.s32 $0xFFFFFE70  }
0x108: {  	_ =	swait.ge [sflag:s30], $0x190  }
0x109: {  	[sflag:s30] =	ssyncset.done $0x0  }
0x10a: {  	s10 =	simm.s32 $0x0;
	s11 =	simm.s32 $0x40;
	[sflag:s30] =	ssyncadd.s32 $0xFFFFFE70  }
.LBB2_36:
0x10b: {  	p1 =	sne.s32 s11, $0x600;
	v2 =	vld [tilespmem:s10+$0x0];
	_ =	sdelay $0x2  }
.Ltmp11:
0x10c: {  	(pc) =	sbr.rel @p1 .LBB2_36-.Ltmp11, $4  }
0x10d: {  	_ = 	snop  }
0x10e: {  	v2 =	vshll.u32 v2, $0x2  }
0x10f: {  	v2 =	vor.u32 $0x3, v2  }
0x110: {  	[tilespmem:s10+$0x0] =	vst v2;
	s10 =	sshra.s32 s11, $0x2;
	s11 =	sadd.s32 $0x40, s11  }
0x111: {  	v2 =	vld [tilespmem:s10+$0x0];
	_ =	sdelay $0x4  }
0x112: {  	v2 =	vshll.u32 v2, $0x2  }
0x113: {  	v2 =	vor.u32 $0x3, v2  }
0x114: {  	[tilespmem:s10+$0x0] =	vst v2;
	s10 =	simm.s32 $0x0  }
0x115: {  	[tilespmem:s25], [sflag:$0x5] =	stream.indirect.gather [hbm4b:s5+s31], $0x20, s10, s31, $0xb8;
	[tilespmem:$0x1F240] =	vst v63  }
0x116: {  	s11 =	simm.s32 $0x0  }
0x117: {  	[spmem:s2] =	stream.indirect.scatter.add.f32 [tilespmem:s19], [sflag:$0x8], $0x20, s0, s31, $0xb8;
	[tilespmem:$0x1F240] =	vst v63  }
.LBB2_38:
0x118: {  	s12 =	smul.u32 $0x320, s11;
	_ =	sdelay $0x1  }
0x119: {  	_ =	swait.ge [sflag:s21], $0x3200;
	s13 =	sadd.s32 s12, s17  }
0x11a: {  	[sflag:s21] =	ssyncset.done $0x0;
	s13 =	sshrl.u32 s13, $0x3  }
0x11b: {  	[sflag:s21] =	ssyncadd.s32 $0xFFFFCE00;
	s13 =	sadd.s32 s4, s13  }
0x11c: {  	[tilespmem:s31], [sflag:$0x2] =	stream.linear.gather [hbm4b:s13+s10], $0x190, $0x38;
	[tilespmem:$0x1F240] =	vst v63  }
0x11d: {  	s13 =	sadd.s32 $0x186A0, s13  }
0x11e: {  	[tilespmem:s0], [sflag:$0x4] =	stream.linear.gather [hbm4b:s13+s10], $0x190, $0x38;
	[tilespmem:$0x1F240] =	vst v63  }
0x11f: {  	_ =	swait.ge [sflag:s20], $0x3200  }
0x120: {  	[sflag:s20] =	ssyncset.done $0x0  }
0x121: {  	[sflag:s20] =	ssyncadd.s32 $0xFFFFCE00  }
0x122: {  	[spmem:s2] =	stream.indirect.scatter.add.f32 [tilespmem:s25], [sflag:$0x7], $0x20, s28, s31, $0xb8;
	[tilespmem:$0x1F240] =	vst v63  }
0x123: {  	_ =	swait.ge [sflag:s22], $0x190  }
0x124: {  	[sflag:s22] =	ssyncset.done $0x0  }
0x125: {  	[sflag:s22] =	ssyncadd.s32 $0xFFFFFE70  }
0x126: {  	_ =	swait.ge [sflag:s1], $0x190  }
0x127: {  	[sflag:s1] =	ssyncset.done $0x0  }
0x128: {  	s15 =	simm.s32 $0x40;
	s13 =	simm.s32 $0x0;
	[sflag:s1] =	ssyncadd.s32 $0xFFFFFE70  }
.LBB2_39:
0x129: {  	p1 =	sne.s32 s15, $0x600;
	v2 =	vld [tilespmem:s13+$0x190];
	_ =	sdelay $0x2  }
.Ltmp12:
0x12a: {  	(pc) =	sbr.rel @p1 .LBB2_39-.Ltmp12, $4  }
0x12b: {  	_ = 	snop  }
0x12c: {  	v2 =	vshll.u32 v2, $0x2  }
0x12d: {  	v2 =	vor.u32 $0x3, v2  }
0x12e: {  	[tilespmem:s13+$0x190] =	vst v2;
	s13 =	sshra.s32 s15, $0x2;
	s15 =	sadd.s32 $0x40, s15  }
0x12f: {  	v2 =	vld [tilespmem:s13+$0x190];
	_ =	sdelay $0x4  }
0x130: {  	v2 =	vshll.u32 v2, $0x2  }
0x131: {  	v2 =	vor.u32 $0x3, v2  }
0x132: {  	[tilespmem:s13+$0x190] =	vst v2  }
0x133: {  	[tilespmem:s19], [sflag:$0x6] =	stream.indirect.gather [hbm4b:s5+s31], $0x20, s31, s31, $0xb8;
	[tilespmem:$0x1F240] =	vst v63  }
0x134: {  	s12 =	sadd.s32 s12, s18;
	_ =	swait.ge [sflag:s23], $0x3200  }
0x135: {  	s12 =	sshrl.u32 s12, $0x3;
	[sflag:s23] =	ssyncset.done $0x0  }
0x136: {  	s15 =	simm.s32 $0x0;
	s12 =	sadd.s32 s4, s12;
	[sflag:s23] =	ssyncadd.s32 $0xFFFFCE00  }
0x137: {  	[tilespmem:s15], [sflag:$0x1] =	stream.linear.gather [hbm4b:s12+s15], $0x190, $0x38;
	[tilespmem:$0x1F240] =	vst v63  }
0x138: {  	s12 =	sadd.s32 $0x186A0, s12  }
0x139: {  	[tilespmem:s28], [sflag:$0x3] =	stream.linear.gather [hbm4b:s12+s15], $0x190, $0x38;
	[tilespmem:$0x1F240] =	vst v63  }
0x13a: {  	_ =	swait.ge [sflag:s6], $0x3200  }
0x13b: {  	[sflag:s6] =	ssyncset.done $0x0  }
0x13c: {  	[sflag:s6] =	ssyncadd.s32 $0xFFFFCE00  }
0x13d: {  	[spmem:s2] =	stream.indirect.scatter.add.f32 [tilespmem:s19], [sflag:$0x8], $0x20, s0, s31, $0xb8;
	[tilespmem:$0x1F240] =	vst v63  }
0x13e: {  	_ =	swait.ge [sflag:s29], $0x190  }
0x13f: {  	[sflag:s29] =	ssyncset.done $0x0  }
0x140: {  	[sflag:s29] =	ssyncadd.s32 $0xFFFFFE70  }
0x141: {  	_ =	swait.ge [sflag:s30], $0x190  }
0x142: {  	[sflag:s30] =	ssyncset.done $0x0  }
0x143: {  	s13 =	simm.s32 $0x40;
	s12 =	simm.s32 $0x0;
	[sflag:s30] =	ssyncadd.s32 $0xFFFFFE70  }
.LBB2_41:
0x144: {  	p1 =	sne.s32 s13, $0x600;
	v2 =	vld [tilespmem:s12+$0x0];
	_ =	sdelay $0x2  }
.Ltmp13:
0x145: {  	(pc) =	sbr.rel @p1 .LBB2_41-.Ltmp13, $4  }
0x146: {  	_ = 	snop  }
0x147: {  	v2 =	vshll.u32 v2, $0x2  }
0x148: {  	v2 =	vor.u32 $0x3, v2  }
0x149: {  	[tilespmem:s12+$0x0] =	vst v2;
	s12 =	sshra.s32 s13, $0x2;
	s13 =	sadd.s32 $0x40, s13  }
0x14a: {  	v2 =	vld [tilespmem:s12+$0x0];
	_ =	sdelay $0x1  }
0x14b: {  	s11 =	sadd.s32 $0x1, s11  }
0x14c: {  	p1 =	sne.s32 s11, $0x3E  }
.Ltmp14:
0x14d: {  	_ = 	snop;
	(pc) =	sbr.rel @p1 .LBB2_38-.Ltmp14, $4  }
0x14e: {  	v2 =	vshll.u32 v2, $0x2  }
0x14f: {  	v2 =	vor.u32 $0x3, v2  }
0x150: {  	[tilespmem:s12+$0x0] =	vst v2  }
0x151: {  	[tilespmem:s25], [sflag:$0x5] =	stream.indirect.gather [hbm4b:s5+s31], $0x20, s3, s31, $0xb8;
	[tilespmem:$0x1F240] =	vst v63  }
.Ltmp15:
0x152: {  	(pc) =	sbr.rel .LBB2_44-.Ltmp15, $2  }
0x153: {  	_ =	sdelay $0x2  }
0x154: {  	s10 =	rddreg [dreg:$0xe]  }
.LBB2_2:
0x155: {  	p1 =	sne.s32 s9, $0xC780  }
.Ltmp16:
0x156: {  	_ = 	snop;
	(pc) =	sbr.rel @p1 .LBB2_2-.Ltmp16, $4  }
0x157: {  	_ = 	snop  }
0x158: {  	s10 =	sshra.s32 s9, $0x2  }
0x159: {  	[tilespmem:s10+$0x640] =	vst v1  }
0x15a: {  	s9 =	sadd.s32 $0x80, s9;
	[tilespmem:s10+$0x650] =	vst v1  }
0x15b: {  	s9 =	simm.s32 $0x80;
	s10 =	simm.s32 $0x0  }
.LBB2_4:
0x15c: {  	p1 =	sne.s32 s9, $0xC780;
	[tilespmem:s10+$0x3840] =	vst v1;
	s11 =	smov.u32 s9;
	s9 =	sadd.s32 $0x80, s9  }
.Ltmp17:
0x15d: {  	[tilespmem:s10+$0x3850] =	vst v1;
	(pc) =	sbr.rel @p1 .LBB2_4-.Ltmp17, $2  }
0x15e: {  	_ =	sdelay $0x2  }
0x15f: {  	s10 =	sshra.s32 s11, $0x2  }
0x160: {  	[tilespmem:s10+$0x3840] =	vst v1  }
0x161: {  	[tilespmem:s10+$0x3850] =	vst v1  }
0x162: {  	[spmem:s7] =	stream.linear.scatter [tilespmem:s25], [sflag:$0x9], $0x3200, $0x38;
	[tilespmem:$0x1F240] =	vst v63  }
0x163: {  	_ =	swait.ge [sflag:s26], $0x3200  }
0x164: {  	[sflag:s26] =	ssyncset.done $0x0  }
0x165: {  	[sflag:s26] =	ssyncadd.s32 $0xFFFFCE00  }
0x166: {  	[spmem:s15] =	stream.linear.scatter [tilespmem:s25], [sflag:$0x9], $0x3200, $0x38;
	[tilespmem:$0x1F240] =	vst v63  }
0x167: {  	_ =	swait.ge [sflag:s26], $0x3200  }
0x168: {  	[sflag:s26] =	ssyncset.done $0x0  }
0x169: {  	s9 =	rddreg [dreg:$0x5];
	[sflag:s26] =	ssyncadd.s32 $0xFFFFCE00  }
0x16a: {  	[spmem:s9] =	stream.linear.scatter [tilespmem:s25], [sflag:$0x9], $0x3200, $0x38;
	[tilespmem:$0x1F240] =	vst v63  }
0x16b: {  	_ =	swait.ge [sflag:s26], $0x3200  }
0x16c: {  	[sflag:s26] =	ssyncset.done $0x0  }
0x16d: {  	s13 =	rddreg [dreg:$0x6];
	[sflag:s26] =	ssyncadd.s32 $0xFFFFCE00  }
0x16e: {  	[spmem:s13] =	stream.linear.scatter [tilespmem:s25], [sflag:$0x9], $0x3200, $0x38;
	[tilespmem:$0x1F240] =	vst v63  }
0x16f: {  	_ =	swait.ge [sflag:s26], $0x3200  }
0x170: {  	[sflag:s26] =	ssyncset.done $0x0  }
0x171: {  	s10 =	rddreg [dreg:$0x7];
	[sflag:s26] =	ssyncadd.s32 $0xFFFFCE00  }
0x172: {  	[spmem:s10] =	stream.linear.scatter [tilespmem:s25], [sflag:$0x9], $0x3200, $0x38;
	[tilespmem:$0x1F240] =	vst v63  }
0x173: {  	_ =	swait.ge [sflag:s26], $0x3200  }
0x174: {  	[sflag:s26] =	ssyncset.done $0x0  }
0x175: {  	s11 =	rddreg [dreg:$0x8];
	[sflag:s26] =	ssyncadd.s32 $0xFFFFCE00  }
0x176: {  	[spmem:s11] =	stream.linear.scatter [tilespmem:s25], [sflag:$0x9], $0x3200, $0x38;
	[tilespmem:$0x1F240] =	vst v63  }
0x177: {  	_ =	swait.ge [sflag:s26], $0x3200  }
0x178: {  	[sflag:s26] =	ssyncset.done $0x0  }
0x179: {  	s12 =	rddreg [dreg:$0x9];
	[sflag:s26] =	ssyncadd.s32 $0xFFFFCE00  }
0x17a: {  	[spmem:s12] =	stream.linear.scatter [tilespmem:s25], [sflag:$0x9], $0x3200, $0x38;
	[tilespmem:$0x1F240] =	vst v63  }
0x17b: {  	_ =	swait.ge [sflag:s26], $0x3200  }
0x17c: {  	[sflag:s26] =	ssyncset.done $0x0  }
0x17d: {  	s13 =	rddreg [dreg:$0xa];
	[sflag:s26] =	ssyncadd.s32 $0xFFFFCE00  }
0x17e: {  	[spmem:s13] =	stream.linear.scatter [tilespmem:s25], [sflag:$0x9], $0x2A00, $0x38;
	[tilespmem:$0x1F240] =	vst v63  }
0x17f: {  	_ =	swait.ge [sflag:s26], $0x2A00  }
0x180: {  	[sflag:s26] =	ssyncset.done $0x0  }
0x181: {  	[sflag:s26] =	ssyncadd.s32 $0xFFFFD600  }
0x182: {  	[bflag:$0x0] =	sbarrier.arrive $0xFFFF  }
0x183: {  	[tilespmem:s3], [sflag:$0x1] =	stream.linear.gather [hbm4b:s14+s3], $0x190, $0x38;
	[tilespmem:$0x1F240] =	vst v63  }
0x184: {  	_ = 	snop  }
0x185: {  	[tilespmem:s28], [sflag:$0x3] =	stream.linear.gather [hbm4b:s16+s3], $0x190, $0x38;
	[tilespmem:$0x1F240] =	vst v63  }
0x186: {  	_ =	swait.ge [sflag:s29], $0x190  }
0x187: {  	[sflag:s29] =	ssyncset.done $0x0  }
0x188: {  	[sflag:s29] =	ssyncadd.s32 $0xFFFFFE70  }
0x189: {  	_ =	swait.ge [sflag:s30], $0x190  }
0x18a: {  	[sflag:s30] =	ssyncset.done $0x0  }
0x18b: {  	[sflag:s30] =	ssyncadd.s32 $0xFFFFFE70  }
0x18c: {  	v2 =	vld [tilespmem:$0x0]  }
0x18d: {  	v3 =	vld [tilespmem:$0x10]  }
0x18e: {  	v4 =	vld [tilespmem:$0x20]  }
0x18f: {  	v5 =	vld [tilespmem:$0x30]  }
0x190: {  	v6 =	vld [tilespmem:$0x40]  }
0x191: {  	v7 =	vld [tilespmem:$0x50];
	v2 =	vshll.u32 v2, $0x2  }
0x192: {  	[tilespmem:$0x0] =	vst v2;
	v2 =	vshll.u32 v3, $0x2;
	v3 =	vld [tilespmem:$0x60]  }
0x193: {  	v49 =	vld [tilespmem:$0x70];
	[tilespmem:$0x10] =	vst v2;
	v2 =	vshll.u32 v4, $0x2  }
0x194: {  	v50 =	vld [tilespmem:$0x80];
	[tilespmem:$0x20] =	vst v2;
	v2 =	vshll.u32 v5, $0x2  }
0x195: {  	v51 =	vld [tilespmem:$0x90];
	[tilespmem:$0x30] =	vst v2;
	v2 =	vshll.u32 v6, $0x2  }
0x196: {  	v52 =	vld [tilespmem:$0xA0];
	[tilespmem:$0x40] =	vst v2;
	v2 =	vshll.u32 v7, $0x2  }
0x197: {  	[tilespmem:$0x50] =	vst v2;
	v2 =	vshll.u32 v3, $0x2;
	v3 =	vld [tilespmem:$0xB0]  }
0x198: {  	v53 =	vld [tilespmem:$0xC0];
	[tilespmem:$0x60] =	vst v2;
	v2 =	vshll.u32 v49, $0x2  }
0x199: {  	v54 =	vld [tilespmem:$0xD0];
	[tilespmem:$0x70] =	vst v2;
	v2 =	vshll.u32 v50, $0x2  }
0x19a: {  	v55 =	vld [tilespmem:$0xE0];
	[tilespmem:$0x80] =	vst v2;
	v2 =	vshll.u32 v51, $0x2  }
0x19b: {  	v56 =	vld [tilespmem:$0xF0];
	[tilespmem:$0x90] =	vst v2;
	v2 =	vshll.u32 v52, $0x2  }
0x19c: {  	[tilespmem:$0xA0] =	vst v2;
	v2 =	vshll.u32 v3, $0x2;
	v3 =	vld [tilespmem:$0x100]  }
0x19d: {  	v57 =	vld [tilespmem:$0x110];
	[tilespmem:$0xB0] =	vst v2;
	v2 =	vshll.u32 v53, $0x2  }
0x19e: {  	v58 =	vld [tilespmem:$0x120];
	[tilespmem:$0xC0] =	vst v2;
	v2 =	vshll.u32 v54, $0x2  }
0x19f: {  	v59 =	vld [tilespmem:$0x130];
	[tilespmem:$0xD0] =	vst v2;
	v2 =	vshll.u32 v55, $0x2  }
0x1a0: {  	v60 =	vld [tilespmem:$0x140];
	[tilespmem:$0xE0] =	vst v2;
	v2 =	vshll.u32 v56, $0x2  }
0x1a1: {  	[tilespmem:$0xF0] =	vst v2;
	v2 =	vshll.u32 v3, $0x2;
	v3 =	vld [tilespmem:$0x150]  }
0x1a2: {  	v61 =	vld [tilespmem:$0x160];
	[tilespmem:$0x100] =	vst v2;
	v2 =	vshll.u32 v57, $0x2  }
0x1a3: {  	v62 =	vld [tilespmem:$0x170];
	[tilespmem:$0x110] =	vst v2;
	v2 =	vshll.u32 v58, $0x2  }
0x1a4: {  	v63 =	vld [tilespmem:$0x180];
	[tilespmem:$0x120] =	vst v2;
	v2 =	vshll.u32 v59, $0x2  }
0x1a5: {  	[tilespmem:$0x130] =	vst v2;
	v2 =	vshll.u32 v60, $0x2  }
0x1a6: {  	[tilespmem:$0x140] =	vst v2;
	v2 =	vshll.u32 v3, $0x2  }
0x1a7: {  	[tilespmem:$0x150] =	vst v2;
	v2 =	vshll.u32 v61, $0x2  }
0x1a8: {  	[tilespmem:$0x160] =	vst v2;
	v2 =	vshll.u32 v62, $0x2  }
0x1a9: {  	[tilespmem:$0x170] =	vst v2;
	v2 =	vshll.u32 v63, $0x2  }
0x1aa: {  	[tilespmem:$0x180] =	vst v2  }
0x1ab: {  	[tilespmem:s25], [sflag:$0x5] =	stream.indirect.gather [hbm4b:s5+s31], $0x20, s3, s31, $0xb8;
	[tilespmem:$0x1F240] =	vst v63  }
0x1ac: {  	s9 =	simm.s32 $0xFFFFE7C8  }
0x1ad: {  	[spmem:s2] =	stream.indirect.scatter.add.f32 [tilespmem:s19], [sflag:$0x8], $0x20, s0, s31, $0xb8;
	[tilespmem:$0x1F240] =	vst v63  }
.LBB2_6:
0x1ae: {  	_ =	swait.ge [sflag:s21], $0x3200  }
0x1af: {  	s10 =	sadd.s32 s9, s24;
	[sflag:s21] =	ssyncset.done $0x0  }
0x1b0: {  	s11 =	sadd.s32 $0x186A, s10;
	[sflag:s21] =	ssyncadd.s32 $0xFFFFCE00  }
0x1b1: {  	[tilespmem:s31], [sflag:$0x2] =	stream.linear.gather [hbm4b:s11+s3], $0x190, $0x38;
	[tilespmem:$0x1F240] =	vst v63  }
0x1b2: {  	s12 =	sadd.s32 $0x19F0A, s10  }
0x1b3: {  	[tilespmem:s0], [sflag:$0x4] =	stream.linear.gather [hbm4b:s12+s3], $0x190, $0x38;
	[tilespmem:$0x1F240] =	vst v63  }
0x1b4: {  	_ =	swait.ge [sflag:s20], $0x3200  }
0x1b5: {  	[sflag:s20] =	ssyncset.done $0x0  }
0x1b6: {  	[sflag:s20] =	ssyncadd.s32 $0xFFFFCE00  }
0x1b7: {  	[spmem:s2] =	stream.indirect.scatter.add.f32 [tilespmem:s25], [sflag:$0x7], $0x20, s28, s31, $0xb8;
	[tilespmem:$0x1F240] =	vst v63  }
0x1b8: {  	_ =	swait.ge [sflag:s22], $0x190  }
0x1b9: {  	[sflag:s22] =	ssyncset.done $0x0  }
0x1ba: {  	[sflag:s22] =	ssyncadd.s32 $0xFFFFFE70  }
0x1bb: {  	_ =	swait.ge [sflag:s1], $0x190  }
0x1bc: {  	[sflag:s1] =	ssyncset.done $0x0  }
0x1bd: {  	[sflag:s1] =	ssyncadd.s32 $0xFFFFFE70  }
0x1be: {  	v2 =	vld [tilespmem:$0x190]  }
0x1bf: {  	v3 =	vld [tilespmem:$0x1A0]  }
0x1c0: {  	v4 =	vld [tilespmem:$0x1B0]  }
0x1c1: {  	v5 =	vld [tilespmem:$0x1C0]  }
0x1c2: {  	v6 =	vld [tilespmem:$0x1D0]  }
0x1c3: {  	v7 =	vld [tilespmem:$0x1E0];
	v2 =	vshll.u32 v2, $0x2  }
0x1c4: {  	[tilespmem:$0x190] =	vst v2;
	v2 =	vshll.u32 v3, $0x2;
	v3 =	vld [tilespmem:$0x1F0]  }
0x1c5: {  	v30 =	vld [tilespmem:$0x200];
	[tilespmem:$0x1A0] =	vst v2;
	v2 =	vshll.u32 v4, $0x2  }
0x1c6: {  	v31 =	vld [tilespmem:$0x210];
	[tilespmem:$0x1B0] =	vst v2;
	v2 =	vshll.u32 v5, $0x2  }
0x1c7: {  	v32 =	vld [tilespmem:$0x220];
	[tilespmem:$0x1C0] =	vst v2;
	v2 =	vshll.u32 v6, $0x2  }
0x1c8: {  	v33 =	vld [tilespmem:$0x230];
	[tilespmem:$0x1D0] =	vst v2;
	v2 =	vshll.u32 v7, $0x2  }
0x1c9: {  	[tilespmem:$0x1E0] =	vst v2;
	v2 =	vshll.u32 v3, $0x2;
	v3 =	vld [tilespmem:$0x240]  }
0x1ca: {  	v34 =	vld [tilespmem:$0x250];
	[tilespmem:$0x1F0] =	vst v2;
	v2 =	vshll.u32 v30, $0x2  }
0x1cb: {  	v35 =	vld [tilespmem:$0x260];
	[tilespmem:$0x200] =	vst v2;
	v2 =	vshll.u32 v31, $0x2  }
0x1cc: {  	v36 =	vld [tilespmem:$0x270];
	[tilespmem:$0x210] =	vst v2;
	v2 =	vshll.u32 v32, $0x2  }
0x1cd: {  	v37 =	vld [tilespmem:$0x280];
	[tilespmem:$0x220] =	vst v2;
	v2 =	vshll.u32 v33, $0x2  }
0x1ce: {  	[tilespmem:$0x230] =	vst v2;
	v2 =	vshll.u32 v3, $0x2;
	v3 =	vld [tilespmem:$0x290]  }
0x1cf: {  	v38 =	vld [tilespmem:$0x2A0];
	[tilespmem:$0x240] =	vst v2;
	v2 =	vshll.u32 v34, $0x2  }
0x1d0: {  	v39 =	vld [tilespmem:$0x2B0];
	[tilespmem:$0x250] =	vst v2;
	v2 =	vshll.u32 v35, $0x2  }
0x1d1: {  	v40 =	vld [tilespmem:$0x2C0];
	[tilespmem:$0x260] =	vst v2;
	v2 =	vshll.u32 v36, $0x2  }
0x1d2: {  	v41 =	vld [tilespmem:$0x2D0];
	[tilespmem:$0x270] =	vst v2;
	v2 =	vshll.u32 v37, $0x2  }
0x1d3: {  	[tilespmem:$0x280] =	vst v2;
	v2 =	vshll.u32 v3, $0x2;
	v3 =	vld [tilespmem:$0x2E0]  }
0x1d4: {  	v42 =	vld [tilespmem:$0x2F0];
	[tilespmem:$0x290] =	vst v2;
	v2 =	vshll.u32 v38, $0x2  }
0x1d5: {  	v43 =	vld [tilespmem:$0x300];
	[tilespmem:$0x2A0] =	vst v2;
	v2 =	vshll.u32 v39, $0x2  }
0x1d6: {  	v44 =	vld [tilespmem:$0x310];
	[tilespmem:$0x2B0] =	vst v2;
	v2 =	vshll.u32 v40, $0x2  }
0x1d7: {  	[tilespmem:$0x2C0] =	vst v2;
	v2 =	vshll.u32 v41, $0x2  }
0x1d8: {  	[tilespmem:$0x2D0] =	vst v2;
	v2 =	vshll.u32 v3, $0x2  }
0x1d9: {  	[tilespmem:$0x2E0] =	vst v2;
	v2 =	vshll.u32 v42, $0x2  }
0x1da: {  	[tilespmem:$0x2F0] =	vst v2;
	v2 =	vshll.u32 v43, $0x2  }
0x1db: {  	[tilespmem:$0x300] =	vst v2;
	v2 =	vshll.u32 v44, $0x2  }
0x1dc: {  	[tilespmem:$0x310] =	vst v2  }
0x1dd: {  	[tilespmem:s19], [sflag:$0x6] =	stream.indirect.gather [hbm4b:s5+s31], $0x20, s31, s31, $0xb8;
	[tilespmem:$0x1F240] =	vst v63  }
0x1de: {  	_ =	swait.ge [sflag:s23], $0x3200  }
0x1df: {  	[sflag:s23] =	ssyncset.done $0x0  }
0x1e0: {  	s13 =	sadd.s32 $0x189C, s10;
	[sflag:s23] =	ssyncadd.s32 $0xFFFFCE00  }
0x1e1: {  	[tilespmem:s3], [sflag:$0x1] =	stream.linear.gather [hbm4b:s13+s3], $0x190, $0x38;
	[tilespmem:$0x1F240] =	vst v63  }
0x1e2: {  	s10 =	sadd.s32 $0x19F3C, s10  }
0x1e3: {  	[tilespmem:s28], [sflag:$0x3] =	stream.linear.gather [hbm4b:s10+s3], $0x190, $0x38;
	[tilespmem:$0x1F240] =	vst v63  }
0x1e4: {  	_ =	swait.ge [sflag:s6], $0x3200  }
0x1e5: {  	[sflag:s6] =	ssyncset.done $0x0  }
0x1e6: {  	[sflag:s6] =	ssyncadd.s32 $0xFFFFCE00  }
0x1e7: {  	[spmem:s2] =	stream.indirect.scatter.add.f32 [tilespmem:s19], [sflag:$0x8], $0x20, s0, s31, $0xb8;
	[tilespmem:$0x1F240] =	vst v63  }
0x1e8: {  	_ =	swait.ge [sflag:s29], $0x190  }
0x1e9: {  	[sflag:s29] =	ssyncset.done $0x0  }
0x1ea: {  	[sflag:s29] =	ssyncadd.s32 $0xFFFFFE70  }
0x1eb: {  	_ =	swait.ge [sflag:s30], $0x190  }
0x1ec: {  	[sflag:s30] =	ssyncset.done $0x0  }
0x1ed: {  	[sflag:s30] =	ssyncadd.s32 $0xFFFFFE70  }
0x1ee: {  	v2 =	vld [tilespmem:$0x0]  }
0x1ef: {  	v3 =	vld [tilespmem:$0x10]  }
0x1f0: {  	v45 =	vld [tilespmem:$0x20]  }
0x1f1: {  	v46 =	vld [tilespmem:$0x30]  }
0x1f2: {  	v47 =	vld [tilespmem:$0x40]  }
0x1f3: {  	v48 =	vld [tilespmem:$0x50];
	v2 =	vshll.u32 v2, $0x2  }
0x1f4: {  	[tilespmem:$0x0] =	vst v2;
	v2 =	vshll.u32 v3, $0x2;
	v3 =	vld [tilespmem:$0x60]  }
0x1f5: {  	v49 =	vld [tilespmem:$0x70];
	[tilespmem:$0x10] =	vst v2;
	v2 =	vshll.u32 v45, $0x2  }
0x1f6: {  	v50 =	vld [tilespmem:$0x80];
	[tilespmem:$0x20] =	vst v2;
	v2 =	vshll.u32 v46, $0x2  }
0x1f7: {  	v51 =	vld [tilespmem:$0x90];
	[tilespmem:$0x30] =	vst v2;
	v2 =	vshll.u32 v47, $0x2  }
0x1f8: {  	v52 =	vld [tilespmem:$0xA0];
	[tilespmem:$0x40] =	vst v2;
	v2 =	vshll.u32 v48, $0x2  }
0x1f9: {  	[tilespmem:$0x50] =	vst v2;
	v2 =	vshll.u32 v3, $0x2;
	v3 =	vld [tilespmem:$0xB0]  }
0x1fa: {  	v53 =	vld [tilespmem:$0xC0];
	[tilespmem:$0x60] =	vst v2;
	v2 =	vshll.u32 v49, $0x2  }
0x1fb: {  	v54 =	vld [tilespmem:$0xD0];
	[tilespmem:$0x70] =	vst v2;
	v2 =	vshll.u32 v50, $0x2  }
0x1fc: {  	v55 =	vld [tilespmem:$0xE0];
	[tilespmem:$0x80] =	vst v2;
	v2 =	vshll.u32 v51, $0x2  }
0x1fd: {  	v56 =	vld [tilespmem:$0xF0];
	[tilespmem:$0x90] =	vst v2;
	v2 =	vshll.u32 v52, $0x2  }
0x1fe: {  	[tilespmem:$0xA0] =	vst v2;
	v2 =	vshll.u32 v3, $0x2;
	v3 =	vld [tilespmem:$0x100]  }
0x1ff: {  	v57 =	vld [tilespmem:$0x110];
	[tilespmem:$0xB0] =	vst v2;
	v2 =	vshll.u32 v53, $0x2  }
0x200: {  	v58 =	vld [tilespmem:$0x120];
	[tilespmem:$0xC0] =	vst v2;
	v2 =	vshll.u32 v54, $0x2  }
0x201: {  	v59 =	vld [tilespmem:$0x130];
	[tilespmem:$0xD0] =	vst v2;
	v2 =	vshll.u32 v55, $0x2  }
0x202: {  	v60 =	vld [tilespmem:$0x140];
	[tilespmem:$0xE0] =	vst v2;
	v2 =	vshll.u32 v56, $0x2  }
0x203: {  	[tilespmem:$0xF0] =	vst v2;
	v2 =	vshll.u32 v3, $0x2;
	v3 =	vld [tilespmem:$0x150]  }
0x204: {  	v61 =	vld [tilespmem:$0x160];
	[tilespmem:$0x100] =	vst v2;
	v2 =	vshll.u32 v57, $0x2  }
0x205: {  	v62 =	vld [tilespmem:$0x170];
	[tilespmem:$0x110] =	vst v2;
	v2 =	vshll.u32 v58, $0x2  }
0x206: {  	v63 =	vld [tilespmem:$0x180];
	[tilespmem:$0x120] =	vst v2;
	v2 =	vshll.u32 v59, $0x2  }
0x207: {  	[tilespmem:$0x130] =	vst v2;
	v2 =	vshll.u32 v60, $0x2  }
0x208: {  	p1 =	sne.s32 s9, $0xFFFFFF9C;
	[tilespmem:$0x140] =	vst v2;
	v2 =	vshll.u32 v3, $0x2  }
.Ltmp18:
0x209: {  	[tilespmem:$0x150] =	vst v2;
	v2 =	vshll.u32 v61, $0x2;
	(pc) =	sbr.rel @p1 .LBB2_6-.Ltmp18, $4  }
0x20a: {  	[tilespmem:$0x160] =	vst v2;
	v2 =	vshll.u32 v62, $0x2  }
0x20b: {  	[tilespmem:$0x170] =	vst v2;
	v2 =	vshll.u32 v63, $0x2  }
0x20c: {  	s9 =	sadd.s32 $0x64, s9;
	[tilespmem:$0x180] =	vst v2  }
0x20d: {  	[tilespmem:s25], [sflag:$0x5] =	stream.indirect.gather [hbm4b:s5+s31], $0x20, s3, s31, $0xb8;
	[tilespmem:$0x1F240] =	vst v63  }
0x20e: {  	_ =	swait.ge [sflag:s21], $0x3200  }
0x20f: {  	[sflag:s21] =	ssyncset.done $0x0  }
0x210: {  	[sflag:s21] =	ssyncadd.s32 $0xFFFFCE00  }
0x211: {  	_ =	swait.ge [sflag:s20], $0x3200  }
0x212: {  	[sflag:s20] =	ssyncset.done $0x0  }
0x213: {  	[sflag:s20] =	ssyncadd.s32 $0xFFFFCE00  }
0x214: {  	[spmem:s2] =	stream.indirect.scatter.add.f32 [tilespmem:s25], [sflag:$0x7], $0x20, s28, s31, $0xb8;
	[tilespmem:$0x1F240] =	vst v63  }
0x215: {  	_ =	swait.ge [sflag:s23], $0x3200  }
0x216: {  	[sflag:s23] =	ssyncset.done $0x0  }
0x217: {  	s9 =	stileid.u32;
	[sflag:s23] =	ssyncadd.s32 $0xFFFFCE00  }
0x218: {  	s10 =	sshrl.u32 s7, $0x3;
	s9 =	sshll.u32 s9, $0x6;
	[bflag:$0x0] =	sbarrier.arrive $0xFFFF  }
0x219: {  	s12 =	simm.s32 $0x10;
	s9 =	sor.u32 $0x1C09, s9;
	s11 =	rddreg [dreg:$0xb]  }
0x21a: {  	[hbm:s11@s12], [sflag:s9] =	dma.strided [spmem:s10@s1], $0x3100, s29, $0x4   }
0x21b: {  	_ =	swait.ge [sflag:s26], $0x3100  }
0x21c: {  	[sflag:s26] =	ssyncset.done $0x0  }
0x21d: {  	[sflag:s26] =	ssyncadd.s32 $0xFFFFCF00  }
0x21e: {  	s10 =	simm.s32 $0x80;
	s11 =	simm.s32 $0x0;
	[bflag:$0x0] =	sbarrier.arrive $0xFFFF  }
.LBB2_8:
0x21f: {  	p1 =	sne.s32 s10, $0xC780;
	[tilespmem:s11+$0x640] =	vst v1;
	s12 =	smov.u32 s10;
	s10 =	sadd.s32 $0x80, s10  }
.Ltmp19:
0x220: {  	[tilespmem:s11+$0x650] =	vst v1;
	(pc) =	sbr.rel @p1 .LBB2_8-.Ltmp19, $2  }
0x221: {  	_ =	sdelay $0x2  }
0x222: {  	s11 =	sshra.s32 s12, $0x2  }
0x223: {  	[tilespmem:s11+$0x640] =	vst v1  }
0x224: {  	[tilespmem:s11+$0x650] =	vst v1;
	s10 =	simm.s32 $0x80;
	s11 =	simm.s32 $0x0  }
.LBB2_10:
0x225: {  	p1 =	sne.s32 s10, $0xC780;
	[tilespmem:s11+$0x3840] =	vst v1;
	s12 =	smov.u32 s10;
	s10 =	sadd.s32 $0x80, s10  }
.Ltmp20:
0x226: {  	[tilespmem:s11+$0x3850] =	vst v1;
	(pc) =	sbr.rel @p1 .LBB2_10-.Ltmp20, $2  }
0x227: {  	_ =	sdelay $0x2  }
0x228: {  	s11 =	sshra.s32 s12, $0x2  }
0x229: {  	[tilespmem:s11+$0x3840] =	vst v1  }
0x22a: {  	[tilespmem:s11+$0x3850] =	vst v1  }
0x22b: {  	[spmem:s7] =	stream.linear.scatter [tilespmem:s25], [sflag:$0x9], $0x3200, $0x38;
	[tilespmem:$0x1F240] =	vst v63  }
0x22c: {  	_ =	swait.ge [sflag:s26], $0x3200  }
0x22d: {  	[sflag:s26] =	ssyncset.done $0x0  }
0x22e: {  	[sflag:s26] =	ssyncadd.s32 $0xFFFFCE00  }
0x22f: {  	[spmem:s15] =	stream.linear.scatter [tilespmem:s25], [sflag:$0x9], $0x3200, $0x38;
	[tilespmem:$0x1F240] =	vst v63  }
0x230: {  	_ =	swait.ge [sflag:s26], $0x3200  }
0x231: {  	[sflag:s26] =	ssyncset.done $0x0  }
0x232: {  	s10 =	rddreg [dreg:$0x5];
	[sflag:s26] =	ssyncadd.s32 $0xFFFFCE00  }
0x233: {  	[spmem:s10] =	stream.linear.scatter [tilespmem:s25], [sflag:$0x9], $0x3200, $0x38;
	[tilespmem:$0x1F240] =	vst v63  }
0x234: {  	_ =	swait.ge [sflag:s26], $0x3200  }
0x235: {  	[sflag:s26] =	ssyncset.done $0x0  }
0x236: {  	s13 =	rddreg [dreg:$0x6];
	[sflag:s26] =	ssyncadd.s32 $0xFFFFCE00  }
0x237: {  	[spmem:s13] =	stream.linear.scatter [tilespmem:s25], [sflag:$0x9], $0x3200, $0x38;
	[tilespmem:$0x1F240] =	vst v63  }
0x238: {  	_ =	swait.ge [sflag:s26], $0x3200  }
0x239: {  	[sflag:s26] =	ssyncset.done $0x0  }
0x23a: {  	s15 =	rddreg [dreg:$0x7];
	[sflag:s26] =	ssyncadd.s32 $0xFFFFCE00  }
0x23b: {  	[spmem:s15] =	stream.linear.scatter [tilespmem:s25], [sflag:$0x9], $0x3200, $0x38;
	[tilespmem:$0x1F240] =	vst v63  }
0x23c: {  	_ =	swait.ge [sflag:s26], $0x3200  }
0x23d: {  	[sflag:s26] =	ssyncset.done $0x0  }
0x23e: {  	s11 =	rddreg [dreg:$0x8];
	[sflag:s26] =	ssyncadd.s32 $0xFFFFCE00  }
0x23f: {  	[spmem:s11] =	stream.linear.scatter [tilespmem:s25], [sflag:$0x9], $0x3200, $0x38;
	[tilespmem:$0x1F240] =	vst v63  }
0x240: {  	_ =	swait.ge [sflag:s26], $0x3200  }
0x241: {  	[sflag:s26] =	ssyncset.done $0x0  }
0x242: {  	s12 =	rddreg [dreg:$0x9];
	[sflag:s26] =	ssyncadd.s32 $0xFFFFCE00  }
0x243: {  	[spmem:s12] =	stream.linear.scatter [tilespmem:s25], [sflag:$0x9], $0x3200, $0x38;
	[tilespmem:$0x1F240] =	vst v63  }
0x244: {  	_ =	swait.ge [sflag:s26], $0x3200  }
0x245: {  	[sflag:s26] =	ssyncset.done $0x0  }
0x246: {  	s13 =	rddreg [dreg:$0xa];
	[sflag:s26] =	ssyncadd.s32 $0xFFFFCE00  }
0x247: {  	[spmem:s13] =	stream.linear.scatter [tilespmem:s25], [sflag:$0x9], $0x2A00, $0x38;
	[tilespmem:$0x1F240] =	vst v63  }
0x248: {  	_ =	swait.ge [sflag:s26], $0x2A00  }
0x249: {  	[sflag:s26] =	ssyncset.done $0x0  }
0x24a: {  	[sflag:s26] =	ssyncadd.s32 $0xFFFFD600  }
0x24b: {  	s15 =	simm.s32 $0x0;
	[bflag:$0x0] =	sbarrier.arrive $0xFFFF  }
0x24c: {  	[tilespmem:s15], [sflag:$0x1] =	stream.linear.gather [hbm4b:s14+s15], $0x190, $0x38;
	[tilespmem:$0x1F240] =	vst v63  }
0x24d: {  	_ = 	snop  }
0x24e: {  	[tilespmem:s28], [sflag:$0x3] =	stream.linear.gather [hbm4b:s16+s15], $0x190, $0x38;
	[tilespmem:$0x1F240] =	vst v63  }
0x24f: {  	_ =	swait.ge [sflag:s29], $0x190  }
0x250: {  	[sflag:s29] =	ssyncset.done $0x0  }
0x251: {  	[sflag:s29] =	ssyncadd.s32 $0xFFFFFE70  }
0x252: {  	_ =	swait.ge [sflag:s30], $0x190  }
0x253: {  	[sflag:s30] =	ssyncset.done $0x0  }
0x254: {  	s10 =	simm.s32 $0x0;
	s11 =	simm.s32 $0x40;
	[sflag:s30] =	ssyncadd.s32 $0xFFFFFE70  }
.LBB2_12:
0x255: {  	p1 =	sne.s32 s11, $0x600;
	v2 =	vld [tilespmem:s10+$0x0];
	_ =	sdelay $0x2  }
.Ltmp21:
0x256: {  	(pc) =	sbr.rel @p1 .LBB2_12-.Ltmp21, $4  }
0x257: {  	_ = 	snop  }
0x258: {  	v2 =	vshll.u32 v2, $0x2  }
0x259: {  	v2 =	vor.u32 $0x1, v2  }
0x25a: {  	[tilespmem:s10+$0x0] =	vst v2;
	s10 =	sshra.s32 s11, $0x2;
	s11 =	sadd.s32 $0x40, s11  }
0x25b: {  	v2 =	vld [tilespmem:s10+$0x0];
	_ =	sdelay $0x4  }
0x25c: {  	v2 =	vshll.u32 v2, $0x2  }
0x25d: {  	v2 =	vor.u32 $0x1, v2  }
0x25e: {  	[tilespmem:s10+$0x0] =	vst v2;
	s10 =	simm.s32 $0x0  }
0x25f: {  	[tilespmem:s25], [sflag:$0x5] =	stream.indirect.gather [hbm4b:s5+s31], $0x20, s10, s31, $0xb8;
	[tilespmem:$0x1F240] =	vst v63  }
0x260: {  	s11 =	simm.s32 $0x0  }
0x261: {  	[spmem:s2] =	stream.indirect.scatter.add.f32 [tilespmem:s19], [sflag:$0x8], $0x20, s0, s31, $0xb8;
	[tilespmem:$0x1F240] =	vst v63  }
.LBB2_14:
0x262: {  	s12 =	smul.u32 $0x320, s11;
	_ =	sdelay $0x1  }
0x263: {  	_ =	swait.ge [sflag:s21], $0x3200;
	s13 =	sadd.s32 s12, s17  }
0x264: {  	[sflag:s21] =	ssyncset.done $0x0;
	s13 =	sshrl.u32 s13, $0x3  }
0x265: {  	[sflag:s21] =	ssyncadd.s32 $0xFFFFCE00;
	s13 =	sadd.s32 s4, s13  }
0x266: {  	[tilespmem:s31], [sflag:$0x2] =	stream.linear.gather [hbm4b:s13+s10], $0x190, $0x38;
	[tilespmem:$0x1F240] =	vst v63  }
0x267: {  	s13 =	sadd.s32 $0x186A0, s13  }
0x268: {  	[tilespmem:s0], [sflag:$0x4] =	stream.linear.gather [hbm4b:s13+s10], $0x190, $0x38;
	[tilespmem:$0x1F240] =	vst v63  }
0x269: {  	_ =	swait.ge [sflag:s20], $0x3200  }
0x26a: {  	[sflag:s20] =	ssyncset.done $0x0  }
0x26b: {  	[sflag:s20] =	ssyncadd.s32 $0xFFFFCE00  }
0x26c: {  	[spmem:s2] =	stream.indirect.scatter.add.f32 [tilespmem:s25], [sflag:$0x7], $0x20, s28, s31, $0xb8;
	[tilespmem:$0x1F240] =	vst v63  }
0x26d: {  	_ =	swait.ge [sflag:s22], $0x190  }
0x26e: {  	[sflag:s22] =	ssyncset.done $0x0  }
0x26f: {  	[sflag:s22] =	ssyncadd.s32 $0xFFFFFE70  }
0x270: {  	_ =	swait.ge [sflag:s1], $0x190  }
0x271: {  	[sflag:s1] =	ssyncset.done $0x0  }
0x272: {  	s15 =	simm.s32 $0x40;
	s13 =	simm.s32 $0x0;
	[sflag:s1] =	ssyncadd.s32 $0xFFFFFE70  }
.LBB2_15:
0x273: {  	p1 =	sne.s32 s15, $0x600;
	v2 =	vld [tilespmem:s13+$0x190];
	_ =	sdelay $0x2  }
.Ltmp22:
0x274: {  	(pc) =	sbr.rel @p1 .LBB2_15-.Ltmp22, $4  }
0x275: {  	_ = 	snop  }
0x276: {  	v2 =	vshll.u32 v2, $0x2  }
0x277: {  	v2 =	vor.u32 $0x1, v2  }
0x278: {  	[tilespmem:s13+$0x190] =	vst v2;
	s13 =	sshra.s32 s15, $0x2;
	s15 =	sadd.s32 $0x40, s15  }
0x279: {  	v2 =	vld [tilespmem:s13+$0x190];
	_ =	sdelay $0x4  }
0x27a: {  	v2 =	vshll.u32 v2, $0x2  }
0x27b: {  	v2 =	vor.u32 $0x1, v2  }
0x27c: {  	[tilespmem:s13+$0x190] =	vst v2  }
0x27d: {  	[tilespmem:s19], [sflag:$0x6] =	stream.indirect.gather [hbm4b:s5+s31], $0x20, s31, s31, $0xb8;
	[tilespmem:$0x1F240] =	vst v63  }
0x27e: {  	s12 =	sadd.s32 s12, s18;
	_ =	swait.ge [sflag:s23], $0x3200  }
0x27f: {  	s12 =	sshrl.u32 s12, $0x3;
	[sflag:s23] =	ssyncset.done $0x0  }
0x280: {  	s15 =	simm.s32 $0x0;
	s12 =	sadd.s32 s4, s12;
	[sflag:s23] =	ssyncadd.s32 $0xFFFFCE00  }
0x281: {  	[tilespmem:s15], [sflag:$0x1] =	stream.linear.gather [hbm4b:s12+s15], $0x190, $0x38;
	[tilespmem:$0x1F240] =	vst v63  }
0x282: {  	s12 =	sadd.s32 $0x186A0, s12  }
0x283: {  	[tilespmem:s28], [sflag:$0x3] =	stream.linear.gather [hbm4b:s12+s15], $0x190, $0x38;
	[tilespmem:$0x1F240] =	vst v63  }
0x284: {  	_ =	swait.ge [sflag:s6], $0x3200  }
0x285: {  	[sflag:s6] =	ssyncset.done $0x0  }
0x286: {  	[sflag:s6] =	ssyncadd.s32 $0xFFFFCE00  }
0x287: {  	[spmem:s2] =	stream.indirect.scatter.add.f32 [tilespmem:s19], [sflag:$0x8], $0x20, s0, s31, $0xb8;
	[tilespmem:$0x1F240] =	vst v63  }
0x288: {  	_ =	swait.ge [sflag:s29], $0x190  }
0x289: {  	[sflag:s29] =	ssyncset.done $0x0  }
0x28a: {  	[sflag:s29] =	ssyncadd.s32 $0xFFFFFE70  }
0x28b: {  	_ =	swait.ge [sflag:s30], $0x190  }
0x28c: {  	[sflag:s30] =	ssyncset.done $0x0  }
0x28d: {  	s13 =	simm.s32 $0x40;
	s12 =	simm.s32 $0x0;
	[sflag:s30] =	ssyncadd.s32 $0xFFFFFE70  }
.LBB2_17:
0x28e: {  	p1 =	sne.s32 s13, $0x600;
	v2 =	vld [tilespmem:s12+$0x0];
	_ =	sdelay $0x2  }
.Ltmp23:
0x28f: {  	(pc) =	sbr.rel @p1 .LBB2_17-.Ltmp23, $4  }
0x290: {  	_ = 	snop  }
0x291: {  	v2 =	vshll.u32 v2, $0x2  }
0x292: {  	v2 =	vor.u32 $0x1, v2  }
0x293: {  	[tilespmem:s12+$0x0] =	vst v2;
	s12 =	sshra.s32 s13, $0x2;
	s13 =	sadd.s32 $0x40, s13  }
0x294: {  	v2 =	vld [tilespmem:s12+$0x0];
	_ =	sdelay $0x1  }
0x295: {  	s11 =	sadd.s32 $0x1, s11  }
0x296: {  	p1 =	seq.s32 s11, $0x3E  }
.Ltmp24:
0x297: {  	_ = 	snop;
	(pc) =	sbr.rel @!p1 .LBB2_14-.Ltmp24, $4  }
0x298: {  	v2 =	vshll.u32 v2, $0x2  }
0x299: {  	v2 =	vor.u32 $0x1, v2  }
0x29a: {  	[tilespmem:s12+$0x0] =	vst v2  }
0x29b: {  	[tilespmem:s25], [sflag:$0x5] =	stream.indirect.gather [hbm4b:s5+s31], $0x20, s3, s31, $0xb8;
	[tilespmem:$0x1F240] =	vst v63  }
.Ltmp25:
0x29c: {  	(pc) =	sbr.rel .LBB2_44-.Ltmp25, $2  }
0x29d: {  	_ =	sdelay $0x2  }
0x29e: {  	s10 =	rddreg [dreg:$0xc]  }
.LBB2_45:
0x29f: {  	_ =	sfence.sel $0x180000  }
0x2a0: {  	[bflag:$0x0] =	sbarrier.arrive $0xFFFF  }
0x2a1: {  	_ =	strace $0x90000047  }
0x2a2: {  	s0 =	stileid.u32;
	[bflag:$0x2] =	sbarrier.arrive $0xFFFF  }
0x2a3: {  	p0 =	sne.s32 s0, $0x0;
	s0 =	rddreg [dreg:$0x2]  }
0x2a4: {  	s0 =	sadd.s32 @!p0 $0x100000, s0  }
0x2a5: {  	[sflag:s0] =	ssyncadd.tile.s32 @!p0 $0x1;
	_ =	shalt  }
.Lfunc_end2:
_tile_overlayer_lowered:
.L_overlay_start_2:
0x2a6: {  	(tag) =	ssettag $0x2  }
0x2a7: {  	s0 =	rddreg [dreg:$0x0];
	s2 =	stileid.u32  }
0x2a8: {  	s1 =	rddreg [dreg:$0x1];
	p0 =	sne.s32 s2, $0x0  }
0x2a9: {  	s3 =	rddreg [dreg:$0x2];
	[bflag:$0x3] =	sbarrier.arrive $0xFFFF;
	s2 =	simm.s32 @!p0 $0x1C09  }
0x2aa: {  	[timem:s3], [sflag:s2] =	dma.local @!p0 [hbm:s0], s1  }
0x2ab: {  	s0 =	simm.s32 @!p0 $0x9  }
0x2ac: {  	_ =	swait.ge @!p0 [sflag:s0], s1  }
0x2ad: {  	s1 =	ssub.s32 @!p0 $0x0, s1;
	[sflag:s0] =	ssyncset.done @!p0 $0x0  }
0x2ae: {  	[sflag:s0] =	ssyncadd.s32 @!p0 s1  }
0x2af: {  	[bflag:$0x3] =	sbarrier.arrive $0xFFFF  }
0x2b0: {  	_ =	shalt  }

</sc_bundles>
